<compile_context>
chip_gen: v7x
topology: tpu7x:2x2x1
jax: 0.10.2.dev20260603
libtpu: 0.0.44.dev20260713+nightly
codegen_flags: <defaults>
</compile_context>

<pallas_src>
import functools

import jax
import jax.numpy as jnp
from jax import lax
from jax.experimental import pallas as pl
from jax.experimental.pallas import tpu as pltpu
from jax.experimental.pallas import tpu_sc as plsc

VOCAB_SIZE = 1_000_000
EMBED_DIM = 64
BATCH = 4096
SEQ_LEN = 200
MAX_WAVELENGTH = 10000.0

NUM_CORES = 2
NUM_SUBCORES = 16
NW = NUM_CORES * NUM_SUBCORES
TPW = BATCH * SEQ_LEN // NW
CHUNK = 128
NCHUNK = TPW // CHUNK
NBUF = 4
LANES = 16


def _pos_encoding():
    position = jnp.arange(SEQ_LEN, dtype=jnp.float32)
    min_freq = 1.0 / MAX_WAVELENGTH
    timescales = jnp.power(
        min_freq,
        (2.0 * (jnp.arange(EMBED_DIM, dtype=jnp.float32) // 2)) / float(EMBED_DIM),
    )
    angles = position[:, None] * timescales[None, :]
    cos_mask = jnp.asarray(jnp.arange(EMBED_DIM) % 2, dtype=jnp.float32)
    sin_mask = 1.0 - cos_mask
    return jnp.sin(angles) * sin_mask + jnp.cos(angles) * cos_mask


_mesh = plsc.VectorSubcoreMesh(core_axis_name="c", subcore_axis_name="s")
_params = pltpu.CompilerParams(use_tc_tiling_on_sc=True, needs_layout_passes=False)


@functools.partial(
    pl.kernel,
    out_type=jax.ShapeDtypeStruct((BATCH * SEQ_LEN, 128), jnp.float32),
    mesh=_mesh,
    compiler_params=_params,
    scratch_types=(
        [pltpu.VMEM((CHUNK, 128), jnp.float32) for _ in range(NBUF)]
        + [
            pltpu.VMEM((NCHUNK, CHUNK), jnp.int32),
            pltpu.VMEM((SEQ_LEN // 2, 128), jnp.float32),
        ]
        + [pltpu.SemaphoreType.DMA] * NBUF
        + [pltpu.SemaphoreType.DMA] * NBUF
    ),
)
def _emb_kernel(x_hbm, table_hbm, pos_hbm, out_hbm, *scratch):
    rows = scratch[:NBUF]
    idx_v = scratch[NBUF]
    pos_v = scratch[NBUF + 1]
    sg = scratch[NBUF + 2 : NBUF + 2 + NBUF]
    so = scratch[NBUF + 2 + NBUF :]

    wid = lax.axis_index("s") * NUM_CORES + lax.axis_index("c")
    base = wid * TPW
    pltpu.sync_copy(x_hbm.at[wid], idx_v)
    pltpu.sync_copy(pos_hbm, pos_v)

    def fire_gather(t, a):
        pltpu.async_copy(table_hbm.at[idx_v.at[t]], rows[a], sg[a])

    def wait_gather(t, a):
        pltpu.make_async_copy(table_hbm.at[idx_v.at[t]], rows[a], sg[a]).wait()

    def wait_out(a):
        pltpu.make_async_copy(rows[a], out_hbm.at[pl.ds(base, CHUNK)], so[a]).wait()

    fire_gather(0, 0)
    fire_gather(1, 1)

    def outer(tt, carry):
        for a in range(NBUF):
            t = tt * NBUF + a

            wait_gather(t, a)
            pbase = lax.rem(t * CHUNK, SEQ_LEN)

            def add_pos(k, c):
                l = pbase + k
                l = lax.select(l >= SEQ_LEN, l - SEQ_LEN, l)
                ph = (l & 1) * EMBED_DIM
                lh = l // 2
                for q in range(EMBED_DIM // LANES):
                    sl = pl.ds(q * LANES, LANES)
                    rows[a][k, sl] = rows[a][k, sl] + pos_v[lh, pl.ds(ph + q * LANES, LANES)]
                return c

            lax.fori_loop(0, CHUNK, add_pos, 0, unroll=4)
            pltpu.async_copy(
                rows[a], out_hbm.at[pl.ds(base + t * CHUNK, CHUNK)], so[a]
            )

            tn = t + 2
            an = (a + 2) % NBUF

            @pl.when(tn < NCHUNK)
            def _():
                @pl.when(t >= 2)
                def _():
                    wait_out(an)

                fire_gather(tn, an)

        return carry

    lax.fori_loop(0, NCHUNK // NBUF, outer, 0)

    for a in range(NBUF):
        wait_out(a)


def kernel(x, token_emb_table):
    pos2 = _pos_encoding().reshape(SEQ_LEN // 2, 128)
    table_p = jnp.pad(token_emb_table, ((0, 0), (0, 128 - EMBED_DIM)))
    x_r = x.astype(jnp.int32).reshape(NW, NCHUNK, CHUNK)
    out = _emb_kernel(x_r, table_p, pos2)
    return out[:, :EMBED_DIM].reshape(BATCH, SEQ_LEN, EMBED_DIM)

# --- scband reference (transcript-rebuilt; emitter-appended) ---
"""Pipeline reference for scband-token-and-position-embedding-19189913878613 (READ-ONLY COPY).

The authoritative reference and input builder live on the scoring server;
editing this copy changes nothing except your own understanding.
"""

import jax, jax.numpy as jnp
import numpy as np

VOCAB_SIZE = 1000000
EMBED_DIM = 64
BATCH = 4096
SEQ_LEN = 200
MAX_WAVELENGTH = 10000.0


def sine_position_encoding(seq_length, hidden_size, dtype=jnp.float32):
    # Faithful port of keras_nlp SinePositionEncoding
    position = jnp.arange(seq_length, dtype=dtype)
    min_freq = 1.0 / MAX_WAVELENGTH
    timescales = jnp.power(
        min_freq,
        (2.0 * (jnp.arange(hidden_size, dtype=dtype) // 2)) / float(hidden_size),
    )
    angles = position[:, None] * timescales[None, :]
    cos_mask = jnp.asarray(jnp.arange(hidden_size) % 2, dtype=dtype)
    sin_mask = 1.0 - cos_mask
    return jnp.sin(angles) * sin_mask + jnp.cos(angles) * cos_mask


def setup_inputs(seed: int = 0) -> dict:
    key = jax.random.key(seed)
    k_idx, k_tab = jax.random.split(key)
    x = jax.random.randint(k_idx, (BATCH, SEQ_LEN), 0, VOCAB_SIZE, dtype=jnp.int64 if jax.config.jax_enable_x64 else jnp.int32)
    # he_uniform over fan_in = vocab_size is tiny; use a reasonable embedding init
    limit = np.sqrt(6.0 / VOCAB_SIZE)
    token_emb_table = jax.random.uniform(
        k_tab, (VOCAB_SIZE, EMBED_DIM), minval=-limit, maxval=limit, dtype=jnp.float32
    )
    return {"x": x, "token_emb_table": token_emb_table}


def reference(x, token_emb_table):
    # token embedding lookup (gather)
    embedding = jnp.take(token_emb_table, x, axis=0)  # [B, L, D]
    positions = sine_position_encoding(embedding.shape[-2], embedding.shape[-1], embedding.dtype)
    return embedding + positions[None, :, :]

if __name__ == "__main__":
    import jax
    _d = setup_inputs()
    print(jax.jit(kernel)(*tuple(_d.values())))

</pallas_src>

<mosaic_0001>
#map = affine_map<(d0, d1) -> (0, 0, 0)>
#map1 = affine_map<(d0, d1) -> (0, 0)>
module attributes {stable_mosaic.version = 14 : i64} {
  func.func @_emb_kernel(%arg0: i32, %arg1: i32, %arg2: memref<32x200x128xi32, #tpu.memory_space<hbm>>, %arg3: memref<1000000x128xf32, #tpu.memory_space<hbm>>, %arg4: memref<100x128xf32, #tpu.memory_space<hbm>>, %arg5: memref<819200x128xf32, #tpu.memory_space<hbm>>, %arg6: memref<128x128xf32, #tpu.memory_space<vmem>>, %arg7: memref<128x128xf32, #tpu.memory_space<vmem>>, %arg8: memref<128x128xf32, #tpu.memory_space<vmem>>, %arg9: memref<128x128xf32, #tpu.memory_space<vmem>>, %arg10: memref<200x128xi32, #tpu.memory_space<vmem>>, %arg11: memref<100x128xf32, #tpu.memory_space<vmem>>, %arg12: memref<!tpu.dma_semaphore, #tpu.memory_space<semaphore_mem>>, %arg13: memref<!tpu.dma_semaphore, #tpu.memory_space<semaphore_mem>>, %arg14: memref<!tpu.dma_semaphore, #tpu.memory_space<semaphore_mem>>, %arg15: memref<!tpu.dma_semaphore, #tpu.memory_space<semaphore_mem>>, %arg16: memref<!tpu.dma_semaphore, #tpu.memory_space<semaphore_mem>>, %arg17: memref<!tpu.dma_semaphore, #tpu.memory_space<semaphore_mem>>, %arg18: memref<!tpu.dma_semaphore, #tpu.memory_space<semaphore_mem>>, %arg19: memref<!tpu.dma_semaphore, #tpu.memory_space<semaphore_mem>>) attributes {dimension_semantics = [#tpu.dimension_semantics<core_parallel>, #tpu.dimension_semantics<subcore_parallel>], iteration_bounds = array<i64: 2, 16>, scalar_prefetch = 0 : i64, scratch_operands = 14 : i64, tpu.core_type = #tpu.core_type<sc_vector_subcore>, window_params = [{transform_indices = #map}, {transform_indices = #map1}, {transform_indices = #map1}, {transform_indices = #map1}]} {
    %mul3A = arith.constant 2 : i32
    %mul3A_0 = arith.muli %arg1, %mul3A : i32
    %add3A = arith.addi %mul3A_0, %arg0 : i32
    %mul3A_1 = arith.constant 25600 : i32
    %mul3A_2 = arith.muli %add3A, %mul3A_1 : i32
    "tpu.region"() ({
      %run_scoped3A = tpu.sem_alloc : memref<!tpu.dma_semaphore, #tpu.memory_space<semaphore_mem>>
      %dma_start3A_36 = arith.constant 0 : i32
      %dma_start3A_37 = arith.constant 0 : i32
      %dma_start3A_38 = tpu.memref_slice %arg2[%add3A, %dma_start3A_36, %dma_start3A_37] : memref<32x200x128xi32, #tpu.memory_space<hbm>> -> memref<1x200x128xi32, #tpu.memory_space<hbm>>
      %dma_start3A_39 = tpu.memref_squeeze %dma_start3A_38 : memref<1x200x128xi32, #tpu.memory_space<hbm>> -> memref<200x128xi32, #tpu.memory_space<hbm>>
      %dma_start3A_40 = arith.constant 0 : i32
      %dma_start3A_41 = arith.constant 0 : i32
      %dma_start3A_42 = tpu.memref_slice %arg2[%add3A, %dma_start3A_40, %dma_start3A_41] : memref<32x200x128xi32, #tpu.memory_space<hbm>> -> memref<1x200x128xi32, #tpu.memory_space<hbm>>
      %dma_start3A_43 = tpu.memref_squeeze %dma_start3A_42 : memref<1x200x128xi32, #tpu.memory_space<hbm>> -> memref<200x128xi32, #tpu.memory_space<hbm>>
      tpu.enqueue_dma source(%dma_start3A_43 : memref<200x128xi32, #tpu.memory_space<hbm>>) target(%arg10 : memref<200x128xi32, #tpu.memory_space<vmem>>) target_semaphore(%run_scoped3A : memref<!tpu.dma_semaphore, #tpu.memory_space<semaphore_mem>>)
      %dma_wait3A_44 = arith.constant 0 : i32
      %dma_wait3A_45 = arith.constant 0 : i32
      %dma_wait3A_46 = tpu.memref_slice %arg2[%add3A, %dma_wait3A_44, %dma_wait3A_45] : memref<32x200x128xi32, #tpu.memory_space<hbm>> -> memref<1x200x128xi32, #tpu.memory_space<hbm>>
      %dma_wait3A_47 = tpu.memref_squeeze %dma_wait3A_46 : memref<1x200x128xi32, #tpu.memory_space<hbm>> -> memref<200x128xi32, #tpu.memory_space<hbm>>
      %dma_wait3A_48 = arith.constant 0 : i32
      %dma_wait3A_49 = arith.constant 0 : i32
      %dma_wait3A_50 = tpu.memref_slice %arg2[%add3A, %dma_wait3A_48, %dma_wait3A_49] : memref<32x200x128xi32, #tpu.memory_space<hbm>> -> memref<1x200x128xi32, #tpu.memory_space<hbm>>
      %dma_wait3A_51 = tpu.memref_squeeze %dma_wait3A_50 : memref<1x200x128xi32, #tpu.memory_space<hbm>> -> memref<200x128xi32, #tpu.memory_space<hbm>>
      tpu.wait_dma2 semaphore(%run_scoped3A : memref<!tpu.dma_semaphore, #tpu.memory_space<semaphore_mem>>) src(%dma_wait3A_51 : memref<200x128xi32, #tpu.memory_space<hbm>>) dst(%arg10 : memref<200x128xi32, #tpu.memory_space<vmem>>)
      tpu.yield
    }) : () -> ()
    "tpu.region"() ({
      %run_scoped3A = tpu.sem_alloc : memref<!tpu.dma_semaphore, #tpu.memory_space<semaphore_mem>>
      tpu.enqueue_dma source(%arg4 : memref<100x128xf32, #tpu.memory_space<hbm>>) target(%arg11 : memref<100x128xf32, #tpu.memory_space<vmem>>) target_semaphore(%run_scoped3A : memref<!tpu.dma_semaphore, #tpu.memory_space<semaphore_mem>>)
      tpu.wait_dma2 semaphore(%run_scoped3A : memref<!tpu.dma_semaphore, #tpu.memory_space<semaphore_mem>>) src(%arg4 : memref<100x128xf32, #tpu.memory_space<hbm>>) dst(%arg11 : memref<100x128xf32, #tpu.memory_space<vmem>>)
      tpu.yield
    }) : () -> ()
    %dma_start3A = arith.constant 0 : i32
    %dma_start3A_3 = arith.constant 0 : i32
    %dma_start3A_4 = tpu.memref_slice %arg10[%dma_start3A, %dma_start3A_3] : memref<200x128xi32, #tpu.memory_space<vmem>> -> memref<1x128xi32, #tpu.memory_space<vmem>>
    %dma_start3A_5 = tpu.memref_squeeze %dma_start3A_4 : memref<1x128xi32, #tpu.memory_space<vmem>> -> memref<128xi32, #tpu.memory_space<vmem>>
    %dma_start3A_6 = arith.constant 0 : i32
    %dma_start3A_7 = arith.constant 0 : i32
    %dma_start3A_8 = tpu.memref_slice %arg3[%dma_start3A_6, %dma_start3A_7] : memref<1000000x128xf32, #tpu.memory_space<hbm>> -> memref<1000000x128xf32, #tpu.memory_space<hbm>>
    tpu.enqueue_indirect_dma source(%dma_start3A_8 : memref<1000000x128xf32, #tpu.memory_space<hbm>>) target(%arg6 : memref<128x128xf32, #tpu.memory_space<vmem>>) offsets(%dma_start3A_5 : memref<128xi32, #tpu.memory_space<vmem>>) semaphore(%arg12 : memref<!tpu.dma_semaphore, #tpu.memory_space<semaphore_mem>>)
    %dma_start3A_9 = arith.constant 1 : i32
    %dma_start3A_10 = arith.constant 0 : i32
    %dma_start3A_11 = tpu.memref_slice %arg10[%dma_start3A_9, %dma_start3A_10] : memref<200x128xi32, #tpu.memory_space<vmem>> -> memref<1x128xi32, #tpu.memory_space<vmem>>
    %dma_start3A_12 = tpu.memref_squeeze %dma_start3A_11 : memref<1x128xi32, #tpu.memory_space<vmem>> -> memref<128xi32, #tpu.memory_space<vmem>>
    %dma_start3A_13 = arith.constant 0 : i32
    %dma_start3A_14 = arith.constant 0 : i32
    %dma_start3A_15 = tpu.memref_slice %arg3[%dma_start3A_13, %dma_start3A_14] : memref<1000000x128xf32, #tpu.memory_space<hbm>> -> memref<1000000x128xf32, #tpu.memory_space<hbm>>
    tpu.enqueue_indirect_dma source(%dma_start3A_15 : memref<1000000x128xf32, #tpu.memory_space<hbm>>) target(%arg7 : memref<128x128xf32, #tpu.memory_space<vmem>>) offsets(%dma_start3A_12 : memref<128xi32, #tpu.memory_space<vmem>>) semaphore(%arg13 : memref<!tpu.dma_semaphore, #tpu.memory_space<semaphore_mem>>)
    %scan3A = arith.constant 0 : i32
    %scan3A_16 = arith.constant 0 : i32
    %scan3A_17 = arith.constant 50 : i32
    %scan3A_18 = arith.addi %scan3A_16, %scan3A_17 : i32
    %scan3A_19 = arith.constant 1 : i32
    scf.for %scan3A_36 = %scan3A_16 to %scan3A_18 step %scan3A_19  : i32 {
      %mul3A_37 = arith.constant 4 : i32
      %mul3A_38 = arith.muli %scan3A_36, %mul3A_37 : i32
      %add3A_39 = arith.constant 0 : i32
      %add3A_40 = arith.addi %mul3A_38, %add3A_39 : i32
      %dma_wait3A_41 = arith.constant 0 : i32
      %dma_wait3A_42 = tpu.memref_slice %arg10[%add3A_40, %dma_wait3A_41] : memref<200x128xi32, #tpu.memory_space<vmem>> -> memref<1x128xi32, #tpu.memory_space<vmem>>
      %dma_wait3A_43 = tpu.memref_squeeze %dma_wait3A_42 : memref<1x128xi32, #tpu.memory_space<vmem>> -> memref<128xi32, #tpu.memory_space<vmem>>
      %dma_wait3A_44 = arith.constant 0 : i32
      %dma_wait3A_45 = arith.constant 0 : i32
      %dma_wait3A_46 = tpu.memref_slice %arg3[%dma_wait3A_44, %dma_wait3A_45] : memref<1000000x128xf32, #tpu.memory_space<hbm>> -> memref<1000000x128xf32, #tpu.memory_space<hbm>>
      tpu.wait_indirect_dma semaphore(%arg12 : memref<!tpu.dma_semaphore, #tpu.memory_space<semaphore_mem>>) src(%dma_wait3A_46 : memref<1000000x128xf32, #tpu.memory_space<hbm>>) dst(%arg6 : memref<128x128xf32, #tpu.memory_space<vmem>>)
      %mul3A_47 = arith.constant 128 : i32
      %mul3A_48 = arith.muli %add3A_40, %mul3A_47 : i32
      %rem3A = arith.constant 200 : i32
      %rem3A_49 = arith.remsi %mul3A_48, %rem3A : i32
      %scan3A_50 = arith.constant 0 : i32
      %scan3A_51 = arith.constant 0 : i32
      %scan3A_52 = arith.constant 128 : i32
      %scan3A_53 = arith.addi %scan3A_51, %scan3A_52 : i32
      %scan3A_54 = arith.constant 4 : i32
      scf.for %scan3A_169 = %scan3A_51 to %scan3A_53 step %scan3A_54  : i32 {
        %add3A_170 = arith.addi %rem3A_49, %scan3A_169 : i32
        %ge3A = arith.constant 200 : i32
        %ge3A_171 = arith.cmpi sge, %add3A_170, %ge3A : i32
        %sub3A = arith.constant 200 : i32
        %sub3A_172 = arith.subi %add3A_170, %sub3A : i32
        %select_n3A = arith.select %ge3A_171, %sub3A_172, %add3A_170 : i32
        %and3A = arith.constant 1 : i32
        %and3A_173 = arith.andi %select_n3A, %and3A : i32
        %mul3A_174 = arith.constant 64 : i32
        %mul3A_175 = arith.muli %and3A_173, %mul3A_174 : i32
        %jit3A = arith.constant 2 : i32
        %div3A = arith.divsi %select_n3A, %jit3A : i32
        %sign3A = arith.constant 0 : i32
        %sign3A_176 = arith.cmpi sgt, %select_n3A, %sign3A : i32
        %sign3A_177 = arith.extui %sign3A_176 : i1 to i32
        %sign3A_178 = arith.constant 0 : i32
        %sign3A_179 = arith.cmpi slt, %select_n3A, %sign3A_178 : i32
        %sign3A_180 = arith.extui %sign3A_179 : i1 to i32
        %sign3A_181 = arith.subi %sign3A_177, %sign3A_180 : i32
        %sign3A_182 = arith.constant 0 : i32
        %sign3A_183 = arith.cmpi sgt, %jit3A, %sign3A_182 : i32
        %sign3A_184 = arith.extui %sign3A_183 : i1 to i32
        %sign3A_185 = arith.constant 0 : i32
        %sign3A_186 = arith.cmpi slt, %jit3A, %sign3A_185 : i32
        %sign3A_187 = arith.extui %sign3A_186 : i1 to i32
        %sign3A_188 = arith.subi %sign3A_184, %sign3A_187 : i32
        %ne3A = arith.cmpi ne, %sign3A_181, %sign3A_188 : i32
        %rem3A_189 = arith.remsi %select_n3A, %jit3A : i32
        %ne3A_190 = arith.constant 0 : i32
        %ne3A_191 = arith.cmpi ne, %rem3A_189, %ne3A_190 : i32
        %and3A_192 = arith.andi %ne3A, %ne3A_191 : i1
        %sub3A_193 = arith.constant 1 : i32
        %sub3A_194 = arith.subi %div3A, %sub3A_193 : i32
        %select_n3A_195 = arith.select %and3A_192, %sub3A_194, %div3A : i32
        %get3A = arith.index_cast %scan3A_169 : i32 to index
        %get3A_196 = arith.constant 0 : index
        %get3A_197 = tpu.vector_load %arg6[%get3A, %get3A_196] {strides = array<i32>} : memref<128x128xf32, #tpu.memory_space<vmem>>, vector<16xf32>,
        %add3A_198 = arith.constant 0 : i32
        %add3A_199 = arith.addi %mul3A_175, %add3A_198 : i32
        %get3A_200 = arith.index_cast %select_n3A_195 : i32 to index
        %get3A_201 = arith.index_cast %add3A_199 : i32 to index
        %get3A_202 = tpu.vector_load %arg11[%get3A_200, %get3A_201] {strides = array<i32>} : memref<100x128xf32, #tpu.memory_space<vmem>>, vector<16xf32>,
        %add3A_203 = arith.addf %get3A_197, %get3A_202 : vector<16xf32>
        %swap3A = arith.index_cast %scan3A_169 : i32 to index
        %swap3A_204 = arith.constant 0 : index
        %swap3A_205 = tpu.vector_load %arg6[%swap3A, %swap3A_204] {strides = array<i32>} : memref<128x128xf32, #tpu.memory_space<vmem>>, vector<16xf32>,
        tpu.vector_store %arg6[%swap3A, %swap3A_204], %add3A_203 {strides = array<i32>} : memref<128x128xf32, #tpu.memory_space<vmem>>, vector<16xf32>,
        %get3A_206 = arith.index_cast %scan3A_169 : i32 to index
        %get3A_207 = arith.constant 16 : index
        %get3A_208 = tpu.vector_load %arg6[%get3A_206, %get3A_207] {strides = array<i32>} : memref<128x128xf32, #tpu.memory_space<vmem>>, vector<16xf32>,
        %add3A_209 = arith.constant 16 : i32
        %add3A_210 = arith.addi %mul3A_175, %add3A_209 : i32
        %get3A_211 = arith.index_cast %select_n3A_195 : i32 to index
        %get3A_212 = arith.index_cast %add3A_210 : i32 to index
        %get3A_213 = tpu.vector_load %arg11[%get3A_211, %get3A_212] {strides = array<i32>} : memref<100x128xf32, #tpu.memory_space<vmem>>, vector<16xf32>,
        %add3A_214 = arith.addf %get3A_208, %get3A_213 : vector<16xf32>
        %swap3A_215 = arith.index_cast %scan3A_169 : i32 to index
        %swap3A_216 = arith.constant 16 : index
        %swap3A_217 = tpu.vector_load %arg6[%swap3A_215, %swap3A_216] {strides = array<i32>} : memref<128x128xf32, #tpu.memory_space<vmem>>, vector<16xf32>,
        tpu.vector_store %arg6[%swap3A_215, %swap3A_216], %add3A_214 {strides = array<i32>} : memref<128x128xf32, #tpu.memory_space<vmem>>, vector<16xf32>,
        %get3A_218 = arith.index_cast %scan3A_169 : i32 to index
        %get3A_219 = arith.constant 32 : index
        %get3A_220 = tpu.vector_load %arg6[%get3A_218, %get3A_219] {strides = array<i32>} : memref<128x128xf32, #tpu.memory_space<vmem>>, vector<16xf32>,
        %add3A_221 = arith.constant 32 : i32
        %add3A_222 = arith.addi %mul3A_175, %add3A_221 : i32
        %get3A_223 = arith.index_cast %select_n3A_195 : i32 to index
        %get3A_224 = arith.index_cast %add3A_222 : i32 to index
        %get3A_225 = tpu.vector_load %arg11[%get3A_223, %get3A_224] {strides = array<i32>} : memref<100x128xf32, #tpu.memory_space<vmem>>, vector<16xf32>,
        %add3A_226 = arith.addf %get3A_220, %get3A_225 : vector<16xf32>
        %swap3A_227 = arith.index_cast %scan3A_169 : i32 to index
        %swap3A_228 = arith.constant 32 : index
        %swap3A_229 = tpu.vector_load %arg6[%swap3A_227, %swap3A_228] {strides = array<i32>} : memref<128x128xf32, #tpu.memory_space<vmem>>, vector<16xf32>,
        tpu.vector_store %arg6[%swap3A_227, %swap3A_228], %add3A_226 {strides = array<i32>} : memref<128x128xf32, #tpu.memory_space<vmem>>, vector<16xf32>,
        %get3A_230 = arith.index_cast %scan3A_169 : i32 to index
        %get3A_231 = arith.constant 48 : index
        %get3A_232 = tpu.vector_load %arg6[%get3A_230, %get3A_231] {strides = array<i32>} : memref<128x128xf32, #tpu.memory_space<vmem>>, vector<16xf32>,
        %add3A_233 = arith.constant 48 : i32
        %add3A_234 = arith.addi %mul3A_175, %add3A_233 : i32
        %get3A_235 = arith.index_cast %select_n3A_195 : i32 to index
        %get3A_236 = arith.index_cast %add3A_234 : i32 to index
        %get3A_237 = tpu.vector_load %arg11[%get3A_235, %get3A_236] {strides = array<i32>} : memref<100x128xf32, #tpu.memory_space<vmem>>, vector<16xf32>,
        %add3A_238 = arith.addf %get3A_232, %get3A_237 : vector<16xf32>
        %swap3A_239 = arith.index_cast %scan3A_169 : i32 to index
        %swap3A_240 = arith.constant 48 : index
        %swap3A_241 = tpu.vector_load %arg6[%swap3A_239, %swap3A_240] {strides = array<i32>} : memref<128x128xf32, #tpu.memory_space<vmem>>, vector<16xf32>,
        tpu.vector_store %arg6[%swap3A_239, %swap3A_240], %add3A_238 {strides = array<i32>} : memref<128x128xf32, #tpu.memory_space<vmem>>, vector<16xf32>,
        %scan3A_242 = arith.constant 1 : i32
        %scan3A_243 = arith.addi %scan3A_169, %scan3A_242 : i32
        %add3A_244 = arith.addi %rem3A_49, %scan3A_243 : i32
        %ge3A_245 = arith.constant 200 : i32
        %ge3A_246 = arith.cmpi sge, %add3A_244, %ge3A_245 : i32
        %sub3A_247 = arith.constant 200 : i32
        %sub3A_248 = arith.subi %add3A_244, %sub3A_247 : i32
        %select_n3A_249 = arith.select %ge3A_246, %sub3A_248, %add3A_244 : i32
        %and3A_250 = arith.constant 1 : i32
        %and3A_251 = arith.andi %select_n3A_249, %and3A_250 : i32
        %mul3A_252 = arith.constant 64 : i32
        %mul3A_253 = arith.muli %and3A_251, %mul3A_252 : i32
        %jit3A_254 = arith.constant 2 : i32
        %div3A_255 = arith.divsi %select_n3A_249, %jit3A_254 : i32
        %sign3A_256 = arith.constant 0 : i32
        %sign3A_257 = arith.cmpi sgt, %select_n3A_249, %sign3A_256 : i32
        %sign3A_258 = arith.extui %sign3A_257 : i1 to i32
        %sign3A_259 = arith.constant 0 : i32
        %sign3A_260 = arith.cmpi slt, %select_n3A_249, %sign3A_259 : i32
        %sign3A_261 = arith.extui %sign3A_260 : i1 to i32
        %sign3A_262 = arith.subi %sign3A_258, %sign3A_261 : i32
        %sign3A_263 = arith.constant 0 : i32
        %sign3A_264 = arith.cmpi sgt, %jit3A_254, %sign3A_263 : i32
        %sign3A_265 = arith.extui %sign3A_264 : i1 to i32
        %sign3A_266 = arith.constant 0 : i32
        %sign3A_267 = arith.cmpi slt, %jit3A_254, %sign3A_266 : i32
        %sign3A_268 = arith.extui %sign3A_267 : i1 to i32
        %sign3A_269 = arith.subi %sign3A_265, %sign3A_268 : i32
        %ne3A_270 = arith.cmpi ne, %sign3A_262, %sign3A_269 : i32
        %rem3A_271 = arith.remsi %select_n3A_249, %jit3A_254 : i32
        %ne3A_272 = arith.constant 0 : i32
        %ne3A_273 = arith.cmpi ne, %rem3A_271, %ne3A_272 : i32
        %and3A_274 = arith.andi %ne3A_270, %ne3A_273 : i1
        %sub3A_275 = arith.constant 1 : i32
        %sub3A_276 = arith.subi %div3A_255, %sub3A_275 : i32
        %select_n3A_277 = arith.select %and3A_274, %sub3A_276, %div3A_255 : i32
        %get3A_278 = arith.index_cast %scan3A_243 : i32 to index
        %get3A_279 = arith.constant 0 : index
        %get3A_280 = tpu.vector_load %arg6[%get3A_278, %get3A_279] {strides = array<i32>} : memref<128x128xf32, #tpu.memory_space<vmem>>, vector<16xf32>,
        %add3A_281 = arith.constant 0 : i32
        %add3A_282 = arith.addi %mul3A_253, %add3A_281 : i32
        %get3A_283 = arith.index_cast %select_n3A_277 : i32 to index
        %get3A_284 = arith.index_cast %add3A_282 : i32 to index
        %get3A_285 = tpu.vector_load %arg11[%get3A_283, %get3A_284] {strides = array<i32>} : memref<100x128xf32, #tpu.memory_space<vmem>>, vector<16xf32>,
        %add3A_286 = arith.addf %get3A_280, %get3A_285 : vector<16xf32>
        %swap3A_287 = arith.index_cast %scan3A_243 : i32 to index
        %swap3A_288 = arith.constant 0 : index
        %swap3A_289 = tpu.vector_load %arg6[%swap3A_287, %swap3A_288] {strides = array<i32>} : memref<128x128xf32, #tpu.memory_space<vmem>>, vector<16xf32>,
        tpu.vector_store %arg6[%swap3A_287, %swap3A_288], %add3A_286 {strides = array<i32>} : memref<128x128xf32, #tpu.memory_space<vmem>>, vector<16xf32>,
        %get3A_290 = arith.index_cast %scan3A_243 : i32 to index
        %get3A_291 = arith.constant 16 : index
        %get3A_292 = tpu.vector_load %arg6[%get3A_290, %get3A_291] {strides = array<i32>} : memref<128x128xf32, #tpu.memory_space<vmem>>, vector<16xf32>,
        %add3A_293 = arith.constant 16 : i32
        %add3A_294 = arith.addi %mul3A_253, %add3A_293 : i32
        %get3A_295 = arith.index_cast %select_n3A_277 : i32 to index
        %get3A_296 = arith.index_cast %add3A_294 : i32 to index
        %get3A_297 = tpu.vector_load %arg11[%get3A_295, %get3A_296] {strides = array<i32>} : memref<100x128xf32, #tpu.memory_space<vmem>>, vector<16xf32>,
        %add3A_298 = arith.addf %get3A_292, %get3A_297 : vector<16xf32>
        %swap3A_299 = arith.index_cast %scan3A_243 : i32 to index
        %swap3A_300 = arith.constant 16 : index
        %swap3A_301 = tpu.vector_load %arg6[%swap3A_299, %swap3A_300] {strides = array<i32>} : memref<128x128xf32, #tpu.memory_space<vmem>>, vector<16xf32>,
        tpu.vector_store %arg6[%swap3A_299, %swap3A_300], %add3A_298 {strides = array<i32>} : memref<128x128xf32, #tpu.memory_space<vmem>>, vector<16xf32>,
        %get3A_302 = arith.index_cast %scan3A_243 : i32 to index
        %get3A_303 = arith.constant 32 : index
        %get3A_304 = tpu.vector_load %arg6[%get3A_302, %get3A_303] {strides = array<i32>} : memref<128x128xf32, #tpu.memory_space<vmem>>, vector<16xf32>,
        %add3A_305 = arith.constant 32 : i32
        %add3A_306 = arith.addi %mul3A_253, %add3A_305 : i32
        %get3A_307 = arith.index_cast %select_n3A_277 : i32 to index
        %get3A_308 = arith.index_cast %add3A_306 : i32 to index
        %get3A_309 = tpu.vector_load %arg11[%get3A_307, %get3A_308] {strides = array<i32>} : memref<100x128xf32, #tpu.memory_space<vmem>>, vector<16xf32>,
        %add3A_310 = arith.addf %get3A_304, %get3A_309 : vector<16xf32>
        %swap3A_311 = arith.index_cast %scan3A_243 : i32 to index
        %swap3A_312 = arith.constant 32 : index
        %swap3A_313 = tpu.vector_load %arg6[%swap3A_311, %swap3A_312] {strides = array<i32>} : memref<128x128xf32, #tpu.memory_space<vmem>>, vector<16xf32>,
        tpu.vector_store %arg6[%swap3A_311, %swap3A_312], %add3A_310 {strides = array<i32>} : memref<128x128xf32, #tpu.memory_space<vmem>>, vector<16xf32>,
        %get3A_314 = arith.index_cast %scan3A_243 : i32 to index
        %get3A_315 = arith.constant 48 : index
        %get3A_316 = tpu.vector_load %arg6[%get3A_314, %get3A_315] {strides = array<i32>} : memref<128x128xf32, #tpu.memory_space<vmem>>, vector<16xf32>,
        %add3A_317 = arith.constant 48 : i32
        %add3A_318 = arith.addi %mul3A_253, %add3A_317 : i32
        %get3A_319 = arith.index_cast %select_n3A_277 : i32 to index
        %get3A_320 = arith.index_cast %add3A_318 : i32 to index
        %get3A_321 = tpu.vector_load %arg11[%get3A_319, %get3A_320] {strides = array<i32>} : memref<100x128xf32, #tpu.memory_space<vmem>>, vector<16xf32>,
        %add3A_322 = arith.addf %get3A_316, %get3A_321 : vector<16xf32>
        %swap3A_323 = arith.index_cast %scan3A_243 : i32 to index
        %swap3A_324 = arith.constant 48 : index
        %swap3A_325 = tpu.vector_load %arg6[%swap3A_323, %swap3A_324] {strides = array<i32>} : memref<128x128xf32, #tpu.memory_space<vmem>>, vector<16xf32>,
        tpu.vector_store %arg6[%swap3A_323, %swap3A_324], %add3A_322 {strides = array<i32>} : memref<128x128xf32, #tpu.memory_space<vmem>>, vector<16xf32>,
        %scan3A_326 = arith.constant 2 : i32
        %scan3A_327 = arith.addi %scan3A_169, %scan3A_326 : i32
        %add3A_328 = arith.addi %rem3A_49, %scan3A_327 : i32
        %ge3A_329 = arith.constant 200 : i32
        %ge3A_330 = arith.cmpi sge, %add3A_328, %ge3A_329 : i32
        %sub3A_331 = arith.constant 200 : i32
        %sub3A_332 = arith.subi %add3A_328, %sub3A_331 : i32
        %select_n3A_333 = arith.select %ge3A_330, %sub3A_332, %add3A_328 : i32
        %and3A_334 = arith.constant 1 : i32
        %and3A_335 = arith.andi %select_n3A_333, %and3A_334 : i32
        %mul3A_336 = arith.constant 64 : i32
        %mul3A_337 = arith.muli %and3A_335, %mul3A_336 : i32
        %jit3A_338 = arith.constant 2 : i32
        %div3A_339 = arith.divsi %select_n3A_333, %jit3A_338 : i32
        %sign3A_340 = arith.constant 0 : i32
        %sign3A_341 = arith.cmpi sgt, %select_n3A_333, %sign3A_340 : i32
        %sign3A_342 = arith.extui %sign3A_341 : i1 to i32
        %sign3A_343 = arith.constant 0 : i32
        %sign3A_344 = arith.cmpi slt, %select_n3A_333, %sign3A_343 : i32
        %sign3A_345 = arith.extui %sign3A_344 : i1 to i32
        %sign3A_346 = arith.subi %sign3A_342, %sign3A_345 : i32
        %sign3A_347 = arith.constant 0 : i32
        %sign3A_348 = arith.cmpi sgt, %jit3A_338, %sign3A_347 : i32
        %sign3A_349 = arith.extui %sign3A_348 : i1 to i32
        %sign3A_350 = arith.constant 0 : i32
        %sign3A_351 = arith.cmpi slt, %jit3A_338, %sign3A_350 : i32
        %sign3A_352 = arith.extui %sign3A_351 : i1 to i32
        %sign3A_353 = arith.subi %sign3A_349, %sign3A_352 : i32
        %ne3A_354 = arith.cmpi ne, %sign3A_346, %sign3A_353 : i32
        %rem3A_355 = arith.remsi %select_n3A_333, %jit3A_338 : i32
        %ne3A_356 = arith.constant 0 : i32
        %ne3A_357 = arith.cmpi ne, %rem3A_355, %ne3A_356 : i32
        %and3A_358 = arith.andi %ne3A_354, %ne3A_357 : i1
        %sub3A_359 = arith.constant 1 : i32
        %sub3A_360 = arith.subi %div3A_339, %sub3A_359 : i32
        %select_n3A_361 = arith.select %and3A_358, %sub3A_360, %div3A_339 : i32
        %get3A_362 = arith.index_cast %scan3A_327 : i32 to index
        %get3A_363 = arith.constant 0 : index
        %get3A_364 = tpu.vector_load %arg6[%get3A_362, %get3A_363] {strides = array<i32>} : memref<128x128xf32, #tpu.memory_space<vmem>>, vector<16xf32>,
        %add3A_365 = arith.constant 0 : i32
        %add3A_366 = arith.addi %mul3A_337, %add3A_365 : i32
        %get3A_367 = arith.index_cast %select_n3A_361 : i32 to index
        %get3A_368 = arith.index_cast %add3A_366 : i32 to index
        %get3A_369 = tpu.vector_load %arg11[%get3A_367, %get3A_368] {strides = array<i32>} : memref<100x128xf32, #tpu.memory_space<vmem>>, vector<16xf32>,
        %add3A_370 = arith.addf %get3A_364, %get3A_369 : vector<16xf32>
        %swap3A_371 = arith.index_cast %scan3A_327 : i32 to index
        %swap3A_372 = arith.constant 0 : index
        %swap3A_373 = tpu.vector_load %arg6[%swap3A_371, %swap3A_372] {strides = array<i32>} : memref<128x128xf32, #tpu.memory_space<vmem>>, vector<16xf32>,
        tpu.vector_store %arg6[%swap3A_371, %swap3A_372], %add3A_370 {strides = array<i32>} : memref<128x128xf32, #tpu.memory_space<vmem>>, vector<16xf32>,
        %get3A_374 = arith.index_cast %scan3A_327 : i32 to index
        %get3A_375 = arith.constant 16 : index
        %get3A_376 = tpu.vector_load %arg6[%get3A_374, %get3A_375] {strides = array<i32>} : memref<128x128xf32, #tpu.memory_space<vmem>>, vector<16xf32>,
        %add3A_377 = arith.constant 16 : i32
        %add3A_378 = arith.addi %mul3A_337, %add3A_377 : i32
        %get3A_379 = arith.index_cast %select_n3A_361 : i32 to index
        %get3A_380 = arith.index_cast %add3A_378 : i32 to index
        %get3A_381 = tpu.vector_load %arg11[%get3A_379, %get3A_380] {strides = array<i32>} : memref<100x128xf32, #tpu.memory_space<vmem>>, vector<16xf32>,
        %add3A_382 = arith.addf %get3A_376, %get3A_381 : vector<16xf32>
        %swap3A_383 = arith.index_cast %scan3A_327 : i32 to index
        %swap3A_384 = arith.constant 16 : index
        %swap3A_385 = tpu.vector_load %arg6[%swap3A_383, %swap3A_384] {strides = array<i32>} : memref<128x128xf32, #tpu.memory_space<vmem>>, vector<16xf32>,
        tpu.vector_store %arg6[%swap3A_383, %swap3A_384], %add3A_382 {strides = array<i32>} : memref<128x128xf32, #tpu.memory_space<vmem>>, vector<16xf32>,
        %get3A_386 = arith.index_cast %scan3A_327 : i32 to index
        %get3A_387 = arith.constant 32 : index
        %get3A_388 = tpu.vector_load %arg6[%get3A_386, %get3A_387] {strides = array<i32>} : memref<128x128xf32, #tpu.memory_space<vmem>>, vector<16xf32>,
        %add3A_389 = arith.constant 32 : i32
        %add3A_390 = arith.addi %mul3A_337, %add3A_389 : i32
        %get3A_391 = arith.index_cast %select_n3A_361 : i32 to index
        %get3A_392 = arith.index_cast %add3A_390 : i32 to index
        %get3A_393 = tpu.vector_load %arg11[%get3A_391, %get3A_392] {strides = array<i32>} : memref<100x128xf32, #tpu.memory_space<vmem>>, vector<16xf32>,
        %add3A_394 = arith.addf %get3A_388, %get3A_393 : vector<16xf32>
        %swap3A_395 = arith.index_cast %scan3A_327 : i32 to index
        %swap3A_396 = arith.constant 32 : index
        %swap3A_397 = tpu.vector_load %arg6[%swap3A_395, %swap3A_396] {strides = array<i32>} : memref<128x128xf32, #tpu.memory_space<vmem>>, vector<16xf32>,
        tpu.vector_store %arg6[%swap3A_395, %swap3A_396], %add3A_394 {strides = array<i32>} : memref<128x128xf32, #tpu.memory_space<vmem>>, vector<16xf32>,
        %get3A_398 = arith.index_cast %scan3A_327 : i32 to index
        %get3A_399 = arith.constant 48 : index
        %get3A_400 = tpu.vector_load %arg6[%get3A_398, %get3A_399] {strides = array<i32>} : memref<128x128xf32, #tpu.memory_space<vmem>>, vector<16xf32>,
        %add3A_401 = arith.constant 48 : i32
        %add3A_402 = arith.addi %mul3A_337, %add3A_401 : i32
        %get3A_403 = arith.index_cast %select_n3A_361 : i32 to index
        %get3A_404 = arith.index_cast %add3A_402 : i32 to index
        %get3A_405 = tpu.vector_load %arg11[%get3A_403, %get3A_404] {strides = array<i32>} : memref<100x128xf32, #tpu.memory_space<vmem>>, vector<16xf32>,
        %add3A_406 = arith.addf %get3A_400, %get3A_405 : vector<16xf32>
        %swap3A_407 = arith.index_cast %scan3A_327 : i32 to index
        %swap3A_408 = arith.constant 48 : index
        %swap3A_409 = tpu.vector_load %arg6[%swap3A_407, %swap3A_408] {strides = array<i32>} : memref<128x128xf32, #tpu.memory_space<vmem>>, vector<16xf32>,
        tpu.vector_store %arg6[%swap3A_407, %swap3A_408], %add3A_406 {strides = array<i32>} : memref<128x128xf32, #tpu.memory_space<vmem>>, vector<16xf32>,
        %scan3A_410 = arith.constant 3 : i32
        %scan3A_411 = arith.addi %scan3A_169, %scan3A_410 : i32
        %add3A_412 = arith.addi %rem3A_49, %scan3A_411 : i32
        %ge3A_413 = arith.constant 200 : i32
        %ge3A_414 = arith.cmpi sge, %add3A_412, %ge3A_413 : i32
        %sub3A_415 = arith.constant 200 : i32
        %sub3A_416 = arith.subi %add3A_412, %sub3A_415 : i32
        %select_n3A_417 = arith.select %ge3A_414, %sub3A_416, %add3A_412 : i32
        %and3A_418 = arith.constant 1 : i32
        %and3A_419 = arith.andi %select_n3A_417, %and3A_418 : i32
        %mul3A_420 = arith.constant 64 : i32
        %mul3A_421 = arith.muli %and3A_419, %mul3A_420 : i32
        %jit3A_422 = arith.constant 2 : i32
        %div3A_423 = arith.divsi %select_n3A_417, %jit3A_422 : i32
        %sign3A_424 = arith.constant 0 : i32
        %sign3A_425 = arith.cmpi sgt, %select_n3A_417, %sign3A_424 : i32
        %sign3A_426 = arith.extui %sign3A_425 : i1 to i32
        %sign3A_427 = arith.constant 0 : i32
        %sign3A_428 = arith.cmpi slt, %select_n3A_417, %sign3A_427 : i32
        %sign3A_429 = arith.extui %sign3A_428 : i1 to i32
        %sign3A_430 = arith.subi %sign3A_426, %sign3A_429 : i32
        %sign3A_431 = arith.constant 0 : i32
        %sign3A_432 = arith.cmpi sgt, %jit3A_422, %sign3A_431 : i32
        %sign3A_433 = arith.extui %sign3A_432 : i1 to i32
        %sign3A_434 = arith.constant 0 : i32
        %sign3A_435 = arith.cmpi slt, %jit3A_422, %sign3A_434 : i32
        %sign3A_436 = arith.extui %sign3A_435 : i1 to i32
        %sign3A_437 = arith.subi %sign3A_433, %sign3A_436 : i32
        %ne3A_438 = arith.cmpi ne, %sign3A_430, %sign3A_437 : i32
        %rem3A_439 = arith.remsi %select_n3A_417, %jit3A_422 : i32
        %ne3A_440 = arith.constant 0 : i32
        %ne3A_441 = arith.cmpi ne, %rem3A_439, %ne3A_440 : i32
        %and3A_442 = arith.andi %ne3A_438, %ne3A_441 : i1
        %sub3A_443 = arith.constant 1 : i32
        %sub3A_444 = arith.subi %div3A_423, %sub3A_443 : i32
        %select_n3A_445 = arith.select %and3A_442, %sub3A_444, %div3A_423 : i32
        %get3A_446 = arith.index_cast %scan3A_411 : i32 to index
        %get3A_447 = arith.constant 0 : index
        %get3A_448 = tpu.vector_load %arg6[%get3A_446, %get3A_447] {strides = array<i32>} : memref<128x128xf32, #tpu.memory_space<vmem>>, vector<16xf32>,
        %add3A_449 = arith.constant 0 : i32
        %add3A_450 = arith.addi %mul3A_421, %add3A_449 : i32
        %get3A_451 = arith.index_cast %select_n3A_445 : i32 to index
        %get3A_452 = arith.index_cast %add3A_450 : i32 to index
        %get3A_453 = tpu.vector_load %arg11[%get3A_451, %get3A_452] {strides = array<i32>} : memref<100x128xf32, #tpu.memory_space<vmem>>, vector<16xf32>,
        %add3A_454 = arith.addf %get3A_448, %get3A_453 : vector<16xf32>
        %swap3A_455 = arith.index_cast %scan3A_411 : i32 to index
        %swap3A_456 = arith.constant 0 : index
        %swap3A_457 = tpu.vector_load %arg6[%swap3A_455, %swap3A_456] {strides = array<i32>} : memref<128x128xf32, #tpu.memory_space<vmem>>, vector<16xf32>,
        tpu.vector_store %arg6[%swap3A_455, %swap3A_456], %add3A_454 {strides = array<i32>} : memref<128x128xf32, #tpu.memory_space<vmem>>, vector<16xf32>,
        %get3A_458 = arith.index_cast %scan3A_411 : i32 to index
        %get3A_459 = arith.constant 16 : index
        %get3A_460 = tpu.vector_load %arg6[%get3A_458, %get3A_459] {strides = array<i32>} : memref<128x128xf32, #tpu.memory_space<vmem>>, vector<16xf32>,
        %add3A_461 = arith.constant 16 : i32
        %add3A_462 = arith.addi %mul3A_421, %add3A_461 : i32
        %get3A_463 = arith.index_cast %select_n3A_445 : i32 to index
        %get3A_464 = arith.index_cast %add3A_462 : i32 to index
        %get3A_465 = tpu.vector_load %arg11[%get3A_463, %get3A_464] {strides = array<i32>} : memref<100x128xf32, #tpu.memory_space<vmem>>, vector<16xf32>,
        %add3A_466 = arith.addf %get3A_460, %get3A_465 : vector<16xf32>
        %swap3A_467 = arith.index_cast %scan3A_411 : i32 to index
        %swap3A_468 = arith.constant 16 : index
        %swap3A_469 = tpu.vector_load %arg6[%swap3A_467, %swap3A_468] {strides = array<i32>} : memref<128x128xf32, #tpu.memory_space<vmem>>, vector<16xf32>,
        tpu.vector_store %arg6[%swap3A_467, %swap3A_468], %add3A_466 {strides = array<i32>} : memref<128x128xf32, #tpu.memory_space<vmem>>, vector<16xf32>,
        %get3A_470 = arith.index_cast %scan3A_411 : i32 to index
        %get3A_471 = arith.constant 32 : index
        %get3A_472 = tpu.vector_load %arg6[%get3A_470, %get3A_471] {strides = array<i32>} : memref<128x128xf32, #tpu.memory_space<vmem>>, vector<16xf32>,
        %add3A_473 = arith.constant 32 : i32
        %add3A_474 = arith.addi %mul3A_421, %add3A_473 : i32
        %get3A_475 = arith.index_cast %select_n3A_445 : i32 to index
        %get3A_476 = arith.index_cast %add3A_474 : i32 to index
        %get3A_477 = tpu.vector_load %arg11[%get3A_475, %get3A_476] {strides = array<i32>} : memref<100x128xf32, #tpu.memory_space<vmem>>, vector<16xf32>,
        %add3A_478 = arith.addf %get3A_472, %get3A_477 : vector<16xf32>
        %swap3A_479 = arith.index_cast %scan3A_411 : i32 to index
        %swap3A_480 = arith.constant 32 : index
        %swap3A_481 = tpu.vector_load %arg6[%swap3A_479, %swap3A_480] {strides = array<i32>} : memref<128x128xf32, #tpu.memory_space<vmem>>, vector<16xf32>,
        tpu.vector_store %arg6[%swap3A_479, %swap3A_480], %add3A_478 {strides = array<i32>} : memref<128x128xf32, #tpu.memory_space<vmem>>, vector<16xf32>,
        %get3A_482 = arith.index_cast %scan3A_411 : i32 to index
        %get3A_483 = arith.constant 48 : index
        %get3A_484 = tpu.vector_load %arg6[%get3A_482, %get3A_483] {strides = array<i32>} : memref<128x128xf32, #tpu.memory_space<vmem>>, vector<16xf32>,
        %add3A_485 = arith.constant 48 : i32
        %add3A_486 = arith.addi %mul3A_421, %add3A_485 : i32
        %get3A_487 = arith.index_cast %select_n3A_445 : i32 to index
        %get3A_488 = arith.index_cast %add3A_486 : i32 to index
        %get3A_489 = tpu.vector_load %arg11[%get3A_487, %get3A_488] {strides = array<i32>} : memref<100x128xf32, #tpu.memory_space<vmem>>, vector<16xf32>,
        %add3A_490 = arith.addf %get3A_484, %get3A_489 : vector<16xf32>
        %swap3A_491 = arith.index_cast %scan3A_411 : i32 to index
        %swap3A_492 = arith.constant 48 : index
        %swap3A_493 = tpu.vector_load %arg6[%swap3A_491, %swap3A_492] {strides = array<i32>} : memref<128x128xf32, #tpu.memory_space<vmem>>, vector<16xf32>,
        tpu.vector_store %arg6[%swap3A_491, %swap3A_492], %add3A_490 {strides = array<i32>} : memref<128x128xf32, #tpu.memory_space<vmem>>, vector<16xf32>,
      }
      %scan3A_55 = arith.constant 128 : i32
      %mul3A_56 = arith.constant 128 : i32
      %mul3A_57 = arith.muli %add3A_40, %mul3A_56 : i32
      %add3A_58 = arith.addi %mul3A_2, %mul3A_57 : i32
      %dma_start3A_59 = arith.constant 0 : i32
      %dma_start3A_60 = tpu.memref_slice %arg5[%add3A_58, %dma_start3A_59] : memref<819200x128xf32, #tpu.memory_space<hbm>> -> memref<128x128xf32, #tpu.memory_space<hbm>>
      %dma_start3A_61 = arith.constant 0 : i32
      %dma_start3A_62 = tpu.memref_slice %arg5[%add3A_58, %dma_start3A_61] : memref<819200x128xf32, #tpu.memory_space<hbm>> -> memref<128x128xf32, #tpu.memory_space<hbm>>
      tpu.enqueue_dma source(%arg6 : memref<128x128xf32, #tpu.memory_space<vmem>>) target(%dma_start3A_62 : memref<128x128xf32, #tpu.memory_space<hbm>>) target_semaphore(%arg16 : memref<!tpu.dma_semaphore, #tpu.memory_space<semaphore_mem>>)
      %add3A_63 = arith.constant 2 : i32
      %add3A_64 = arith.addi %add3A_40, %add3A_63 : i32
      %lt3A = arith.constant 200 : i32
      %lt3A_65 = arith.cmpi slt, %add3A_64, %lt3A : i32
      %convert_element_type3A = arith.extui %lt3A_65 : i1 to i32
      %cond3A = arith.constant 0 : i32
      %cond3A_66 = arith.cmpi ne, %convert_element_type3A, %cond3A : i32
      scf.if %cond3A_66 {
        %ge3A = arith.constant 2 : i32
        %ge3A_169 = arith.cmpi sge, %add3A_40, %ge3A : i32
        %convert_element_type3A_170 = arith.extui %ge3A_169 : i1 to i32
        %cond3A_171 = arith.constant 0 : i32
        %cond3A_172 = arith.cmpi ne, %convert_element_type3A_170, %cond3A_171 : i32
        scf.if %cond3A_172 {
          %dma_wait3A_179 = arith.constant 0 : i32
          %dma_wait3A_180 = tpu.memref_slice %arg5[%mul3A_2, %dma_wait3A_179] : memref<819200x128xf32, #tpu.memory_space<hbm>> -> memref<128x128xf32, #tpu.memory_space<hbm>>
          %dma_wait3A_181 = arith.constant 0 : i32
          %dma_wait3A_182 = tpu.memref_slice %arg5[%mul3A_2, %dma_wait3A_181] : memref<819200x128xf32, #tpu.memory_space<hbm>> -> memref<128x128xf32, #tpu.memory_space<hbm>>
          tpu.wait_dma2 semaphore(%arg18 : memref<!tpu.dma_semaphore, #tpu.memory_space<semaphore_mem>>) src(%arg8 : memref<128x128xf32, #tpu.memory_space<vmem>>) dst(%dma_wait3A_182 : memref<128x128xf32, #tpu.memory_space<hbm>>)
        } else {
        }
        %dma_start3A_173 = arith.constant 0 : i32
        %dma_start3A_174 = tpu.memref_slice %arg10[%add3A_64, %dma_start3A_173] : memref<200x128xi32, #tpu.memory_space<vmem>> -> memref<1x128xi32, #tpu.memory_space<vmem>>
        %dma_start3A_175 = tpu.memref_squeeze %dma_start3A_174 : memref<1x128xi32, #tpu.memory_space<vmem>> -> memref<128xi32, #tpu.memory_space<vmem>>
        %dma_start3A_176 = arith.constant 0 : i32
        %dma_start3A_177 = arith.constant 0 : i32
        %dma_start3A_178 = tpu.memref_slice %arg3[%dma_start3A_176, %dma_start3A_177] : memref<1000000x128xf32, #tpu.memory_space<hbm>> -> memref<1000000x128xf32, #tpu.memory_space<hbm>>
        tpu.enqueue_indirect_dma source(%dma_start3A_178 : memref<1000000x128xf32, #tpu.memory_space<hbm>>) target(%arg8 : memref<128x128xf32, #tpu.memory_space<vmem>>) offsets(%dma_start3A_175 : memref<128xi32, #tpu.memory_space<vmem>>) semaphore(%arg14 : memref<!tpu.dma_semaphore, #tpu.memory_space<semaphore_mem>>)
      } else {
      }
      %mul3A_67 = arith.constant 4 : i32
      %mul3A_68 = arith.muli %scan3A_36, %mul3A_67 : i32
      %add3A_69 = arith.constant 1 : i32
      %add3A_70 = arith.addi %mul3A_68, %add3A_69 : i32
      %dma_wait3A_71 = arith.constant 0 : i32
      %dma_wait3A_72 = tpu.memref_slice %arg10[%add3A_70, %dma_wait3A_71] : memref<200x128xi32, #tpu.memory_space<vmem>> -> memref<1x128xi32, #tpu.memory_space<vmem>>
      %dma_wait3A_73 = tpu.memref_squeeze %dma_wait3A_72 : memref<1x128xi32, #tpu.memory_space<vmem>> -> memref<128xi32, #tpu.memory_space<vmem>>
      %dma_wait3A_74 = arith.constant 0 : i32
      %dma_wait3A_75 = arith.constant 0 : i32
      %dma_wait3A_76 = tpu.memref_slice %arg3[%dma_wait3A_74, %dma_wait3A_75] : memref<1000000x128xf32, #tpu.memory_space<hbm>> -> memref<1000000x128xf32, #tpu.memory_space<hbm>>
      tpu.wait_indirect_dma semaphore(%arg13 : memref<!tpu.dma_semaphore, #tpu.memory_space<semaphore_mem>>) src(%dma_wait3A_76 : memref<1000000x128xf32, #tpu.memory_space<hbm>>) dst(%arg7 : memref<128x128xf32, #tpu.memory_space<vmem>>)
      %mul3A_77 = arith.constant 128 : i32
      %mul3A_78 = arith.muli %add3A_70, %mul3A_77 : i32
      %rem3A_79 = arith.constant 200 : i32
      %rem3A_80 = arith.remsi %mul3A_78, %rem3A_79 : i32
      %scan3A_81 = arith.constant 0 : i32
      %scan3A_82 = arith.constant 0 : i32
      %scan3A_83 = arith.constant 128 : i32
      %scan3A_84 = arith.addi %scan3A_82, %scan3A_83 : i32
      %scan3A_85 = arith.constant 4 : i32
      scf.for %scan3A_169 = %scan3A_82 to %scan3A_84 step %scan3A_85  : i32 {
        %add3A_170 = arith.addi %rem3A_80, %scan3A_169 : i32
        %ge3A = arith.constant 200 : i32
        %ge3A_171 = arith.cmpi sge, %add3A_170, %ge3A : i32
        %sub3A = arith.constant 200 : i32
        %sub3A_172 = arith.subi %add3A_170, %sub3A : i32
        %select_n3A = arith.select %ge3A_171, %sub3A_172, %add3A_170 : i32
        %and3A = arith.constant 1 : i32
        %and3A_173 = arith.andi %select_n3A, %and3A : i32
        %mul3A_174 = arith.constant 64 : i32
        %mul3A_175 = arith.muli %and3A_173, %mul3A_174 : i32
        %jit3A = arith.constant 2 : i32
        %div3A = arith.divsi %select_n3A, %jit3A : i32
        %sign3A = arith.constant 0 : i32
        %sign3A_176 = arith.cmpi sgt, %select_n3A, %sign3A : i32
        %sign3A_177 = arith.extui %sign3A_176 : i1 to i32
        %sign3A_178 = arith.constant 0 : i32
        %sign3A_179 = arith.cmpi slt, %select_n3A, %sign3A_178 : i32
        %sign3A_180 = arith.extui %sign3A_179 : i1 to i32
        %sign3A_181 = arith.subi %sign3A_177, %sign3A_180 : i32
        %sign3A_182 = arith.constant 0 : i32
        %sign3A_183 = arith.cmpi sgt, %jit3A, %sign3A_182 : i32
        %sign3A_184 = arith.extui %sign3A_183 : i1 to i32
        %sign3A_185 = arith.constant 0 : i32
        %sign3A_186 = arith.cmpi slt, %jit3A, %sign3A_185 : i32
        %sign3A_187 = arith.extui %sign3A_186 : i1 to i32
        %sign3A_188 = arith.subi %sign3A_184, %sign3A_187 : i32
        %ne3A = arith.cmpi ne, %sign3A_181, %sign3A_188 : i32
        %rem3A_189 = arith.remsi %select_n3A, %jit3A : i32
        %ne3A_190 = arith.constant 0 : i32
        %ne3A_191 = arith.cmpi ne, %rem3A_189, %ne3A_190 : i32
        %and3A_192 = arith.andi %ne3A, %ne3A_191 : i1
        %sub3A_193 = arith.constant 1 : i32
        %sub3A_194 = arith.subi %div3A, %sub3A_193 : i32
        %select_n3A_195 = arith.select %and3A_192, %sub3A_194, %div3A : i32
        %get3A = arith.index_cast %scan3A_169 : i32 to index
        %get3A_196 = arith.constant 0 : index
        %get3A_197 = tpu.vector_load %arg7[%get3A, %get3A_196] {strides = array<i32>} : memref<128x128xf32, #tpu.memory_space<vmem>>, vector<16xf32>,
        %add3A_198 = arith.constant 0 : i32
        %add3A_199 = arith.addi %mul3A_175, %add3A_198 : i32
        %get3A_200 = arith.index_cast %select_n3A_195 : i32 to index
        %get3A_201 = arith.index_cast %add3A_199 : i32 to index
        %get3A_202 = tpu.vector_load %arg11[%get3A_200, %get3A_201] {strides = array<i32>} : memref<100x128xf32, #tpu.memory_space<vmem>>, vector<16xf32>,
        %add3A_203 = arith.addf %get3A_197, %get3A_202 : vector<16xf32>
        %swap3A = arith.index_cast %scan3A_169 : i32 to index
        %swap3A_204 = arith.constant 0 : index
        %swap3A_205 = tpu.vector_load %arg7[%swap3A, %swap3A_204] {strides = array<i32>} : memref<128x128xf32, #tpu.memory_space<vmem>>, vector<16xf32>,
        tpu.vector_store %arg7[%swap3A, %swap3A_204], %add3A_203 {strides = array<i32>} : memref<128x128xf32, #tpu.memory_space<vmem>>, vector<16xf32>,
        %get3A_206 = arith.index_cast %scan3A_169 : i32 to index
        %get3A_207 = arith.constant 16 : index
        %get3A_208 = tpu.vector_load %arg7[%get3A_206, %get3A_207] {strides = array<i32>} : memref<128x128xf32, #tpu.memory_space<vmem>>, vector<16xf32>,
        %add3A_209 = arith.constant 16 : i32
        %add3A_210 = arith.addi %mul3A_175, %add3A_209 : i32
        %get3A_211 = arith.index_cast %select_n3A_195 : i32 to index
        %get3A_212 = arith.index_cast %add3A_210 : i32 to index
        %get3A_213 = tpu.vector_load %arg11[%get3A_211, %get3A_212] {strides = array<i32>} : memref<100x128xf32, #tpu.memory_space<vmem>>, vector<16xf32>,
        %add3A_214 = arith.addf %get3A_208, %get3A_213 : vector<16xf32>
        %swap3A_215 = arith.index_cast %scan3A_169 : i32 to index
        %swap3A_216 = arith.constant 16 : index
        %swap3A_217 = tpu.vector_load %arg7[%swap3A_215, %swap3A_216] {strides = array<i32>} : memref<128x128xf32, #tpu.memory_space<vmem>>, vector<16xf32>,
        tpu.vector_store %arg7[%swap3A_215, %swap3A_216], %add3A_214 {strides = array<i32>} : memref<128x128xf32, #tpu.memory_space<vmem>>, vector<16xf32>,
        %get3A_218 = arith.index_cast %scan3A_169 : i32 to index
        %get3A_219 = arith.constant 32 : index
        %get3A_220 = tpu.vector_load %arg7[%get3A_218, %get3A_219] {strides = array<i32>} : memref<128x128xf32, #tpu.memory_space<vmem>>, vector<16xf32>,
        %add3A_221 = arith.constant 32 : i32
        %add3A_222 = arith.addi %mul3A_175, %add3A_221 : i32
        %get3A_223 = arith.index_cast %select_n3A_195 : i32 to index
        %get3A_224 = arith.index_cast %add3A_222 : i32 to index
        %get3A_225 = tpu.vector_load %arg11[%get3A_223, %get3A_224] {strides = array<i32>} : memref<100x128xf32, #tpu.memory_space<vmem>>, vector<16xf32>,
        %add3A_226 = arith.addf %get3A_220, %get3A_225 : vector<16xf32>
        %swap3A_227 = arith.index_cast %scan3A_169 : i32 to index
        %swap3A_228 = arith.constant 32 : index
        %swap3A_229 = tpu.vector_load %arg7[%swap3A_227, %swap3A_228] {strides = array<i32>} : memref<128x128xf32, #tpu.memory_space<vmem>>, vector<16xf32>,
        tpu.vector_store %arg7[%swap3A_227, %swap3A_228], %add3A_226 {strides = array<i32>} : memref<128x128xf32, #tpu.memory_space<vmem>>, vector<16xf32>,
        %get3A_230 = arith.index_cast %scan3A_169 : i32 to index
        %get3A_231 = arith.constant 48 : index
        %get3A_232 = tpu.vector_load %arg7[%get3A_230, %get3A_231] {strides = array<i32>} : memref<128x128xf32, #tpu.memory_space<vmem>>, vector<16xf32>,
        %add3A_233 = arith.constant 48 : i32
        %add3A_234 = arith.addi %mul3A_175, %add3A_233 : i32
        %get3A_235 = arith.index_cast %select_n3A_195 : i32 to index
        %get3A_236 = arith.index_cast %add3A_234 : i32 to index
        %get3A_237 = tpu.vector_load %arg11[%get3A_235, %get3A_236] {strides = array<i32>} : memref<100x128xf32, #tpu.memory_space<vmem>>, vector<16xf32>,
        %add3A_238 = arith.addf %get3A_232, %get3A_237 : vector<16xf32>
        %swap3A_239 = arith.index_cast %scan3A_169 : i32 to index
        %swap3A_240 = arith.constant 48 : index
        %swap3A_241 = tpu.vector_load %arg7[%swap3A_239, %swap3A_240] {strides = array<i32>} : memref<128x128xf32, #tpu.memory_space<vmem>>, vector<16xf32>,
        tpu.vector_store %arg7[%swap3A_239, %swap3A_240], %add3A_238 {strides = array<i32>} : memref<128x128xf32, #tpu.memory_space<vmem>>, vector<16xf32>,
        %scan3A_242 = arith.constant 1 : i32
        %scan3A_243 = arith.addi %scan3A_169, %scan3A_242 : i32
        %add3A_244 = arith.addi %rem3A_80, %scan3A_243 : i32
        %ge3A_245 = arith.constant 200 : i32
        %ge3A_246 = arith.cmpi sge, %add3A_244, %ge3A_245 : i32
        %sub3A_247 = arith.constant 200 : i32
        %sub3A_248 = arith.subi %add3A_244, %sub3A_247 : i32
        %select_n3A_249 = arith.select %ge3A_246, %sub3A_248, %add3A_244 : i32
        %and3A_250 = arith.constant 1 : i32
        %and3A_251 = arith.andi %select_n3A_249, %and3A_250 : i32
        %mul3A_252 = arith.constant 64 : i32
        %mul3A_253 = arith.muli %and3A_251, %mul3A_252 : i32
        %jit3A_254 = arith.constant 2 : i32
        %div3A_255 = arith.divsi %select_n3A_249, %jit3A_254 : i32
        %sign3A_256 = arith.constant 0 : i32
        %sign3A_257 = arith.cmpi sgt, %select_n3A_249, %sign3A_256 : i32
        %sign3A_258 = arith.extui %sign3A_257 : i1 to i32
        %sign3A_259 = arith.constant 0 : i32
        %sign3A_260 = arith.cmpi slt, %select_n3A_249, %sign3A_259 : i32
        %sign3A_261 = arith.extui %sign3A_260 : i1 to i32
        %sign3A_262 = arith.subi %sign3A_258, %sign3A_261 : i32
        %sign3A_263 = arith.constant 0 : i32
        %sign3A_264 = arith.cmpi sgt, %jit3A_254, %sign3A_263 : i32
        %sign3A_265 = arith.extui %sign3A_264 : i1 to i32
        %sign3A_266 = arith.constant 0 : i32
        %sign3A_267 = arith.cmpi slt, %jit3A_254, %sign3A_266 : i32
        %sign3A_268 = arith.extui %sign3A_267 : i1 to i32
        %sign3A_269 = arith.subi %sign3A_265, %sign3A_268 : i32
        %ne3A_270 = arith.cmpi ne, %sign3A_262, %sign3A_269 : i32
        %rem3A_271 = arith.remsi %select_n3A_249, %jit3A_254 : i32
        %ne3A_272 = arith.constant 0 : i32
        %ne3A_273 = arith.cmpi ne, %rem3A_271, %ne3A_272 : i32
        %and3A_274 = arith.andi %ne3A_270, %ne3A_273 : i1
        %sub3A_275 = arith.constant 1 : i32
        %sub3A_276 = arith.subi %div3A_255, %sub3A_275 : i32
        %select_n3A_277 = arith.select %and3A_274, %sub3A_276, %div3A_255 : i32
        %get3A_278 = arith.index_cast %scan3A_243 : i32 to index
        %get3A_279 = arith.constant 0 : index
        %get3A_280 = tpu.vector_load %arg7[%get3A_278, %get3A_279] {strides = array<i32>} : memref<128x128xf32, #tpu.memory_space<vmem>>, vector<16xf32>,
        %add3A_281 = arith.constant 0 : i32
        %add3A_282 = arith.addi %mul3A_253, %add3A_281 : i32
        %get3A_283 = arith.index_cast %select_n3A_277 : i32 to index
        %get3A_284 = arith.index_cast %add3A_282 : i32 to index
        %get3A_285 = tpu.vector_load %arg11[%get3A_283, %get3A_284] {strides = array<i32>} : memref<100x128xf32, #tpu.memory_space<vmem>>, vector<16xf32>,
        %add3A_286 = arith.addf %get3A_280, %get3A_285 : vector<16xf32>
        %swap3A_287 = arith.index_cast %scan3A_243 : i32 to index
        %swap3A_288 = arith.constant 0 : index
        %swap3A_289 = tpu.vector_load %arg7[%swap3A_287, %swap3A_288] {strides = array<i32>} : memref<128x128xf32, #tpu.memory_space<vmem>>, vector<16xf32>,
        tpu.vector_store %arg7[%swap3A_287, %swap3A_288], %add3A_286 {strides = array<i32>} : memref<128x128xf32, #tpu.memory_space<vmem>>, vector<16xf32>,
        %get3A_290 = arith.index_cast %scan3A_243 : i32 to index
        %get3A_291 = arith.constant 16 : index
        %get3A_292 = tpu.vector_load %arg7[%get3A_290, %get3A_291] {strides = array<i32>} : memref<128x128xf32, #tpu.memory_space<vmem>>, vector<16xf32>,
        %add3A_293 = arith.constant 16 : i32
        %add3A_294 = arith.addi %mul3A_253, %add3A_293 : i32
        %get3A_295 = arith.index_cast %select_n3A_277 : i32 to index
        %get3A_296 = arith.index_cast %add3A_294 : i32 to index
        %get3A_297 = tpu.vector_load %arg11[%get3A_295, %get3A_296] {strides = array<i32>} : memref<100x128xf32, #tpu.memory_space<vmem>>, vector<16xf32>,
        %add3A_298 = arith.addf %get3A_292, %get3A_297 : vector<16xf32>
        %swap3A_299 = arith.index_cast %scan3A_243 : i32 to index
        %swap3A_300 = arith.constant 16 : index
        %swap3A_301 = tpu.vector_load %arg7[%swap3A_299, %swap3A_300] {strides = array<i32>} : memref<128x128xf32, #tpu.memory_space<vmem>>, vector<16xf32>,
        tpu.vector_store %arg7[%swap3A_299, %swap3A_300], %add3A_298 {strides = array<i32>} : memref<128x128xf32, #tpu.memory_space<vmem>>, vector<16xf32>,
        %get3A_302 = arith.index_cast %scan3A_243 : i32 to index
        %get3A_303 = arith.constant 32 : index
        %get3A_304 = tpu.vector_load %arg7[%get3A_302, %get3A_303] {strides = array<i32>} : memref<128x128xf32, #tpu.memory_space<vmem>>, vector<16xf32>,
        %add3A_305 = arith.constant 32 : i32
        %add3A_306 = arith.addi %mul3A_253, %add3A_305 : i32
        %get3A_307 = arith.index_cast %select_n3A_277 : i32 to index
        %get3A_308 = arith.index_cast %add3A_306 : i32 to index
        %get3A_309 = tpu.vector_load %arg11[%get3A_307, %get3A_308] {strides = array<i32>} : memref<100x128xf32, #tpu.memory_space<vmem>>, vector<16xf32>,
        %add3A_310 = arith.addf %get3A_304, %get3A_309 : vector<16xf32>
        %swap3A_311 = arith.index_cast %scan3A_243 : i32 to index
        %swap3A_312 = arith.constant 32 : index
        %swap3A_313 = tpu.vector_load %arg7[%swap3A_311, %swap3A_312] {strides = array<i32>} : memref<128x128xf32, #tpu.memory_space<vmem>>, vector<16xf32>,
        tpu.vector_store %arg7[%swap3A_311, %swap3A_312], %add3A_310 {strides = array<i32>} : memref<128x128xf32, #tpu.memory_space<vmem>>, vector<16xf32>,
        %get3A_314 = arith.index_cast %scan3A_243 : i32 to index
        %get3A_315 = arith.constant 48 : index
        %get3A_316 = tpu.vector_load %arg7[%get3A_314, %get3A_315] {strides = array<i32>} : memref<128x128xf32, #tpu.memory_space<vmem>>, vector<16xf32>,
        %add3A_317 = arith.constant 48 : i32
        %add3A_318 = arith.addi %mul3A_253, %add3A_317 : i32
        %get3A_319 = arith.index_cast %select_n3A_277 : i32 to index
        %get3A_320 = arith.index_cast %add3A_318 : i32 to index
        %get3A_321 = tpu.vector_load %arg11[%get3A_319, %get3A_320] {strides = array<i32>} : memref<100x128xf32, #tpu.memory_space<vmem>>, vector<16xf32>,
        %add3A_322 = arith.addf %get3A_316, %get3A_321 : vector<16xf32>
        %swap3A_323 = arith.index_cast %scan3A_243 : i32 to index
        %swap3A_324 = arith.constant 48 : index
        %swap3A_325 = tpu.vector_load %arg7[%swap3A_323, %swap3A_324] {strides = array<i32>} : memref<128x128xf32, #tpu.memory_space<vmem>>, vector<16xf32>,
        tpu.vector_store %arg7[%swap3A_323, %swap3A_324], %add3A_322 {strides = array<i32>} : memref<128x128xf32, #tpu.memory_space<vmem>>, vector<16xf32>,
        %scan3A_326 = arith.constant 2 : i32
        %scan3A_327 = arith.addi %scan3A_169, %scan3A_326 : i32
        %add3A_328 = arith.addi %rem3A_80, %scan3A_327 : i32
        %ge3A_329 = arith.constant 200 : i32
        %ge3A_330 = arith.cmpi sge, %add3A_328, %ge3A_329 : i32
        %sub3A_331 = arith.constant 200 : i32
        %sub3A_332 = arith.subi %add3A_328, %sub3A_331 : i32
        %select_n3A_333 = arith.select %ge3A_330, %sub3A_332, %add3A_328 : i32
        %and3A_334 = arith.constant 1 : i32
        %and3A_335 = arith.andi %select_n3A_333, %and3A_334 : i32
        %mul3A_336 = arith.constant 64 : i32
        %mul3A_337 = arith.muli %and3A_335, %mul3A_336 : i32
        %jit3A_338 = arith.constant 2 : i32
        %div3A_339 = arith.divsi %select_n3A_333, %jit3A_338 : i32
        %sign3A_340 = arith.constant 0 : i32
        %sign3A_341 = arith.cmpi sgt, %select_n3A_333, %sign3A_340 : i32
        %sign3A_342 = arith.extui %sign3A_341 : i1 to i32
        %sign3A_343 = arith.constant 0 : i32
        %sign3A_344 = arith.cmpi slt, %select_n3A_333, %sign3A_343 : i32
        %sign3A_345 = arith.extui %sign3A_344 : i1 to i32
        %sign3A_346 = arith.subi %sign3A_342, %sign3A_345 : i32
        %sign3A_347 = arith.constant 0 : i32
        %sign3A_348 = arith.cmpi sgt, %jit3A_338, %sign3A_347 : i32
        %sign3A_349 = arith.extui %sign3A_348 : i1 to i32
        %sign3A_350 = arith.constant 0 : i32
        %sign3A_351 = arith.cmpi slt, %jit3A_338, %sign3A_350 : i32
        %sign3A_352 = arith.extui %sign3A_351 : i1 to i32
        %sign3A_353 = arith.subi %sign3A_349, %sign3A_352 : i32
        %ne3A_354 = arith.cmpi ne, %sign3A_346, %sign3A_353 : i32
        %rem3A_355 = arith.remsi %select_n3A_333, %jit3A_338 : i32
        %ne3A_356 = arith.constant 0 : i32
        %ne3A_357 = arith.cmpi ne, %rem3A_355, %ne3A_356 : i32
        %and3A_358 = arith.andi %ne3A_354, %ne3A_357 : i1
        %sub3A_359 = arith.constant 1 : i32
        %sub3A_360 = arith.subi %div3A_339, %sub3A_359 : i32
        %select_n3A_361 = arith.select %and3A_358, %sub3A_360, %div3A_339 : i32
        %get3A_362 = arith.index_cast %scan3A_327 : i32 to index
        %get3A_363 = arith.constant 0 : index
        %get3A_364 = tpu.vector_load %arg7[%get3A_362, %get3A_363] {strides = array<i32>} : memref<128x128xf32, #tpu.memory_space<vmem>>, vector<16xf32>,
        %add3A_365 = arith.constant 0 : i32
        %add3A_366 = arith.addi %mul3A_337, %add3A_365 : i32
        %get3A_367 = arith.index_cast %select_n3A_361 : i32 to index
        %get3A_368 = arith.index_cast %add3A_366 : i32 to index
        %get3A_369 = tpu.vector_load %arg11[%get3A_367, %get3A_368] {strides = array<i32>} : memref<100x128xf32, #tpu.memory_space<vmem>>, vector<16xf32>,
        %add3A_370 = arith.addf %get3A_364, %get3A_369 : vector<16xf32>
        %swap3A_371 = arith.index_cast %scan3A_327 : i32 to index
        %swap3A_372 = arith.constant 0 : index
        %swap3A_373 = tpu.vector_load %arg7[%swap3A_371, %swap3A_372] {strides = array<i32>} : memref<128x128xf32, #tpu.memory_space<vmem>>, vector<16xf32>,
        tpu.vector_store %arg7[%swap3A_371, %swap3A_372], %add3A_370 {strides = array<i32>} : memref<128x128xf32, #tpu.memory_space<vmem>>, vector<16xf32>,
        %get3A_374 = arith.index_cast %scan3A_327 : i32 to index
        %get3A_375 = arith.constant 16 : index
        %get3A_376 = tpu.vector_load %arg7[%get3A_374, %get3A_375] {strides = array<i32>} : memref<128x128xf32, #tpu.memory_space<vmem>>, vector<16xf32>,
        %add3A_377 = arith.constant 16 : i32
        %add3A_378 = arith.addi %mul3A_337, %add3A_377 : i32
        %get3A_379 = arith.index_cast %select_n3A_361 : i32 to index
        %get3A_380 = arith.index_cast %add3A_378 : i32 to index
        %get3A_381 = tpu.vector_load %arg11[%get3A_379, %get3A_380] {strides = array<i32>} : memref<100x128xf32, #tpu.memory_space<vmem>>, vector<16xf32>,
        %add3A_382 = arith.addf %get3A_376, %get3A_381 : vector<16xf32>
        %swap3A_383 = arith.index_cast %scan3A_327 : i32 to index
        %swap3A_384 = arith.constant 16 : index
        %swap3A_385 = tpu.vector_load %arg7[%swap3A_383, %swap3A_384] {strides = array<i32>} : memref<128x128xf32, #tpu.memory_space<vmem>>, vector<16xf32>,
        tpu.vector_store %arg7[%swap3A_383, %swap3A_384], %add3A_382 {strides = array<i32>} : memref<128x128xf32, #tpu.memory_space<vmem>>, vector<16xf32>,
        %get3A_386 = arith.index_cast %scan3A_327 : i32 to index
        %get3A_387 = arith.constant 32 : index
        %get3A_388 = tpu.vector_load %arg7[%get3A_386, %get3A_387] {strides = array<i32>} : memref<128x128xf32, #tpu.memory_space<vmem>>, vector<16xf32>,
        %add3A_389 = arith.constant 32 : i32
        %add3A_390 = arith.addi %mul3A_337, %add3A_389 : i32
        %get3A_391 = arith.index_cast %select_n3A_361 : i32 to index
        %get3A_392 = arith.index_cast %add3A_390 : i32 to index
        %get3A_393 = tpu.vector_load %arg11[%get3A_391, %get3A_392] {strides = array<i32>} : memref<100x128xf32, #tpu.memory_space<vmem>>, vector<16xf32>,
        %add3A_394 = arith.addf %get3A_388, %get3A_393 : vector<16xf32>
        %swap3A_395 = arith.index_cast %scan3A_327 : i32 to index
        %swap3A_396 = arith.constant 32 : index
        %swap3A_397 = tpu.vector_load %arg7[%swap3A_395, %swap3A_396] {strides = array<i32>} : memref<128x128xf32, #tpu.memory_space<vmem>>, vector<16xf32>,
        tpu.vector_store %arg7[%swap3A_395, %swap3A_396], %add3A_394 {strides = array<i32>} : memref<128x128xf32, #tpu.memory_space<vmem>>, vector<16xf32>,
        %get3A_398 = arith.index_cast %scan3A_327 : i32 to index
        %get3A_399 = arith.constant 48 : index
        %get3A_400 = tpu.vector_load %arg7[%get3A_398, %get3A_399] {strides = array<i32>} : memref<128x128xf32, #tpu.memory_space<vmem>>, vector<16xf32>,
        %add3A_401 = arith.constant 48 : i32
        %add3A_402 = arith.addi %mul3A_337, %add3A_401 : i32
        %get3A_403 = arith.index_cast %select_n3A_361 : i32 to index
        %get3A_404 = arith.index_cast %add3A_402 : i32 to index
        %get3A_405 = tpu.vector_load %arg11[%get3A_403, %get3A_404] {strides = array<i32>} : memref<100x128xf32, #tpu.memory_space<vmem>>, vector<16xf32>,
        %add3A_406 = arith.addf %get3A_400, %get3A_405 : vector<16xf32>
        %swap3A_407 = arith.index_cast %scan3A_327 : i32 to index
        %swap3A_408 = arith.constant 48 : index
        %swap3A_409 = tpu.vector_load %arg7[%swap3A_407, %swap3A_408] {strides = array<i32>} : memref<128x128xf32, #tpu.memory_space<vmem>>, vector<16xf32>,
        tpu.vector_store %arg7[%swap3A_407, %swap3A_408], %add3A_406 {strides = array<i32>} : memref<128x128xf32, #tpu.memory_space<vmem>>, vector<16xf32>,
        %scan3A_410 = arith.constant 3 : i32
        %scan3A_411 = arith.addi %scan3A_169, %scan3A_410 : i32
        %add3A_412 = arith.addi %rem3A_80, %scan3A_411 : i32
        %ge3A_413 = arith.constant 200 : i32
        %ge3A_414 = arith.cmpi sge, %add3A_412, %ge3A_413 : i32
        %sub3A_415 = arith.constant 200 : i32
        %sub3A_416 = arith.subi %add3A_412, %sub3A_415 : i32
        %select_n3A_417 = arith.select %ge3A_414, %sub3A_416, %add3A_412 : i32
        %and3A_418 = arith.constant 1 : i32
        %and3A_419 = arith.andi %select_n3A_417, %and3A_418 : i32
        %mul3A_420 = arith.constant 64 : i32
        %mul3A_421 = arith.muli %and3A_419, %mul3A_420 : i32
        %jit3A_422 = arith.constant 2 : i32
        %div3A_423 = arith.divsi %select_n3A_417, %jit3A_422 : i32
        %sign3A_424 = arith.constant 0 : i32
        %sign3A_425 = arith.cmpi sgt, %select_n3A_417, %sign3A_424 : i32
        %sign3A_426 = arith.extui %sign3A_425 : i1 to i32
        %sign3A_427 = arith.constant 0 : i32
        %sign3A_428 = arith.cmpi slt, %select_n3A_417, %sign3A_427 : i32
        %sign3A_429 = arith.extui %sign3A_428 : i1 to i32
        %sign3A_430 = arith.subi %sign3A_426, %sign3A_429 : i32
        %sign3A_431 = arith.constant 0 : i32
        %sign3A_432 = arith.cmpi sgt, %jit3A_422, %sign3A_431 : i32
        %sign3A_433 = arith.extui %sign3A_432 : i1 to i32
        %sign3A_434 = arith.constant 0 : i32
        %sign3A_435 = arith.cmpi slt, %jit3A_422, %sign3A_434 : i32
        %sign3A_436 = arith.extui %sign3A_435 : i1 to i32
        %sign3A_437 = arith.subi %sign3A_433, %sign3A_436 : i32
        %ne3A_438 = arith.cmpi ne, %sign3A_430, %sign3A_437 : i32
        %rem3A_439 = arith.remsi %select_n3A_417, %jit3A_422 : i32
        %ne3A_440 = arith.constant 0 : i32
        %ne3A_441 = arith.cmpi ne, %rem3A_439, %ne3A_440 : i32
        %and3A_442 = arith.andi %ne3A_438, %ne3A_441 : i1
        %sub3A_443 = arith.constant 1 : i32
        %sub3A_444 = arith.subi %div3A_423, %sub3A_443 : i32
        %select_n3A_445 = arith.select %and3A_442, %sub3A_444, %div3A_423 : i32
        %get3A_446 = arith.index_cast %scan3A_411 : i32 to index
        %get3A_447 = arith.constant 0 : index
        %get3A_448 = tpu.vector_load %arg7[%get3A_446, %get3A_447] {strides = array<i32>} : memref<128x128xf32, #tpu.memory_space<vmem>>, vector<16xf32>,
        %add3A_449 = arith.constant 0 : i32
        %add3A_450 = arith.addi %mul3A_421, %add3A_449 : i32
        %get3A_451 = arith.index_cast %select_n3A_445 : i32 to index
        %get3A_452 = arith.index_cast %add3A_450 : i32 to index
        %get3A_453 = tpu.vector_load %arg11[%get3A_451, %get3A_452] {strides = array<i32>} : memref<100x128xf32, #tpu.memory_space<vmem>>, vector<16xf32>,
        %add3A_454 = arith.addf %get3A_448, %get3A_453 : vector<16xf32>
        %swap3A_455 = arith.index_cast %scan3A_411 : i32 to index
        %swap3A_456 = arith.constant 0 : index
        %swap3A_457 = tpu.vector_load %arg7[%swap3A_455, %swap3A_456] {strides = array<i32>} : memref<128x128xf32, #tpu.memory_space<vmem>>, vector<16xf32>,
        tpu.vector_store %arg7[%swap3A_455, %swap3A_456], %add3A_454 {strides = array<i32>} : memref<128x128xf32, #tpu.memory_space<vmem>>, vector<16xf32>,
        %get3A_458 = arith.index_cast %scan3A_411 : i32 to index
        %get3A_459 = arith.constant 16 : index
        %get3A_460 = tpu.vector_load %arg7[%get3A_458, %get3A_459] {strides = array<i32>} : memref<128x128xf32, #tpu.memory_space<vmem>>, vector<16xf32>,
        %add3A_461 = arith.constant 16 : i32
        %add3A_462 = arith.addi %mul3A_421, %add3A_461 : i32
        %get3A_463 = arith.index_cast %select_n3A_445 : i32 to index
        %get3A_464 = arith.index_cast %add3A_462 : i32 to index
        %get3A_465 = tpu.vector_load %arg11[%get3A_463, %get3A_464] {strides = array<i32>} : memref<100x128xf32, #tpu.memory_space<vmem>>, vector<16xf32>,
        %add3A_466 = arith.addf %get3A_460, %get3A_465 : vector<16xf32>
        %swap3A_467 = arith.index_cast %scan3A_411 : i32 to index
        %swap3A_468 = arith.constant 16 : index
        %swap3A_469 = tpu.vector_load %arg7[%swap3A_467, %swap3A_468] {strides = array<i32>} : memref<128x128xf32, #tpu.memory_space<vmem>>, vector<16xf32>,
        tpu.vector_store %arg7[%swap3A_467, %swap3A_468], %add3A_466 {strides = array<i32>} : memref<128x128xf32, #tpu.memory_space<vmem>>, vector<16xf32>,
        %get3A_470 = arith.index_cast %scan3A_411 : i32 to index
        %get3A_471 = arith.constant 32 : index
        %get3A_472 = tpu.vector_load %arg7[%get3A_470, %get3A_471] {strides = array<i32>} : memref<128x128xf32, #tpu.memory_space<vmem>>, vector<16xf32>,
        %add3A_473 = arith.constant 32 : i32
        %add3A_474 = arith.addi %mul3A_421, %add3A_473 : i32
        %get3A_475 = arith.index_cast %select_n3A_445 : i32 to index
        %get3A_476 = arith.index_cast %add3A_474 : i32 to index
        %get3A_477 = tpu.vector_load %arg11[%get3A_475, %get3A_476] {strides = array<i32>} : memref<100x128xf32, #tpu.memory_space<vmem>>, vector<16xf32>,
        %add3A_478 = arith.addf %get3A_472, %get3A_477 : vector<16xf32>
        %swap3A_479 = arith.index_cast %scan3A_411 : i32 to index
        %swap3A_480 = arith.constant 32 : index
        %swap3A_481 = tpu.vector_load %arg7[%swap3A_479, %swap3A_480] {strides = array<i32>} : memref<128x128xf32, #tpu.memory_space<vmem>>, vector<16xf32>,
        tpu.vector_store %arg7[%swap3A_479, %swap3A_480], %add3A_478 {strides = array<i32>} : memref<128x128xf32, #tpu.memory_space<vmem>>, vector<16xf32>,
        %get3A_482 = arith.index_cast %scan3A_411 : i32 to index
        %get3A_483 = arith.constant 48 : index
        %get3A_484 = tpu.vector_load %arg7[%get3A_482, %get3A_483] {strides = array<i32>} : memref<128x128xf32, #tpu.memory_space<vmem>>, vector<16xf32>,
        %add3A_485 = arith.constant 48 : i32
        %add3A_486 = arith.addi %mul3A_421, %add3A_485 : i32
        %get3A_487 = arith.index_cast %select_n3A_445 : i32 to index
        %get3A_488 = arith.index_cast %add3A_486 : i32 to index
        %get3A_489 = tpu.vector_load %arg11[%get3A_487, %get3A_488] {strides = array<i32>} : memref<100x128xf32, #tpu.memory_space<vmem>>, vector<16xf32>,
        %add3A_490 = arith.addf %get3A_484, %get3A_489 : vector<16xf32>
        %swap3A_491 = arith.index_cast %scan3A_411 : i32 to index
        %swap3A_492 = arith.constant 48 : index
        %swap3A_493 = tpu.vector_load %arg7[%swap3A_491, %swap3A_492] {strides = array<i32>} : memref<128x128xf32, #tpu.memory_space<vmem>>, vector<16xf32>,
        tpu.vector_store %arg7[%swap3A_491, %swap3A_492], %add3A_490 {strides = array<i32>} : memref<128x128xf32, #tpu.memory_space<vmem>>, vector<16xf32>,
      }
      %scan3A_86 = arith.constant 128 : i32
      %mul3A_87 = arith.constant 128 : i32
      %mul3A_88 = arith.muli %add3A_70, %mul3A_87 : i32
      %add3A_89 = arith.addi %mul3A_2, %mul3A_88 : i32
      %dma_start3A_90 = arith.constant 0 : i32
      %dma_start3A_91 = tpu.memref_slice %arg5[%add3A_89, %dma_start3A_90] : memref<819200x128xf32, #tpu.memory_space<hbm>> -> memref<128x128xf32, #tpu.memory_space<hbm>>
      %dma_start3A_92 = arith.constant 0 : i32
      %dma_start3A_93 = tpu.memref_slice %arg5[%add3A_89, %dma_start3A_92] : memref<819200x128xf32, #tpu.memory_space<hbm>> -> memref<128x128xf32, #tpu.memory_space<hbm>>
      tpu.enqueue_dma source(%arg7 : memref<128x128xf32, #tpu.memory_space<vmem>>) target(%dma_start3A_93 : memref<128x128xf32, #tpu.memory_space<hbm>>) target_semaphore(%arg17 : memref<!tpu.dma_semaphore, #tpu.memory_space<semaphore_mem>>)
      %add3A_94 = arith.constant 2 : i32
      %add3A_95 = arith.addi %add3A_70, %add3A_94 : i32
      %lt3A_96 = arith.constant 200 : i32
      %lt3A_97 = arith.cmpi slt, %add3A_95, %lt3A_96 : i32
      %convert_element_type3A_98 = arith.extui %lt3A_97 : i1 to i32
      %cond3A_99 = arith.constant 0 : i32
      %cond3A_100 = arith.cmpi ne, %convert_element_type3A_98, %cond3A_99 : i32
      scf.if %cond3A_100 {
        %ge3A = arith.constant 2 : i32
        %ge3A_169 = arith.cmpi sge, %add3A_70, %ge3A : i32
        %convert_element_type3A_170 = arith.extui %ge3A_169 : i1 to i32
        %cond3A_171 = arith.constant 0 : i32
        %cond3A_172 = arith.cmpi ne, %convert_element_type3A_170, %cond3A_171 : i32
        scf.if %cond3A_172 {
          %dma_wait3A_179 = arith.constant 0 : i32
          %dma_wait3A_180 = tpu.memref_slice %arg5[%mul3A_2, %dma_wait3A_179] : memref<819200x128xf32, #tpu.memory_space<hbm>> -> memref<128x128xf32, #tpu.memory_space<hbm>>
          %dma_wait3A_181 = arith.constant 0 : i32
          %dma_wait3A_182 = tpu.memref_slice %arg5[%mul3A_2, %dma_wait3A_181] : memref<819200x128xf32, #tpu.memory_space<hbm>> -> memref<128x128xf32, #tpu.memory_space<hbm>>
          tpu.wait_dma2 semaphore(%arg19 : memref<!tpu.dma_semaphore, #tpu.memory_space<semaphore_mem>>) src(%arg9 : memref<128x128xf32, #tpu.memory_space<vmem>>) dst(%dma_wait3A_182 : memref<128x128xf32, #tpu.memory_space<hbm>>)
        } else {
        }
        %dma_start3A_173 = arith.constant 0 : i32
        %dma_start3A_174 = tpu.memref_slice %arg10[%add3A_95, %dma_start3A_173] : memref<200x128xi32, #tpu.memory_space<vmem>> -> memref<1x128xi32, #tpu.memory_space<vmem>>
        %dma_start3A_175 = tpu.memref_squeeze %dma_start3A_174 : memref<1x128xi32, #tpu.memory_space<vmem>> -> memref<128xi32, #tpu.memory_space<vmem>>
        %dma_start3A_176 = arith.constant 0 : i32
        %dma_start3A_177 = arith.constant 0 : i32
        %dma_start3A_178 = tpu.memref_slice %arg3[%dma_start3A_176, %dma_start3A_177] : memref<1000000x128xf32, #tpu.memory_space<hbm>> -> memref<1000000x128xf32, #tpu.memory_space<hbm>>
        tpu.enqueue_indirect_dma source(%dma_start3A_178 : memref<1000000x128xf32, #tpu.memory_space<hbm>>) target(%arg9 : memref<128x128xf32, #tpu.memory_space<vmem>>) offsets(%dma_start3A_175 : memref<128xi32, #tpu.memory_space<vmem>>) semaphore(%arg15 : memref<!tpu.dma_semaphore, #tpu.memory_space<semaphore_mem>>)
      } else {
      }
      %mul3A_101 = arith.constant 4 : i32
      %mul3A_102 = arith.muli %scan3A_36, %mul3A_101 : i32
      %add3A_103 = arith.constant 2 : i32
      %add3A_104 = arith.addi %mul3A_102, %add3A_103 : i32
      %dma_wait3A_105 = arith.constant 0 : i32
      %dma_wait3A_106 = tpu.memref_slice %arg10[%add3A_104, %dma_wait3A_105] : memref<200x128xi32, #tpu.memory_space<vmem>> -> memref<1x128xi32, #tpu.memory_space<vmem>>
      %dma_wait3A_107 = tpu.memref_squeeze %dma_wait3A_106 : memref<1x128xi32, #tpu.memory_space<vmem>> -> memref<128xi32, #tpu.memory_space<vmem>>
      %dma_wait3A_108 = arith.constant 0 : i32
      %dma_wait3A_109 = arith.constant 0 : i32
      %dma_wait3A_110 = tpu.memref_slice %arg3[%dma_wait3A_108, %dma_wait3A_109] : memref<1000000x128xf32, #tpu.memory_space<hbm>> -> memref<1000000x128xf32, #tpu.memory_space<hbm>>
      tpu.wait_indirect_dma semaphore(%arg14 : memref<!tpu.dma_semaphore, #tpu.memory_space<semaphore_mem>>) src(%dma_wait3A_110 : memref<1000000x128xf32, #tpu.memory_space<hbm>>) dst(%arg8 : memref<128x128xf32, #tpu.memory_space<vmem>>)
      %mul3A_111 = arith.constant 128 : i32
      %mul3A_112 = arith.muli %add3A_104, %mul3A_111 : i32
      %rem3A_113 = arith.constant 200 : i32
      %rem3A_114 = arith.remsi %mul3A_112, %rem3A_113 : i32
      %scan3A_115 = arith.constant 0 : i32
      %scan3A_116 = arith.constant 0 : i32
      %scan3A_117 = arith.constant 128 : i32
      %scan3A_118 = arith.addi %scan3A_116, %scan3A_117 : i32
      %scan3A_119 = arith.constant 4 : i32
      scf.for %scan3A_169 = %scan3A_116 to %scan3A_118 step %scan3A_119  : i32 {
        %add3A_170 = arith.addi %rem3A_114, %scan3A_169 : i32
        %ge3A = arith.constant 200 : i32
        %ge3A_171 = arith.cmpi sge, %add3A_170, %ge3A : i32
        %sub3A = arith.constant 200 : i32
        %sub3A_172 = arith.subi %add3A_170, %sub3A : i32
        %select_n3A = arith.select %ge3A_171, %sub3A_172, %add3A_170 : i32
        %and3A = arith.constant 1 : i32
        %and3A_173 = arith.andi %select_n3A, %and3A : i32
        %mul3A_174 = arith.constant 64 : i32
        %mul3A_175 = arith.muli %and3A_173, %mul3A_174 : i32
        %jit3A = arith.constant 2 : i32
        %div3A = arith.divsi %select_n3A, %jit3A : i32
        %sign3A = arith.constant 0 : i32
        %sign3A_176 = arith.cmpi sgt, %select_n3A, %sign3A : i32
        %sign3A_177 = arith.extui %sign3A_176 : i1 to i32
        %sign3A_178 = arith.constant 0 : i32
        %sign3A_179 = arith.cmpi slt, %select_n3A, %sign3A_178 : i32
        %sign3A_180 = arith.extui %sign3A_179 : i1 to i32
        %sign3A_181 = arith.subi %sign3A_177, %sign3A_180 : i32
        %sign3A_182 = arith.constant 0 : i32
        %sign3A_183 = arith.cmpi sgt, %jit3A, %sign3A_182 : i32
        %sign3A_184 = arith.extui %sign3A_183 : i1 to i32
        %sign3A_185 = arith.constant 0 : i32
        %sign3A_186 = arith.cmpi slt, %jit3A, %sign3A_185 : i32
        %sign3A_187 = arith.extui %sign3A_186 : i1 to i32
        %sign3A_188 = arith.subi %sign3A_184, %sign3A_187 : i32
        %ne3A = arith.cmpi ne, %sign3A_181, %sign3A_188 : i32
        %rem3A_189 = arith.remsi %select_n3A, %jit3A : i32
        %ne3A_190 = arith.constant 0 : i32
        %ne3A_191 = arith.cmpi ne, %rem3A_189, %ne3A_190 : i32
        %and3A_192 = arith.andi %ne3A, %ne3A_191 : i1
        %sub3A_193 = arith.constant 1 : i32
        %sub3A_194 = arith.subi %div3A, %sub3A_193 : i32
        %select_n3A_195 = arith.select %and3A_192, %sub3A_194, %div3A : i32
        %get3A = arith.index_cast %scan3A_169 : i32 to index
        %get3A_196 = arith.constant 0 : index
        %get3A_197 = tpu.vector_load %arg8[%get3A, %get3A_196] {strides = array<i32>} : memref<128x128xf32, #tpu.memory_space<vmem>>, vector<16xf32>,
        %add3A_198 = arith.constant 0 : i32
        %add3A_199 = arith.addi %mul3A_175, %add3A_198 : i32
        %get3A_200 = arith.index_cast %select_n3A_195 : i32 to index
        %get3A_201 = arith.index_cast %add3A_199 : i32 to index
        %get3A_202 = tpu.vector_load %arg11[%get3A_200, %get3A_201] {strides = array<i32>} : memref<100x128xf32, #tpu.memory_space<vmem>>, vector<16xf32>,
        %add3A_203 = arith.addf %get3A_197, %get3A_202 : vector<16xf32>
        %swap3A = arith.index_cast %scan3A_169 : i32 to index
        %swap3A_204 = arith.constant 0 : index
        %swap3A_205 = tpu.vector_load %arg8[%swap3A, %swap3A_204] {strides = array<i32>} : memref<128x128xf32, #tpu.memory_space<vmem>>, vector<16xf32>,
        tpu.vector_store %arg8[%swap3A, %swap3A_204], %add3A_203 {strides = array<i32>} : memref<128x128xf32, #tpu.memory_space<vmem>>, vector<16xf32>,
        %get3A_206 = arith.index_cast %scan3A_169 : i32 to index
        %get3A_207 = arith.constant 16 : index
        %get3A_208 = tpu.vector_load %arg8[%get3A_206, %get3A_207] {strides = array<i32>} : memref<128x128xf32, #tpu.memory_space<vmem>>, vector<16xf32>,
        %add3A_209 = arith.constant 16 : i32
        %add3A_210 = arith.addi %mul3A_175, %add3A_209 : i32
        %get3A_211 = arith.index_cast %select_n3A_195 : i32 to index
        %get3A_212 = arith.index_cast %add3A_210 : i32 to index
        %get3A_213 = tpu.vector_load %arg11[%get3A_211, %get3A_212] {strides = array<i32>} : memref<100x128xf32, #tpu.memory_space<vmem>>, vector<16xf32>,
        %add3A_214 = arith.addf %get3A_208, %get3A_213 : vector<16xf32>
        %swap3A_215 = arith.index_cast %scan3A_169 : i32 to index
        %swap3A_216 = arith.constant 16 : index
        %swap3A_217 = tpu.vector_load %arg8[%swap3A_215, %swap3A_216] {strides = array<i32>} : memref<128x128xf32, #tpu.memory_space<vmem>>, vector<16xf32>,
        tpu.vector_store %arg8[%swap3A_215, %swap3A_216], %add3A_214 {strides = array<i32>} : memref<128x128xf32, #tpu.memory_space<vmem>>, vector<16xf32>,
        %get3A_218 = arith.index_cast %scan3A_169 : i32 to index
        %get3A_219 = arith.constant 32 : index
        %get3A_220 = tpu.vector_load %arg8[%get3A_218, %get3A_219] {strides = array<i32>} : memref<128x128xf32, #tpu.memory_space<vmem>>, vector<16xf32>,
        %add3A_221 = arith.constant 32 : i32
        %add3A_222 = arith.addi %mul3A_175, %add3A_221 : i32
        %get3A_223 = arith.index_cast %select_n3A_195 : i32 to index
        %get3A_224 = arith.index_cast %add3A_222 : i32 to index
        %get3A_225 = tpu.vector_load %arg11[%get3A_223, %get3A_224] {strides = array<i32>} : memref<100x128xf32, #tpu.memory_space<vmem>>, vector<16xf32>,
        %add3A_226 = arith.addf %get3A_220, %get3A_225 : vector<16xf32>
        %swap3A_227 = arith.index_cast %scan3A_169 : i32 to index
        %swap3A_228 = arith.constant 32 : index
        %swap3A_229 = tpu.vector_load %arg8[%swap3A_227, %swap3A_228] {strides = array<i32>} : memref<128x128xf32, #tpu.memory_space<vmem>>, vector<16xf32>,
        tpu.vector_store %arg8[%swap3A_227, %swap3A_228], %add3A_226 {strides = array<i32>} : memref<128x128xf32, #tpu.memory_space<vmem>>, vector<16xf32>,
        %get3A_230 = arith.index_cast %scan3A_169 : i32 to index
        %get3A_231 = arith.constant 48 : index
        %get3A_232 = tpu.vector_load %arg8[%get3A_230, %get3A_231] {strides = array<i32>} : memref<128x128xf32, #tpu.memory_space<vmem>>, vector<16xf32>,
        %add3A_233 = arith.constant 48 : i32
        %add3A_234 = arith.addi %mul3A_175, %add3A_233 : i32
        %get3A_235 = arith.index_cast %select_n3A_195 : i32 to index
        %get3A_236 = arith.index_cast %add3A_234 : i32 to index
        %get3A_237 = tpu.vector_load %arg11[%get3A_235, %get3A_236] {strides = array<i32>} : memref<100x128xf32, #tpu.memory_space<vmem>>, vector<16xf32>,
        %add3A_238 = arith.addf %get3A_232, %get3A_237 : vector<16xf32>
        %swap3A_239 = arith.index_cast %scan3A_169 : i32 to index
        %swap3A_240 = arith.constant 48 : index
        %swap3A_241 = tpu.vector_load %arg8[%swap3A_239, %swap3A_240] {strides = array<i32>} : memref<128x128xf32, #tpu.memory_space<vmem>>, vector<16xf32>,
        tpu.vector_store %arg8[%swap3A_239, %swap3A_240], %add3A_238 {strides = array<i32>} : memref<128x128xf32, #tpu.memory_space<vmem>>, vector<16xf32>,
        %scan3A_242 = arith.constant 1 : i32
        %scan3A_243 = arith.addi %scan3A_169, %scan3A_242 : i32
        %add3A_244 = arith.addi %rem3A_114, %scan3A_243 : i32
        %ge3A_245 = arith.constant 200 : i32
        %ge3A_246 = arith.cmpi sge, %add3A_244, %ge3A_245 : i32
        %sub3A_247 = arith.constant 200 : i32
        %sub3A_248 = arith.subi %add3A_244, %sub3A_247 : i32
        %select_n3A_249 = arith.select %ge3A_246, %sub3A_248, %add3A_244 : i32
        %and3A_250 = arith.constant 1 : i32
        %and3A_251 = arith.andi %select_n3A_249, %and3A_250 : i32
        %mul3A_252 = arith.constant 64 : i32
        %mul3A_253 = arith.muli %and3A_251, %mul3A_252 : i32
        %jit3A_254 = arith.constant 2 : i32
        %div3A_255 = arith.divsi %select_n3A_249, %jit3A_254 : i32
        %sign3A_256 = arith.constant 0 : i32
        %sign3A_257 = arith.cmpi sgt, %select_n3A_249, %sign3A_256 : i32
        %sign3A_258 = arith.extui %sign3A_257 : i1 to i32
        %sign3A_259 = arith.constant 0 : i32
        %sign3A_260 = arith.cmpi slt, %select_n3A_249, %sign3A_259 : i32
        %sign3A_261 = arith.extui %sign3A_260 : i1 to i32
        %sign3A_262 = arith.subi %sign3A_258, %sign3A_261 : i32
        %sign3A_263 = arith.constant 0 : i32
        %sign3A_264 = arith.cmpi sgt, %jit3A_254, %sign3A_263 : i32
        %sign3A_265 = arith.extui %sign3A_264 : i1 to i32
        %sign3A_266 = arith.constant 0 : i32
        %sign3A_267 = arith.cmpi slt, %jit3A_254, %sign3A_266 : i32
        %sign3A_268 = arith.extui %sign3A_267 : i1 to i32
        %sign3A_269 = arith.subi %sign3A_265, %sign3A_268 : i32
        %ne3A_270 = arith.cmpi ne, %sign3A_262, %sign3A_269 : i32
        %rem3A_271 = arith.remsi %select_n3A_249, %jit3A_254 : i32
        %ne3A_272 = arith.constant 0 : i32
        %ne3A_273 = arith.cmpi ne, %rem3A_271, %ne3A_272 : i32
        %and3A_274 = arith.andi %ne3A_270, %ne3A_273 : i1
        %sub3A_275 = arith.constant 1 : i32
        %sub3A_276 = arith.subi %div3A_255, %sub3A_275 : i32
        %select_n3A_277 = arith.select %and3A_274, %sub3A_276, %div3A_255 : i32
        %get3A_278 = arith.index_cast %scan3A_243 : i32 to index
        %get3A_279 = arith.constant 0 : index
        %get3A_280 = tpu.vector_load %arg8[%get3A_278, %get3A_279] {strides = array<i32>} : memref<128x128xf32, #tpu.memory_space<vmem>>, vector<16xf32>,
        %add3A_281 = arith.constant 0 : i32
        %add3A_282 = arith.addi %mul3A_253, %add3A_281 : i32
        %get3A_283 = arith.index_cast %select_n3A_277 : i32 to index
        %get3A_284 = arith.index_cast %add3A_282 : i32 to index
        %get3A_285 = tpu.vector_load %arg11[%get3A_283, %get3A_284] {strides = array<i32>} : memref<100x128xf32, #tpu.memory_space<vmem>>, vector<16xf32>,
        %add3A_286 = arith.addf %get3A_280, %get3A_285 : vector<16xf32>
        %swap3A_287 = arith.index_cast %scan3A_243 : i32 to index
        %swap3A_288 = arith.constant 0 : index
        %swap3A_289 = tpu.vector_load %arg8[%swap3A_287, %swap3A_288] {strides = array<i32>} : memref<128x128xf32, #tpu.memory_space<vmem>>, vector<16xf32>,
        tpu.vector_store %arg8[%swap3A_287, %swap3A_288], %add3A_286 {strides = array<i32>} : memref<128x128xf32, #tpu.memory_space<vmem>>, vector<16xf32>,
        %get3A_290 = arith.index_cast %scan3A_243 : i32 to index
        %get3A_291 = arith.constant 16 : index
        %get3A_292 = tpu.vector_load %arg8[%get3A_290, %get3A_291] {strides = array<i32>} : memref<128x128xf32, #tpu.memory_space<vmem>>, vector<16xf32>,
        %add3A_293 = arith.constant 16 : i32
        %add3A_294 = arith.addi %mul3A_253, %add3A_293 : i32
        %get3A_295 = arith.index_cast %select_n3A_277 : i32 to index
        %get3A_296 = arith.index_cast %add3A_294 : i32 to index
        %get3A_297 = tpu.vector_load %arg11[%get3A_295, %get3A_296] {strides = array<i32>} : memref<100x128xf32, #tpu.memory_space<vmem>>, vector<16xf32>,
        %add3A_298 = arith.addf %get3A_292, %get3A_297 : vector<16xf32>
        %swap3A_299 = arith.index_cast %scan3A_243 : i32 to index
        %swap3A_300 = arith.constant 16 : index
        %swap3A_301 = tpu.vector_load %arg8[%swap3A_299, %swap3A_300] {strides = array<i32>} : memref<128x128xf32, #tpu.memory_space<vmem>>, vector<16xf32>,
        tpu.vector_store %arg8[%swap3A_299, %swap3A_300], %add3A_298 {strides = array<i32>} : memref<128x128xf32, #tpu.memory_space<vmem>>, vector<16xf32>,
        %get3A_302 = arith.index_cast %scan3A_243 : i32 to index
        %get3A_303 = arith.constant 32 : index
        %get3A_304 = tpu.vector_load %arg8[%get3A_302, %get3A_303] {strides = array<i32>} : memref<128x128xf32, #tpu.memory_space<vmem>>, vector<16xf32>,
        %add3A_305 = arith.constant 32 : i32
        %add3A_306 = arith.addi %mul3A_253, %add3A_305 : i32
        %get3A_307 = arith.index_cast %select_n3A_277 : i32 to index
        %get3A_308 = arith.index_cast %add3A_306 : i32 to index
        %get3A_309 = tpu.vector_load %arg11[%get3A_307, %get3A_308] {strides = array<i32>} : memref<100x128xf32, #tpu.memory_space<vmem>>, vector<16xf32>,
        %add3A_310 = arith.addf %get3A_304, %get3A_309 : vector<16xf32>
        %swap3A_311 = arith.index_cast %scan3A_243 : i32 to index
        %swap3A_312 = arith.constant 32 : index
        %swap3A_313 = tpu.vector_load %arg8[%swap3A_311, %swap3A_312] {strides = array<i32>} : memref<128x128xf32, #tpu.memory_space<vmem>>, vector<16xf32>,
        tpu.vector_store %arg8[%swap3A_311, %swap3A_312], %add3A_310 {strides = array<i32>} : memref<128x128xf32, #tpu.memory_space<vmem>>, vector<16xf32>,
        %get3A_314 = arith.index_cast %scan3A_243 : i32 to index
        %get3A_315 = arith.constant 48 : index
        %get3A_316 = tpu.vector_load %arg8[%get3A_314, %get3A_315] {strides = array<i32>} : memref<128x128xf32, #tpu.memory_space<vmem>>, vector<16xf32>,
        %add3A_317 = arith.constant 48 : i32
        %add3A_318 = arith.addi %mul3A_253, %add3A_317 : i32
        %get3A_319 = arith.index_cast %select_n3A_277 : i32 to index
        %get3A_320 = arith.index_cast %add3A_318 : i32 to index
        %get3A_321 = tpu.vector_load %arg11[%get3A_319, %get3A_320] {strides = array<i32>} : memref<100x128xf32, #tpu.memory_space<vmem>>, vector<16xf32>,
        %add3A_322 = arith.addf %get3A_316, %get3A_321 : vector<16xf32>
        %swap3A_323 = arith.index_cast %scan3A_243 : i32 to index
        %swap3A_324 = arith.constant 48 : index
        %swap3A_325 = tpu.vector_load %arg8[%swap3A_323, %swap3A_324] {strides = array<i32>} : memref<128x128xf32, #tpu.memory_space<vmem>>, vector<16xf32>,
        tpu.vector_store %arg8[%swap3A_323, %swap3A_324], %add3A_322 {strides = array<i32>} : memref<128x128xf32, #tpu.memory_space<vmem>>, vector<16xf32>,
        %scan3A_326 = arith.constant 2 : i32
        %scan3A_327 = arith.addi %scan3A_169, %scan3A_326 : i32
        %add3A_328 = arith.addi %rem3A_114, %scan3A_327 : i32
        %ge3A_329 = arith.constant 200 : i32
        %ge3A_330 = arith.cmpi sge, %add3A_328, %ge3A_329 : i32
        %sub3A_331 = arith.constant 200 : i32
        %sub3A_332 = arith.subi %add3A_328, %sub3A_331 : i32
        %select_n3A_333 = arith.select %ge3A_330, %sub3A_332, %add3A_328 : i32
        %and3A_334 = arith.constant 1 : i32
        %and3A_335 = arith.andi %select_n3A_333, %and3A_334 : i32
        %mul3A_336 = arith.constant 64 : i32
        %mul3A_337 = arith.muli %and3A_335, %mul3A_336 : i32
        %jit3A_338 = arith.constant 2 : i32
        %div3A_339 = arith.divsi %select_n3A_333, %jit3A_338 : i32
        %sign3A_340 = arith.constant 0 : i32
        %sign3A_341 = arith.cmpi sgt, %select_n3A_333, %sign3A_340 : i32
        %sign3A_342 = arith.extui %sign3A_341 : i1 to i32
        %sign3A_343 = arith.constant 0 : i32
        %sign3A_344 = arith.cmpi slt, %select_n3A_333, %sign3A_343 : i32
        %sign3A_345 = arith.extui %sign3A_344 : i1 to i32
        %sign3A_346 = arith.subi %sign3A_342, %sign3A_345 : i32
        %sign3A_347 = arith.constant 0 : i32
        %sign3A_348 = arith.cmpi sgt, %jit3A_338, %sign3A_347 : i32
        %sign3A_349 = arith.extui %sign3A_348 : i1 to i32
        %sign3A_350 = arith.constant 0 : i32
        %sign3A_351 = arith.cmpi slt, %jit3A_338, %sign3A_350 : i32
        %sign3A_352 = arith.extui %sign3A_351 : i1 to i32
        %sign3A_353 = arith.subi %sign3A_349, %sign3A_352 : i32
        %ne3A_354 = arith.cmpi ne, %sign3A_346, %sign3A_353 : i32
        %rem3A_355 = arith.remsi %select_n3A_333, %jit3A_338 : i32
        %ne3A_356 = arith.constant 0 : i32
        %ne3A_357 = arith.cmpi ne, %rem3A_355, %ne3A_356 : i32
        %and3A_358 = arith.andi %ne3A_354, %ne3A_357 : i1
        %sub3A_359 = arith.constant 1 : i32
        %sub3A_360 = arith.subi %div3A_339, %sub3A_359 : i32
        %select_n3A_361 = arith.select %and3A_358, %sub3A_360, %div3A_339 : i32
        %get3A_362 = arith.index_cast %scan3A_327 : i32 to index
        %get3A_363 = arith.constant 0 : index
        %get3A_364 = tpu.vector_load %arg8[%get3A_362, %get3A_363] {strides = array<i32>} : memref<128x128xf32, #tpu.memory_space<vmem>>, vector<16xf32>,
        %add3A_365 = arith.constant 0 : i32
        %add3A_366 = arith.addi %mul3A_337, %add3A_365 : i32
        %get3A_367 = arith.index_cast %select_n3A_361 : i32 to index
        %get3A_368 = arith.index_cast %add3A_366 : i32 to index
        %get3A_369 = tpu.vector_load %arg11[%get3A_367, %get3A_368] {strides = array<i32>} : memref<100x128xf32, #tpu.memory_space<vmem>>, vector<16xf32>,
        %add3A_370 = arith.addf %get3A_364, %get3A_369 : vector<16xf32>
        %swap3A_371 = arith.index_cast %scan3A_327 : i32 to index
        %swap3A_372 = arith.constant 0 : index
        %swap3A_373 = tpu.vector_load %arg8[%swap3A_371, %swap3A_372] {strides = array<i32>} : memref<128x128xf32, #tpu.memory_space<vmem>>, vector<16xf32>,
        tpu.vector_store %arg8[%swap3A_371, %swap3A_372], %add3A_370 {strides = array<i32>} : memref<128x128xf32, #tpu.memory_space<vmem>>, vector<16xf32>,
        %get3A_374 = arith.index_cast %scan3A_327 : i32 to index
        %get3A_375 = arith.constant 16 : index
        %get3A_376 = tpu.vector_load %arg8[%get3A_374, %get3A_375] {strides = array<i32>} : memref<128x128xf32, #tpu.memory_space<vmem>>, vector<16xf32>,
        %add3A_377 = arith.constant 16 : i32
        %add3A_378 = arith.addi %mul3A_337, %add3A_377 : i32
        %get3A_379 = arith.index_cast %select_n3A_361 : i32 to index
        %get3A_380 = arith.index_cast %add3A_378 : i32 to index
        %get3A_381 = tpu.vector_load %arg11[%get3A_379, %get3A_380] {strides = array<i32>} : memref<100x128xf32, #tpu.memory_space<vmem>>, vector<16xf32>,
        %add3A_382 = arith.addf %get3A_376, %get3A_381 : vector<16xf32>
        %swap3A_383 = arith.index_cast %scan3A_327 : i32 to index
        %swap3A_384 = arith.constant 16 : index
        %swap3A_385 = tpu.vector_load %arg8[%swap3A_383, %swap3A_384] {strides = array<i32>} : memref<128x128xf32, #tpu.memory_space<vmem>>, vector<16xf32>,
        tpu.vector_store %arg8[%swap3A_383, %swap3A_384], %add3A_382 {strides = array<i32>} : memref<128x128xf32, #tpu.memory_space<vmem>>, vector<16xf32>,
        %get3A_386 = arith.index_cast %scan3A_327 : i32 to index
        %get3A_387 = arith.constant 32 : index
        %get3A_388 = tpu.vector_load %arg8[%get3A_386, %get3A_387] {strides = array<i32>} : memref<128x128xf32, #tpu.memory_space<vmem>>, vector<16xf32>,
        %add3A_389 = arith.constant 32 : i32
        %add3A_390 = arith.addi %mul3A_337, %add3A_389 : i32
        %get3A_391 = arith.index_cast %select_n3A_361 : i32 to index
        %get3A_392 = arith.index_cast %add3A_390 : i32 to index
        %get3A_393 = tpu.vector_load %arg11[%get3A_391, %get3A_392] {strides = array<i32>} : memref<100x128xf32, #tpu.memory_space<vmem>>, vector<16xf32>,
        %add3A_394 = arith.addf %get3A_388, %get3A_393 : vector<16xf32>
        %swap3A_395 = arith.index_cast %scan3A_327 : i32 to index
        %swap3A_396 = arith.constant 32 : index
        %swap3A_397 = tpu.vector_load %arg8[%swap3A_395, %swap3A_396] {strides = array<i32>} : memref<128x128xf32, #tpu.memory_space<vmem>>, vector<16xf32>,
        tpu.vector_store %arg8[%swap3A_395, %swap3A_396], %add3A_394 {strides = array<i32>} : memref<128x128xf32, #tpu.memory_space<vmem>>, vector<16xf32>,
        %get3A_398 = arith.index_cast %scan3A_327 : i32 to index
        %get3A_399 = arith.constant 48 : index
        %get3A_400 = tpu.vector_load %arg8[%get3A_398, %get3A_399] {strides = array<i32>} : memref<128x128xf32, #tpu.memory_space<vmem>>, vector<16xf32>,
        %add3A_401 = arith.constant 48 : i32
        %add3A_402 = arith.addi %mul3A_337, %add3A_401 : i32
        %get3A_403 = arith.index_cast %select_n3A_361 : i32 to index
        %get3A_404 = arith.index_cast %add3A_402 : i32 to index
        %get3A_405 = tpu.vector_load %arg11[%get3A_403, %get3A_404] {strides = array<i32>} : memref<100x128xf32, #tpu.memory_space<vmem>>, vector<16xf32>,
        %add3A_406 = arith.addf %get3A_400, %get3A_405 : vector<16xf32>
        %swap3A_407 = arith.index_cast %scan3A_327 : i32 to index
        %swap3A_408 = arith.constant 48 : index
        %swap3A_409 = tpu.vector_load %arg8[%swap3A_407, %swap3A_408] {strides = array<i32>} : memref<128x128xf32, #tpu.memory_space<vmem>>, vector<16xf32>,
        tpu.vector_store %arg8[%swap3A_407, %swap3A_408], %add3A_406 {strides = array<i32>} : memref<128x128xf32, #tpu.memory_space<vmem>>, vector<16xf32>,
        %scan3A_410 = arith.constant 3 : i32
        %scan3A_411 = arith.addi %scan3A_169, %scan3A_410 : i32
        %add3A_412 = arith.addi %rem3A_114, %scan3A_411 : i32
        %ge3A_413 = arith.constant 200 : i32
        %ge3A_414 = arith.cmpi sge, %add3A_412, %ge3A_413 : i32
        %sub3A_415 = arith.constant 200 : i32
        %sub3A_416 = arith.subi %add3A_412, %sub3A_415 : i32
        %select_n3A_417 = arith.select %ge3A_414, %sub3A_416, %add3A_412 : i32
        %and3A_418 = arith.constant 1 : i32
        %and3A_419 = arith.andi %select_n3A_417, %and3A_418 : i32
        %mul3A_420 = arith.constant 64 : i32
        %mul3A_421 = arith.muli %and3A_419, %mul3A_420 : i32
        %jit3A_422 = arith.constant 2 : i32
        %div3A_423 = arith.divsi %select_n3A_417, %jit3A_422 : i32
        %sign3A_424 = arith.constant 0 : i32
        %sign3A_425 = arith.cmpi sgt, %select_n3A_417, %sign3A_424 : i32
        %sign3A_426 = arith.extui %sign3A_425 : i1 to i32
        %sign3A_427 = arith.constant 0 : i32
        %sign3A_428 = arith.cmpi slt, %select_n3A_417, %sign3A_427 : i32
        %sign3A_429 = arith.extui %sign3A_428 : i1 to i32
        %sign3A_430 = arith.subi %sign3A_426, %sign3A_429 : i32
        %sign3A_431 = arith.constant 0 : i32
        %sign3A_432 = arith.cmpi sgt, %jit3A_422, %sign3A_431 : i32
        %sign3A_433 = arith.extui %sign3A_432 : i1 to i32
        %sign3A_434 = arith.constant 0 : i32
        %sign3A_435 = arith.cmpi slt, %jit3A_422, %sign3A_434 : i32
        %sign3A_436 = arith.extui %sign3A_435 : i1 to i32
        %sign3A_437 = arith.subi %sign3A_433, %sign3A_436 : i32
        %ne3A_438 = arith.cmpi ne, %sign3A_430, %sign3A_437 : i32
        %rem3A_439 = arith.remsi %select_n3A_417, %jit3A_422 : i32
        %ne3A_440 = arith.constant 0 : i32
        %ne3A_441 = arith.cmpi ne, %rem3A_439, %ne3A_440 : i32
        %and3A_442 = arith.andi %ne3A_438, %ne3A_441 : i1
        %sub3A_443 = arith.constant 1 : i32
        %sub3A_444 = arith.subi %div3A_423, %sub3A_443 : i32
        %select_n3A_445 = arith.select %and3A_442, %sub3A_444, %div3A_423 : i32
        %get3A_446 = arith.index_cast %scan3A_411 : i32 to index
        %get3A_447 = arith.constant 0 : index
        %get3A_448 = tpu.vector_load %arg8[%get3A_446, %get3A_447] {strides = array<i32>} : memref<128x128xf32, #tpu.memory_space<vmem>>, vector<16xf32>,
        %add3A_449 = arith.constant 0 : i32
        %add3A_450 = arith.addi %mul3A_421, %add3A_449 : i32
        %get3A_451 = arith.index_cast %select_n3A_445 : i32 to index
        %get3A_452 = arith.index_cast %add3A_450 : i32 to index
        %get3A_453 = tpu.vector_load %arg11[%get3A_451, %get3A_452] {strides = array<i32>} : memref<100x128xf32, #tpu.memory_space<vmem>>, vector<16xf32>,
        %add3A_454 = arith.addf %get3A_448, %get3A_453 : vector<16xf32>
        %swap3A_455 = arith.index_cast %scan3A_411 : i32 to index
        %swap3A_456 = arith.constant 0 : index
        %swap3A_457 = tpu.vector_load %arg8[%swap3A_455, %swap3A_456] {strides = array<i32>} : memref<128x128xf32, #tpu.memory_space<vmem>>, vector<16xf32>,
        tpu.vector_store %arg8[%swap3A_455, %swap3A_456], %add3A_454 {strides = array<i32>} : memref<128x128xf32, #tpu.memory_space<vmem>>, vector<16xf32>,
        %get3A_458 = arith.index_cast %scan3A_411 : i32 to index
        %get3A_459 = arith.constant 16 : index
        %get3A_460 = tpu.vector_load %arg8[%get3A_458, %get3A_459] {strides = array<i32>} : memref<128x128xf32, #tpu.memory_space<vmem>>, vector<16xf32>,
        %add3A_461 = arith.constant 16 : i32
        %add3A_462 = arith.addi %mul3A_421, %add3A_461 : i32
        %get3A_463 = arith.index_cast %select_n3A_445 : i32 to index
        %get3A_464 = arith.index_cast %add3A_462 : i32 to index
        %get3A_465 = tpu.vector_load %arg11[%get3A_463, %get3A_464] {strides = array<i32>} : memref<100x128xf32, #tpu.memory_space<vmem>>, vector<16xf32>,
        %add3A_466 = arith.addf %get3A_460, %get3A_465 : vector<16xf32>
        %swap3A_467 = arith.index_cast %scan3A_411 : i32 to index
        %swap3A_468 = arith.constant 16 : index
        %swap3A_469 = tpu.vector_load %arg8[%swap3A_467, %swap3A_468] {strides = array<i32>} : memref<128x128xf32, #tpu.memory_space<vmem>>, vector<16xf32>,
        tpu.vector_store %arg8[%swap3A_467, %swap3A_468], %add3A_466 {strides = array<i32>} : memref<128x128xf32, #tpu.memory_space<vmem>>, vector<16xf32>,
        %get3A_470 = arith.index_cast %scan3A_411 : i32 to index
        %get3A_471 = arith.constant 32 : index
        %get3A_472 = tpu.vector_load %arg8[%get3A_470, %get3A_471] {strides = array<i32>} : memref<128x128xf32, #tpu.memory_space<vmem>>, vector<16xf32>,
        %add3A_473 = arith.constant 32 : i32
        %add3A_474 = arith.addi %mul3A_421, %add3A_473 : i32
        %get3A_475 = arith.index_cast %select_n3A_445 : i32 to index
        %get3A_476 = arith.index_cast %add3A_474 : i32 to index
        %get3A_477 = tpu.vector_load %arg11[%get3A_475, %get3A_476] {strides = array<i32>} : memref<100x128xf32, #tpu.memory_space<vmem>>, vector<16xf32>,
        %add3A_478 = arith.addf %get3A_472, %get3A_477 : vector<16xf32>
        %swap3A_479 = arith.index_cast %scan3A_411 : i32 to index
        %swap3A_480 = arith.constant 32 : index
        %swap3A_481 = tpu.vector_load %arg8[%swap3A_479, %swap3A_480] {strides = array<i32>} : memref<128x128xf32, #tpu.memory_space<vmem>>, vector<16xf32>,
        tpu.vector_store %arg8[%swap3A_479, %swap3A_480], %add3A_478 {strides = array<i32>} : memref<128x128xf32, #tpu.memory_space<vmem>>, vector<16xf32>,
        %get3A_482 = arith.index_cast %scan3A_411 : i32 to index
        %get3A_483 = arith.constant 48 : index
        %get3A_484 = tpu.vector_load %arg8[%get3A_482, %get3A_483] {strides = array<i32>} : memref<128x128xf32, #tpu.memory_space<vmem>>, vector<16xf32>,
        %add3A_485 = arith.constant 48 : i32
        %add3A_486 = arith.addi %mul3A_421, %add3A_485 : i32
        %get3A_487 = arith.index_cast %select_n3A_445 : i32 to index
        %get3A_488 = arith.index_cast %add3A_486 : i32 to index
        %get3A_489 = tpu.vector_load %arg11[%get3A_487, %get3A_488] {strides = array<i32>} : memref<100x128xf32, #tpu.memory_space<vmem>>, vector<16xf32>,
        %add3A_490 = arith.addf %get3A_484, %get3A_489 : vector<16xf32>
        %swap3A_491 = arith.index_cast %scan3A_411 : i32 to index
        %swap3A_492 = arith.constant 48 : index
        %swap3A_493 = tpu.vector_load %arg8[%swap3A_491, %swap3A_492] {strides = array<i32>} : memref<128x128xf32, #tpu.memory_space<vmem>>, vector<16xf32>,
        tpu.vector_store %arg8[%swap3A_491, %swap3A_492], %add3A_490 {strides = array<i32>} : memref<128x128xf32, #tpu.memory_space<vmem>>, vector<16xf32>,
      }
      %scan3A_120 = arith.constant 128 : i32
      %mul3A_121 = arith.constant 128 : i32
      %mul3A_122 = arith.muli %add3A_104, %mul3A_121 : i32
      %add3A_123 = arith.addi %mul3A_2, %mul3A_122 : i32
      %dma_start3A_124 = arith.constant 0 : i32
      %dma_start3A_125 = tpu.memref_slice %arg5[%add3A_123, %dma_start3A_124] : memref<819200x128xf32, #tpu.memory_space<hbm>> -> memref<128x128xf32, #tpu.memory_space<hbm>>
      %dma_start3A_126 = arith.constant 0 : i32
      %dma_start3A_127 = tpu.memref_slice %arg5[%add3A_123, %dma_start3A_126] : memref<819200x128xf32, #tpu.memory_space<hbm>> -> memref<128x128xf32, #tpu.memory_space<hbm>>
      tpu.enqueue_dma source(%arg8 : memref<128x128xf32, #tpu.memory_space<vmem>>) target(%dma_start3A_127 : memref<128x128xf32, #tpu.memory_space<hbm>>) target_semaphore(%arg18 : memref<!tpu.dma_semaphore, #tpu.memory_space<semaphore_mem>>)
      %add3A_128 = arith.constant 2 : i32
      %add3A_129 = arith.addi %add3A_104, %add3A_128 : i32
      %lt3A_130 = arith.constant 200 : i32
      %lt3A_131 = arith.cmpi slt, %add3A_129, %lt3A_130 : i32
      %convert_element_type3A_132 = arith.extui %lt3A_131 : i1 to i32
      %cond3A_133 = arith.constant 0 : i32
      %cond3A_134 = arith.cmpi ne, %convert_element_type3A_132, %cond3A_133 : i32
      scf.if %cond3A_134 {
        %ge3A = arith.constant 2 : i32
        %ge3A_169 = arith.cmpi sge, %add3A_104, %ge3A : i32
        %convert_element_type3A_170 = arith.extui %ge3A_169 : i1 to i32
        %cond3A_171 = arith.constant 0 : i32
        %cond3A_172 = arith.cmpi ne, %convert_element_type3A_170, %cond3A_171 : i32
        scf.if %cond3A_172 {
          %dma_wait3A_179 = arith.constant 0 : i32
          %dma_wait3A_180 = tpu.memref_slice %arg5[%mul3A_2, %dma_wait3A_179] : memref<819200x128xf32, #tpu.memory_space<hbm>> -> memref<128x128xf32, #tpu.memory_space<hbm>>
          %dma_wait3A_181 = arith.constant 0 : i32
          %dma_wait3A_182 = tpu.memref_slice %arg5[%mul3A_2, %dma_wait3A_181] : memref<819200x128xf32, #tpu.memory_space<hbm>> -> memref<128x128xf32, #tpu.memory_space<hbm>>
          tpu.wait_dma2 semaphore(%arg16 : memref<!tpu.dma_semaphore, #tpu.memory_space<semaphore_mem>>) src(%arg6 : memref<128x128xf32, #tpu.memory_space<vmem>>) dst(%dma_wait3A_182 : memref<128x128xf32, #tpu.memory_space<hbm>>)
        } else {
        }
        %dma_start3A_173 = arith.constant 0 : i32
        %dma_start3A_174 = tpu.memref_slice %arg10[%add3A_129, %dma_start3A_173] : memref<200x128xi32, #tpu.memory_space<vmem>> -> memref<1x128xi32, #tpu.memory_space<vmem>>
        %dma_start3A_175 = tpu.memref_squeeze %dma_start3A_174 : memref<1x128xi32, #tpu.memory_space<vmem>> -> memref<128xi32, #tpu.memory_space<vmem>>
        %dma_start3A_176 = arith.constant 0 : i32
        %dma_start3A_177 = arith.constant 0 : i32
        %dma_start3A_178 = tpu.memref_slice %arg3[%dma_start3A_176, %dma_start3A_177] : memref<1000000x128xf32, #tpu.memory_space<hbm>> -> memref<1000000x128xf32, #tpu.memory_space<hbm>>
        tpu.enqueue_indirect_dma source(%dma_start3A_178 : memref<1000000x128xf32, #tpu.memory_space<hbm>>) target(%arg6 : memref<128x128xf32, #tpu.memory_space<vmem>>) offsets(%dma_start3A_175 : memref<128xi32, #tpu.memory_space<vmem>>) semaphore(%arg12 : memref<!tpu.dma_semaphore, #tpu.memory_space<semaphore_mem>>)
      } else {
      }
      %mul3A_135 = arith.constant 4 : i32
      %mul3A_136 = arith.muli %scan3A_36, %mul3A_135 : i32
      %add3A_137 = arith.constant 3 : i32
      %add3A_138 = arith.addi %mul3A_136, %add3A_137 : i32
      %dma_wait3A_139 = arith.constant 0 : i32
      %dma_wait3A_140 = tpu.memref_slice %arg10[%add3A_138, %dma_wait3A_139] : memref<200x128xi32, #tpu.memory_space<vmem>> -> memref<1x128xi32, #tpu.memory_space<vmem>>
      %dma_wait3A_141 = tpu.memref_squeeze %dma_wait3A_140 : memref<1x128xi32, #tpu.memory_space<vmem>> -> memref<128xi32, #tpu.memory_space<vmem>>
      %dma_wait3A_142 = arith.constant 0 : i32
      %dma_wait3A_143 = arith.constant 0 : i32
      %dma_wait3A_144 = tpu.memref_slice %arg3[%dma_wait3A_142, %dma_wait3A_143] : memref<1000000x128xf32, #tpu.memory_space<hbm>> -> memref<1000000x128xf32, #tpu.memory_space<hbm>>
      tpu.wait_indirect_dma semaphore(%arg15 : memref<!tpu.dma_semaphore, #tpu.memory_space<semaphore_mem>>) src(%dma_wait3A_144 : memref<1000000x128xf32, #tpu.memory_space<hbm>>) dst(%arg9 : memref<128x128xf32, #tpu.memory_space<vmem>>)
      %mul3A_145 = arith.constant 128 : i32
      %mul3A_146 = arith.muli %add3A_138, %mul3A_145 : i32
      %rem3A_147 = arith.constant 200 : i32
      %rem3A_148 = arith.remsi %mul3A_146, %rem3A_147 : i32
      %scan3A_149 = arith.constant 0 : i32
      %scan3A_150 = arith.constant 0 : i32
      %scan3A_151 = arith.constant 128 : i32
      %scan3A_152 = arith.addi %scan3A_150, %scan3A_151 : i32
      %scan3A_153 = arith.constant 4 : i32
      scf.for %scan3A_169 = %scan3A_150 to %scan3A_152 step %scan3A_153  : i32 {
        %add3A_170 = arith.addi %rem3A_148, %scan3A_169 : i32
        %ge3A = arith.constant 200 : i32
        %ge3A_171 = arith.cmpi sge, %add3A_170, %ge3A : i32
        %sub3A = arith.constant 200 : i32
        %sub3A_172 = arith.subi %add3A_170, %sub3A : i32
        %select_n3A = arith.select %ge3A_171, %sub3A_172, %add3A_170 : i32
        %and3A = arith.constant 1 : i32
        %and3A_173 = arith.andi %select_n3A, %and3A : i32
        %mul3A_174 = arith.constant 64 : i32
        %mul3A_175 = arith.muli %and3A_173, %mul3A_174 : i32
        %jit3A = arith.constant 2 : i32
        %div3A = arith.divsi %select_n3A, %jit3A : i32
        %sign3A = arith.constant 0 : i32
        %sign3A_176 = arith.cmpi sgt, %select_n3A, %sign3A : i32
        %sign3A_177 = arith.extui %sign3A_176 : i1 to i32
        %sign3A_178 = arith.constant 0 : i32
        %sign3A_179 = arith.cmpi slt, %select_n3A, %sign3A_178 : i32
        %sign3A_180 = arith.extui %sign3A_179 : i1 to i32
        %sign3A_181 = arith.subi %sign3A_177, %sign3A_180 : i32
        %sign3A_182 = arith.constant 0 : i32
        %sign3A_183 = arith.cmpi sgt, %jit3A, %sign3A_182 : i32
        %sign3A_184 = arith.extui %sign3A_183 : i1 to i32
        %sign3A_185 = arith.constant 0 : i32
        %sign3A_186 = arith.cmpi slt, %jit3A, %sign3A_185 : i32
        %sign3A_187 = arith.extui %sign3A_186 : i1 to i32
        %sign3A_188 = arith.subi %sign3A_184, %sign3A_187 : i32
        %ne3A = arith.cmpi ne, %sign3A_181, %sign3A_188 : i32
        %rem3A_189 = arith.remsi %select_n3A, %jit3A : i32
        %ne3A_190 = arith.constant 0 : i32
        %ne3A_191 = arith.cmpi ne, %rem3A_189, %ne3A_190 : i32
        %and3A_192 = arith.andi %ne3A, %ne3A_191 : i1
        %sub3A_193 = arith.constant 1 : i32
        %sub3A_194 = arith.subi %div3A, %sub3A_193 : i32
        %select_n3A_195 = arith.select %and3A_192, %sub3A_194, %div3A : i32
        %get3A = arith.index_cast %scan3A_169 : i32 to index
        %get3A_196 = arith.constant 0 : index
        %get3A_197 = tpu.vector_load %arg9[%get3A, %get3A_196] {strides = array<i32>} : memref<128x128xf32, #tpu.memory_space<vmem>>, vector<16xf32>,
        %add3A_198 = arith.constant 0 : i32
        %add3A_199 = arith.addi %mul3A_175, %add3A_198 : i32
        %get3A_200 = arith.index_cast %select_n3A_195 : i32 to index
        %get3A_201 = arith.index_cast %add3A_199 : i32 to index
        %get3A_202 = tpu.vector_load %arg11[%get3A_200, %get3A_201] {strides = array<i32>} : memref<100x128xf32, #tpu.memory_space<vmem>>, vector<16xf32>,
        %add3A_203 = arith.addf %get3A_197, %get3A_202 : vector<16xf32>
        %swap3A = arith.index_cast %scan3A_169 : i32 to index
        %swap3A_204 = arith.constant 0 : index
        %swap3A_205 = tpu.vector_load %arg9[%swap3A, %swap3A_204] {strides = array<i32>} : memref<128x128xf32, #tpu.memory_space<vmem>>, vector<16xf32>,
        tpu.vector_store %arg9[%swap3A, %swap3A_204], %add3A_203 {strides = array<i32>} : memref<128x128xf32, #tpu.memory_space<vmem>>, vector<16xf32>,
        %get3A_206 = arith.index_cast %scan3A_169 : i32 to index
        %get3A_207 = arith.constant 16 : index
        %get3A_208 = tpu.vector_load %arg9[%get3A_206, %get3A_207] {strides = array<i32>} : memref<128x128xf32, #tpu.memory_space<vmem>>, vector<16xf32>,
        %add3A_209 = arith.constant 16 : i32
        %add3A_210 = arith.addi %mul3A_175, %add3A_209 : i32
        %get3A_211 = arith.index_cast %select_n3A_195 : i32 to index
        %get3A_212 = arith.index_cast %add3A_210 : i32 to index
        %get3A_213 = tpu.vector_load %arg11[%get3A_211, %get3A_212] {strides = array<i32>} : memref<100x128xf32, #tpu.memory_space<vmem>>, vector<16xf32>,
        %add3A_214 = arith.addf %get3A_208, %get3A_213 : vector<16xf32>
        %swap3A_215 = arith.index_cast %scan3A_169 : i32 to index
        %swap3A_216 = arith.constant 16 : index
        %swap3A_217 = tpu.vector_load %arg9[%swap3A_215, %swap3A_216] {strides = array<i32>} : memref<128x128xf32, #tpu.memory_space<vmem>>, vector<16xf32>,
        tpu.vector_store %arg9[%swap3A_215, %swap3A_216], %add3A_214 {strides = array<i32>} : memref<128x128xf32, #tpu.memory_space<vmem>>, vector<16xf32>,
        %get3A_218 = arith.index_cast %scan3A_169 : i32 to index
        %get3A_219 = arith.constant 32 : index
        %get3A_220 = tpu.vector_load %arg9[%get3A_218, %get3A_219] {strides = array<i32>} : memref<128x128xf32, #tpu.memory_space<vmem>>, vector<16xf32>,
        %add3A_221 = arith.constant 32 : i32
        %add3A_222 = arith.addi %mul3A_175, %add3A_221 : i32
        %get3A_223 = arith.index_cast %select_n3A_195 : i32 to index
        %get3A_224 = arith.index_cast %add3A_222 : i32 to index
        %get3A_225 = tpu.vector_load %arg11[%get3A_223, %get3A_224] {strides = array<i32>} : memref<100x128xf32, #tpu.memory_space<vmem>>, vector<16xf32>,
        %add3A_226 = arith.addf %get3A_220, %get3A_225 : vector<16xf32>
        %swap3A_227 = arith.index_cast %scan3A_169 : i32 to index
        %swap3A_228 = arith.constant 32 : index
        %swap3A_229 = tpu.vector_load %arg9[%swap3A_227, %swap3A_228] {strides = array<i32>} : memref<128x128xf32, #tpu.memory_space<vmem>>, vector<16xf32>,
        tpu.vector_store %arg9[%swap3A_227, %swap3A_228], %add3A_226 {strides = array<i32>} : memref<128x128xf32, #tpu.memory_space<vmem>>, vector<16xf32>,
        %get3A_230 = arith.index_cast %scan3A_169 : i32 to index
        %get3A_231 = arith.constant 48 : index
        %get3A_232 = tpu.vector_load %arg9[%get3A_230, %get3A_231] {strides = array<i32>} : memref<128x128xf32, #tpu.memory_space<vmem>>, vector<16xf32>,
        %add3A_233 = arith.constant 48 : i32
        %add3A_234 = arith.addi %mul3A_175, %add3A_233 : i32
        %get3A_235 = arith.index_cast %select_n3A_195 : i32 to index
        %get3A_236 = arith.index_cast %add3A_234 : i32 to index
        %get3A_237 = tpu.vector_load %arg11[%get3A_235, %get3A_236] {strides = array<i32>} : memref<100x128xf32, #tpu.memory_space<vmem>>, vector<16xf32>,
        %add3A_238 = arith.addf %get3A_232, %get3A_237 : vector<16xf32>
        %swap3A_239 = arith.index_cast %scan3A_169 : i32 to index
        %swap3A_240 = arith.constant 48 : index
        %swap3A_241 = tpu.vector_load %arg9[%swap3A_239, %swap3A_240] {strides = array<i32>} : memref<128x128xf32, #tpu.memory_space<vmem>>, vector<16xf32>,
        tpu.vector_store %arg9[%swap3A_239, %swap3A_240], %add3A_238 {strides = array<i32>} : memref<128x128xf32, #tpu.memory_space<vmem>>, vector<16xf32>,
        %scan3A_242 = arith.constant 1 : i32
        %scan3A_243 = arith.addi %scan3A_169, %scan3A_242 : i32
        %add3A_244 = arith.addi %rem3A_148, %scan3A_243 : i32
        %ge3A_245 = arith.constant 200 : i32
        %ge3A_246 = arith.cmpi sge, %add3A_244, %ge3A_245 : i32
        %sub3A_247 = arith.constant 200 : i32
        %sub3A_248 = arith.subi %add3A_244, %sub3A_247 : i32
        %select_n3A_249 = arith.select %ge3A_246, %sub3A_248, %add3A_244 : i32
        %and3A_250 = arith.constant 1 : i32
        %and3A_251 = arith.andi %select_n3A_249, %and3A_250 : i32
        %mul3A_252 = arith.constant 64 : i32
        %mul3A_253 = arith.muli %and3A_251, %mul3A_252 : i32
        %jit3A_254 = arith.constant 2 : i32
        %div3A_255 = arith.divsi %select_n3A_249, %jit3A_254 : i32
        %sign3A_256 = arith.constant 0 : i32
        %sign3A_257 = arith.cmpi sgt, %select_n3A_249, %sign3A_256 : i32
        %sign3A_258 = arith.extui %sign3A_257 : i1 to i32
        %sign3A_259 = arith.constant 0 : i32
        %sign3A_260 = arith.cmpi slt, %select_n3A_249, %sign3A_259 : i32
        %sign3A_261 = arith.extui %sign3A_260 : i1 to i32
        %sign3A_262 = arith.subi %sign3A_258, %sign3A_261 : i32
        %sign3A_263 = arith.constant 0 : i32
        %sign3A_264 = arith.cmpi sgt, %jit3A_254, %sign3A_263 : i32
        %sign3A_265 = arith.extui %sign3A_264 : i1 to i32
        %sign3A_266 = arith.constant 0 : i32
        %sign3A_267 = arith.cmpi slt, %jit3A_254, %sign3A_266 : i32
        %sign3A_268 = arith.extui %sign3A_267 : i1 to i32
        %sign3A_269 = arith.subi %sign3A_265, %sign3A_268 : i32
        %ne3A_270 = arith.cmpi ne, %sign3A_262, %sign3A_269 : i32
        %rem3A_271 = arith.remsi %select_n3A_249, %jit3A_254 : i32
        %ne3A_272 = arith.constant 0 : i32
        %ne3A_273 = arith.cmpi ne, %rem3A_271, %ne3A_272 : i32
        %and3A_274 = arith.andi %ne3A_270, %ne3A_273 : i1
        %sub3A_275 = arith.constant 1 : i32
        %sub3A_276 = arith.subi %div3A_255, %sub3A_275 : i32
        %select_n3A_277 = arith.select %and3A_274, %sub3A_276, %div3A_255 : i32
        %get3A_278 = arith.index_cast %scan3A_243 : i32 to index
        %get3A_279 = arith.constant 0 : index
        %get3A_280 = tpu.vector_load %arg9[%get3A_278, %get3A_279] {strides = array<i32>} : memref<128x128xf32, #tpu.memory_space<vmem>>, vector<16xf32>,
        %add3A_281 = arith.constant 0 : i32
        %add3A_282 = arith.addi %mul3A_253, %add3A_281 : i32
        %get3A_283 = arith.index_cast %select_n3A_277 : i32 to index
        %get3A_284 = arith.index_cast %add3A_282 : i32 to index
        %get3A_285 = tpu.vector_load %arg11[%get3A_283, %get3A_284] {strides = array<i32>} : memref<100x128xf32, #tpu.memory_space<vmem>>, vector<16xf32>,
        %add3A_286 = arith.addf %get3A_280, %get3A_285 : vector<16xf32>
        %swap3A_287 = arith.index_cast %scan3A_243 : i32 to index
        %swap3A_288 = arith.constant 0 : index
        %swap3A_289 = tpu.vector_load %arg9[%swap3A_287, %swap3A_288] {strides = array<i32>} : memref<128x128xf32, #tpu.memory_space<vmem>>, vector<16xf32>,
        tpu.vector_store %arg9[%swap3A_287, %swap3A_288], %add3A_286 {strides = array<i32>} : memref<128x128xf32, #tpu.memory_space<vmem>>, vector<16xf32>,
        %get3A_290 = arith.index_cast %scan3A_243 : i32 to index
        %get3A_291 = arith.constant 16 : index
        %get3A_292 = tpu.vector_load %arg9[%get3A_290, %get3A_291] {strides = array<i32>} : memref<128x128xf32, #tpu.memory_space<vmem>>, vector<16xf32>,
        %add3A_293 = arith.constant 16 : i32
        %add3A_294 = arith.addi %mul3A_253, %add3A_293 : i32
        %get3A_295 = arith.index_cast %select_n3A_277 : i32 to index
        %get3A_296 = arith.index_cast %add3A_294 : i32 to index
        %get3A_297 = tpu.vector_load %arg11[%get3A_295, %get3A_296] {strides = array<i32>} : memref<100x128xf32, #tpu.memory_space<vmem>>, vector<16xf32>,
        %add3A_298 = arith.addf %get3A_292, %get3A_297 : vector<16xf32>
        %swap3A_299 = arith.index_cast %scan3A_243 : i32 to index
        %swap3A_300 = arith.constant 16 : index
        %swap3A_301 = tpu.vector_load %arg9[%swap3A_299, %swap3A_300] {strides = array<i32>} : memref<128x128xf32, #tpu.memory_space<vmem>>, vector<16xf32>,
        tpu.vector_store %arg9[%swap3A_299, %swap3A_300], %add3A_298 {strides = array<i32>} : memref<128x128xf32, #tpu.memory_space<vmem>>, vector<16xf32>,
        %get3A_302 = arith.index_cast %scan3A_243 : i32 to index
        %get3A_303 = arith.constant 32 : index
        %get3A_304 = tpu.vector_load %arg9[%get3A_302, %get3A_303] {strides = array<i32>} : memref<128x128xf32, #tpu.memory_space<vmem>>, vector<16xf32>,
        %add3A_305 = arith.constant 32 : i32
        %add3A_306 = arith.addi %mul3A_253, %add3A_305 : i32
        %get3A_307 = arith.index_cast %select_n3A_277 : i32 to index
        %get3A_308 = arith.index_cast %add3A_306 : i32 to index
        %get3A_309 = tpu.vector_load %arg11[%get3A_307, %get3A_308] {strides = array<i32>} : memref<100x128xf32, #tpu.memory_space<vmem>>, vector<16xf32>,
        %add3A_310 = arith.addf %get3A_304, %get3A_309 : vector<16xf32>
        %swap3A_311 = arith.index_cast %scan3A_243 : i32 to index
        %swap3A_312 = arith.constant 32 : index
        %swap3A_313 = tpu.vector_load %arg9[%swap3A_311, %swap3A_312] {strides = array<i32>} : memref<128x128xf32, #tpu.memory_space<vmem>>, vector<16xf32>,
        tpu.vector_store %arg9[%swap3A_311, %swap3A_312], %add3A_310 {strides = array<i32>} : memref<128x128xf32, #tpu.memory_space<vmem>>, vector<16xf32>,
        %get3A_314 = arith.index_cast %scan3A_243 : i32 to index
        %get3A_315 = arith.constant 48 : index
        %get3A_316 = tpu.vector_load %arg9[%get3A_314, %get3A_315] {strides = array<i32>} : memref<128x128xf32, #tpu.memory_space<vmem>>, vector<16xf32>,
        %add3A_317 = arith.constant 48 : i32
        %add3A_318 = arith.addi %mul3A_253, %add3A_317 : i32
        %get3A_319 = arith.index_cast %select_n3A_277 : i32 to index
        %get3A_320 = arith.index_cast %add3A_318 : i32 to index
        %get3A_321 = tpu.vector_load %arg11[%get3A_319, %get3A_320] {strides = array<i32>} : memref<100x128xf32, #tpu.memory_space<vmem>>, vector<16xf32>,
        %add3A_322 = arith.addf %get3A_316, %get3A_321 : vector<16xf32>
        %swap3A_323 = arith.index_cast %scan3A_243 : i32 to index
        %swap3A_324 = arith.constant 48 : index
        %swap3A_325 = tpu.vector_load %arg9[%swap3A_323, %swap3A_324] {strides = array<i32>} : memref<128x128xf32, #tpu.memory_space<vmem>>, vector<16xf32>,
        tpu.vector_store %arg9[%swap3A_323, %swap3A_324], %add3A_322 {strides = array<i32>} : memref<128x128xf32, #tpu.memory_space<vmem>>, vector<16xf32>,
        %scan3A_326 = arith.constant 2 : i32
        %scan3A_327 = arith.addi %scan3A_169, %scan3A_326 : i32
        %add3A_328 = arith.addi %rem3A_148, %scan3A_327 : i32
        %ge3A_329 = arith.constant 200 : i32
        %ge3A_330 = arith.cmpi sge, %add3A_328, %ge3A_329 : i32
        %sub3A_331 = arith.constant 200 : i32
        %sub3A_332 = arith.subi %add3A_328, %sub3A_331 : i32
        %select_n3A_333 = arith.select %ge3A_330, %sub3A_332, %add3A_328 : i32
        %and3A_334 = arith.constant 1 : i32
        %and3A_335 = arith.andi %select_n3A_333, %and3A_334 : i32
        %mul3A_336 = arith.constant 64 : i32
        %mul3A_337 = arith.muli %and3A_335, %mul3A_336 : i32
        %jit3A_338 = arith.constant 2 : i32
        %div3A_339 = arith.divsi %select_n3A_333, %jit3A_338 : i32
        %sign3A_340 = arith.constant 0 : i32
        %sign3A_341 = arith.cmpi sgt, %select_n3A_333, %sign3A_340 : i32
        %sign3A_342 = arith.extui %sign3A_341 : i1 to i32
        %sign3A_343 = arith.constant 0 : i32
        %sign3A_344 = arith.cmpi slt, %select_n3A_333, %sign3A_343 : i32
        %sign3A_345 = arith.extui %sign3A_344 : i1 to i32
        %sign3A_346 = arith.subi %sign3A_342, %sign3A_345 : i32
        %sign3A_347 = arith.constant 0 : i32
        %sign3A_348 = arith.cmpi sgt, %jit3A_338, %sign3A_347 : i32
        %sign3A_349 = arith.extui %sign3A_348 : i1 to i32
        %sign3A_350 = arith.constant 0 : i32
        %sign3A_351 = arith.cmpi slt, %jit3A_338, %sign3A_350 : i32
        %sign3A_352 = arith.extui %sign3A_351 : i1 to i32
        %sign3A_353 = arith.subi %sign3A_349, %sign3A_352 : i32
        %ne3A_354 = arith.cmpi ne, %sign3A_346, %sign3A_353 : i32
        %rem3A_355 = arith.remsi %select_n3A_333, %jit3A_338 : i32
        %ne3A_356 = arith.constant 0 : i32
        %ne3A_357 = arith.cmpi ne, %rem3A_355, %ne3A_356 : i32
        %and3A_358 = arith.andi %ne3A_354, %ne3A_357 : i1
        %sub3A_359 = arith.constant 1 : i32
        %sub3A_360 = arith.subi %div3A_339, %sub3A_359 : i32
        %select_n3A_361 = arith.select %and3A_358, %sub3A_360, %div3A_339 : i32
        %get3A_362 = arith.index_cast %scan3A_327 : i32 to index
        %get3A_363 = arith.constant 0 : index
        %get3A_364 = tpu.vector_load %arg9[%get3A_362, %get3A_363] {strides = array<i32>} : memref<128x128xf32, #tpu.memory_space<vmem>>, vector<16xf32>,
        %add3A_365 = arith.constant 0 : i32
        %add3A_366 = arith.addi %mul3A_337, %add3A_365 : i32
        %get3A_367 = arith.index_cast %select_n3A_361 : i32 to index
        %get3A_368 = arith.index_cast %add3A_366 : i32 to index
        %get3A_369 = tpu.vector_load %arg11[%get3A_367, %get3A_368] {strides = array<i32>} : memref<100x128xf32, #tpu.memory_space<vmem>>, vector<16xf32>,
        %add3A_370 = arith.addf %get3A_364, %get3A_369 : vector<16xf32>
        %swap3A_371 = arith.index_cast %scan3A_327 : i32 to index
        %swap3A_372 = arith.constant 0 : index
        %swap3A_373 = tpu.vector_load %arg9[%swap3A_371, %swap3A_372] {strides = array<i32>} : memref<128x128xf32, #tpu.memory_space<vmem>>, vector<16xf32>,
        tpu.vector_store %arg9[%swap3A_371, %swap3A_372], %add3A_370 {strides = array<i32>} : memref<128x128xf32, #tpu.memory_space<vmem>>, vector<16xf32>,
        %get3A_374 = arith.index_cast %scan3A_327 : i32 to index
        %get3A_375 = arith.constant 16 : index
        %get3A_376 = tpu.vector_load %arg9[%get3A_374, %get3A_375] {strides = array<i32>} : memref<128x128xf32, #tpu.memory_space<vmem>>, vector<16xf32>,
        %add3A_377 = arith.constant 16 : i32
        %add3A_378 = arith.addi %mul3A_337, %add3A_377 : i32
        %get3A_379 = arith.index_cast %select_n3A_361 : i32 to index
        %get3A_380 = arith.index_cast %add3A_378 : i32 to index
        %get3A_381 = tpu.vector_load %arg11[%get3A_379, %get3A_380] {strides = array<i32>} : memref<100x128xf32, #tpu.memory_space<vmem>>, vector<16xf32>,
        %add3A_382 = arith.addf %get3A_376, %get3A_381 : vector<16xf32>
        %swap3A_383 = arith.index_cast %scan3A_327 : i32 to index
        %swap3A_384 = arith.constant 16 : index
        %swap3A_385 = tpu.vector_load %arg9[%swap3A_383, %swap3A_384] {strides = array<i32>} : memref<128x128xf32, #tpu.memory_space<vmem>>, vector<16xf32>,
        tpu.vector_store %arg9[%swap3A_383, %swap3A_384], %add3A_382 {strides = array<i32>} : memref<128x128xf32, #tpu.memory_space<vmem>>, vector<16xf32>,
        %get3A_386 = arith.index_cast %scan3A_327 : i32 to index
        %get3A_387 = arith.constant 32 : index
        %get3A_388 = tpu.vector_load %arg9[%get3A_386, %get3A_387] {strides = array<i32>} : memref<128x128xf32, #tpu.memory_space<vmem>>, vector<16xf32>,
        %add3A_389 = arith.constant 32 : i32
        %add3A_390 = arith.addi %mul3A_337, %add3A_389 : i32
        %get3A_391 = arith.index_cast %select_n3A_361 : i32 to index
        %get3A_392 = arith.index_cast %add3A_390 : i32 to index
        %get3A_393 = tpu.vector_load %arg11[%get3A_391, %get3A_392] {strides = array<i32>} : memref<100x128xf32, #tpu.memory_space<vmem>>, vector<16xf32>,
        %add3A_394 = arith.addf %get3A_388, %get3A_393 : vector<16xf32>
        %swap3A_395 = arith.index_cast %scan3A_327 : i32 to index
        %swap3A_396 = arith.constant 32 : index
        %swap3A_397 = tpu.vector_load %arg9[%swap3A_395, %swap3A_396] {strides = array<i32>} : memref<128x128xf32, #tpu.memory_space<vmem>>, vector<16xf32>,
        tpu.vector_store %arg9[%swap3A_395, %swap3A_396], %add3A_394 {strides = array<i32>} : memref<128x128xf32, #tpu.memory_space<vmem>>, vector<16xf32>,
        %get3A_398 = arith.index_cast %scan3A_327 : i32 to index
        %get3A_399 = arith.constant 48 : index
        %get3A_400 = tpu.vector_load %arg9[%get3A_398, %get3A_399] {strides = array<i32>} : memref<128x128xf32, #tpu.memory_space<vmem>>, vector<16xf32>,
        %add3A_401 = arith.constant 48 : i32
        %add3A_402 = arith.addi %mul3A_337, %add3A_401 : i32
        %get3A_403 = arith.index_cast %select_n3A_361 : i32 to index
        %get3A_404 = arith.index_cast %add3A_402 : i32 to index
        %get3A_405 = tpu.vector_load %arg11[%get3A_403, %get3A_404] {strides = array<i32>} : memref<100x128xf32, #tpu.memory_space<vmem>>, vector<16xf32>,
        %add3A_406 = arith.addf %get3A_400, %get3A_405 : vector<16xf32>
        %swap3A_407 = arith.index_cast %scan3A_327 : i32 to index
        %swap3A_408 = arith.constant 48 : index
        %swap3A_409 = tpu.vector_load %arg9[%swap3A_407, %swap3A_408] {strides = array<i32>} : memref<128x128xf32, #tpu.memory_space<vmem>>, vector<16xf32>,
        tpu.vector_store %arg9[%swap3A_407, %swap3A_408], %add3A_406 {strides = array<i32>} : memref<128x128xf32, #tpu.memory_space<vmem>>, vector<16xf32>,
        %scan3A_410 = arith.constant 3 : i32
        %scan3A_411 = arith.addi %scan3A_169, %scan3A_410 : i32
        %add3A_412 = arith.addi %rem3A_148, %scan3A_411 : i32
        %ge3A_413 = arith.constant 200 : i32
        %ge3A_414 = arith.cmpi sge, %add3A_412, %ge3A_413 : i32
        %sub3A_415 = arith.constant 200 : i32
        %sub3A_416 = arith.subi %add3A_412, %sub3A_415 : i32
        %select_n3A_417 = arith.select %ge3A_414, %sub3A_416, %add3A_412 : i32
        %and3A_418 = arith.constant 1 : i32
        %and3A_419 = arith.andi %select_n3A_417, %and3A_418 : i32
        %mul3A_420 = arith.constant 64 : i32
        %mul3A_421 = arith.muli %and3A_419, %mul3A_420 : i32
        %jit3A_422 = arith.constant 2 : i32
        %div3A_423 = arith.divsi %select_n3A_417, %jit3A_422 : i32
        %sign3A_424 = arith.constant 0 : i32
        %sign3A_425 = arith.cmpi sgt, %select_n3A_417, %sign3A_424 : i32
        %sign3A_426 = arith.extui %sign3A_425 : i1 to i32
        %sign3A_427 = arith.constant 0 : i32
        %sign3A_428 = arith.cmpi slt, %select_n3A_417, %sign3A_427 : i32
        %sign3A_429 = arith.extui %sign3A_428 : i1 to i32
        %sign3A_430 = arith.subi %sign3A_426, %sign3A_429 : i32
        %sign3A_431 = arith.constant 0 : i32
        %sign3A_432 = arith.cmpi sgt, %jit3A_422, %sign3A_431 : i32
        %sign3A_433 = arith.extui %sign3A_432 : i1 to i32
        %sign3A_434 = arith.constant 0 : i32
        %sign3A_435 = arith.cmpi slt, %jit3A_422, %sign3A_434 : i32
        %sign3A_436 = arith.extui %sign3A_435 : i1 to i32
        %sign3A_437 = arith.subi %sign3A_433, %sign3A_436 : i32
        %ne3A_438 = arith.cmpi ne, %sign3A_430, %sign3A_437 : i32
        %rem3A_439 = arith.remsi %select_n3A_417, %jit3A_422 : i32
        %ne3A_440 = arith.constant 0 : i32
        %ne3A_441 = arith.cmpi ne, %rem3A_439, %ne3A_440 : i32
        %and3A_442 = arith.andi %ne3A_438, %ne3A_441 : i1
        %sub3A_443 = arith.constant 1 : i32
        %sub3A_444 = arith.subi %div3A_423, %sub3A_443 : i32
        %select_n3A_445 = arith.select %and3A_442, %sub3A_444, %div3A_423 : i32
        %get3A_446 = arith.index_cast %scan3A_411 : i32 to index
        %get3A_447 = arith.constant 0 : index
        %get3A_448 = tpu.vector_load %arg9[%get3A_446, %get3A_447] {strides = array<i32>} : memref<128x128xf32, #tpu.memory_space<vmem>>, vector<16xf32>,
        %add3A_449 = arith.constant 0 : i32
        %add3A_450 = arith.addi %mul3A_421, %add3A_449 : i32
        %get3A_451 = arith.index_cast %select_n3A_445 : i32 to index
        %get3A_452 = arith.index_cast %add3A_450 : i32 to index
        %get3A_453 = tpu.vector_load %arg11[%get3A_451, %get3A_452] {strides = array<i32>} : memref<100x128xf32, #tpu.memory_space<vmem>>, vector<16xf32>,
        %add3A_454 = arith.addf %get3A_448, %get3A_453 : vector<16xf32>
        %swap3A_455 = arith.index_cast %scan3A_411 : i32 to index
        %swap3A_456 = arith.constant 0 : index
        %swap3A_457 = tpu.vector_load %arg9[%swap3A_455, %swap3A_456] {strides = array<i32>} : memref<128x128xf32, #tpu.memory_space<vmem>>, vector<16xf32>,
        tpu.vector_store %arg9[%swap3A_455, %swap3A_456], %add3A_454 {strides = array<i32>} : memref<128x128xf32, #tpu.memory_space<vmem>>, vector<16xf32>,
        %get3A_458 = arith.index_cast %scan3A_411 : i32 to index
        %get3A_459 = arith.constant 16 : index
        %get3A_460 = tpu.vector_load %arg9[%get3A_458, %get3A_459] {strides = array<i32>} : memref<128x128xf32, #tpu.memory_space<vmem>>, vector<16xf32>,
        %add3A_461 = arith.constant 16 : i32
        %add3A_462 = arith.addi %mul3A_421, %add3A_461 : i32
        %get3A_463 = arith.index_cast %select_n3A_445 : i32 to index
        %get3A_464 = arith.index_cast %add3A_462 : i32 to index
        %get3A_465 = tpu.vector_load %arg11[%get3A_463, %get3A_464] {strides = array<i32>} : memref<100x128xf32, #tpu.memory_space<vmem>>, vector<16xf32>,
        %add3A_466 = arith.addf %get3A_460, %get3A_465 : vector<16xf32>
        %swap3A_467 = arith.index_cast %scan3A_411 : i32 to index
        %swap3A_468 = arith.constant 16 : index
        %swap3A_469 = tpu.vector_load %arg9[%swap3A_467, %swap3A_468] {strides = array<i32>} : memref<128x128xf32, #tpu.memory_space<vmem>>, vector<16xf32>,
        tpu.vector_store %arg9[%swap3A_467, %swap3A_468], %add3A_466 {strides = array<i32>} : memref<128x128xf32, #tpu.memory_space<vmem>>, vector<16xf32>,
        %get3A_470 = arith.index_cast %scan3A_411 : i32 to index
        %get3A_471 = arith.constant 32 : index
        %get3A_472 = tpu.vector_load %arg9[%get3A_470, %get3A_471] {strides = array<i32>} : memref<128x128xf32, #tpu.memory_space<vmem>>, vector<16xf32>,
        %add3A_473 = arith.constant 32 : i32
        %add3A_474 = arith.addi %mul3A_421, %add3A_473 : i32
        %get3A_475 = arith.index_cast %select_n3A_445 : i32 to index
        %get3A_476 = arith.index_cast %add3A_474 : i32 to index
        %get3A_477 = tpu.vector_load %arg11[%get3A_475, %get3A_476] {strides = array<i32>} : memref<100x128xf32, #tpu.memory_space<vmem>>, vector<16xf32>,
        %add3A_478 = arith.addf %get3A_472, %get3A_477 : vector<16xf32>
        %swap3A_479 = arith.index_cast %scan3A_411 : i32 to index
        %swap3A_480 = arith.constant 32 : index
        %swap3A_481 = tpu.vector_load %arg9[%swap3A_479, %swap3A_480] {strides = array<i32>} : memref<128x128xf32, #tpu.memory_space<vmem>>, vector<16xf32>,
        tpu.vector_store %arg9[%swap3A_479, %swap3A_480], %add3A_478 {strides = array<i32>} : memref<128x128xf32, #tpu.memory_space<vmem>>, vector<16xf32>,
        %get3A_482 = arith.index_cast %scan3A_411 : i32 to index
        %get3A_483 = arith.constant 48 : index
        %get3A_484 = tpu.vector_load %arg9[%get3A_482, %get3A_483] {strides = array<i32>} : memref<128x128xf32, #tpu.memory_space<vmem>>, vector<16xf32>,
        %add3A_485 = arith.constant 48 : i32
        %add3A_486 = arith.addi %mul3A_421, %add3A_485 : i32
        %get3A_487 = arith.index_cast %select_n3A_445 : i32 to index
        %get3A_488 = arith.index_cast %add3A_486 : i32 to index
        %get3A_489 = tpu.vector_load %arg11[%get3A_487, %get3A_488] {strides = array<i32>} : memref<100x128xf32, #tpu.memory_space<vmem>>, vector<16xf32>,
        %add3A_490 = arith.addf %get3A_484, %get3A_489 : vector<16xf32>
        %swap3A_491 = arith.index_cast %scan3A_411 : i32 to index
        %swap3A_492 = arith.constant 48 : index
        %swap3A_493 = tpu.vector_load %arg9[%swap3A_491, %swap3A_492] {strides = array<i32>} : memref<128x128xf32, #tpu.memory_space<vmem>>, vector<16xf32>,
        tpu.vector_store %arg9[%swap3A_491, %swap3A_492], %add3A_490 {strides = array<i32>} : memref<128x128xf32, #tpu.memory_space<vmem>>, vector<16xf32>,
      }
      %scan3A_154 = arith.constant 128 : i32
      %mul3A_155 = arith.constant 128 : i32
      %mul3A_156 = arith.muli %add3A_138, %mul3A_155 : i32
      %add3A_157 = arith.addi %mul3A_2, %mul3A_156 : i32
      %dma_start3A_158 = arith.constant 0 : i32
      %dma_start3A_159 = tpu.memref_slice %arg5[%add3A_157, %dma_start3A_158] : memref<819200x128xf32, #tpu.memory_space<hbm>> -> memref<128x128xf32, #tpu.memory_space<hbm>>
      %dma_start3A_160 = arith.constant 0 : i32
      %dma_start3A_161 = tpu.memref_slice %arg5[%add3A_157, %dma_start3A_160] : memref<819200x128xf32, #tpu.memory_space<hbm>> -> memref<128x128xf32, #tpu.memory_space<hbm>>
      tpu.enqueue_dma source(%arg9 : memref<128x128xf32, #tpu.memory_space<vmem>>) target(%dma_start3A_161 : memref<128x128xf32, #tpu.memory_space<hbm>>) target_semaphore(%arg19 : memref<!tpu.dma_semaphore, #tpu.memory_space<semaphore_mem>>)
      %add3A_162 = arith.constant 2 : i32
      %add3A_163 = arith.addi %add3A_138, %add3A_162 : i32
      %lt3A_164 = arith.constant 200 : i32
      %lt3A_165 = arith.cmpi slt, %add3A_163, %lt3A_164 : i32
      %convert_element_type3A_166 = arith.extui %lt3A_165 : i1 to i32
      %cond3A_167 = arith.constant 0 : i32
      %cond3A_168 = arith.cmpi ne, %convert_element_type3A_166, %cond3A_167 : i32
      scf.if %cond3A_168 {
        %ge3A = arith.constant 2 : i32
        %ge3A_169 = arith.cmpi sge, %add3A_138, %ge3A : i32
        %convert_element_type3A_170 = arith.extui %ge3A_169 : i1 to i32
        %cond3A_171 = arith.constant 0 : i32
        %cond3A_172 = arith.cmpi ne, %convert_element_type3A_170, %cond3A_171 : i32
        scf.if %cond3A_172 {
          %dma_wait3A_179 = arith.constant 0 : i32
          %dma_wait3A_180 = tpu.memref_slice %arg5[%mul3A_2, %dma_wait3A_179] : memref<819200x128xf32, #tpu.memory_space<hbm>> -> memref<128x128xf32, #tpu.memory_space<hbm>>
          %dma_wait3A_181 = arith.constant 0 : i32
          %dma_wait3A_182 = tpu.memref_slice %arg5[%mul3A_2, %dma_wait3A_181] : memref<819200x128xf32, #tpu.memory_space<hbm>> -> memref<128x128xf32, #tpu.memory_space<hbm>>
          tpu.wait_dma2 semaphore(%arg17 : memref<!tpu.dma_semaphore, #tpu.memory_space<semaphore_mem>>) src(%arg7 : memref<128x128xf32, #tpu.memory_space<vmem>>) dst(%dma_wait3A_182 : memref<128x128xf32, #tpu.memory_space<hbm>>)
        } else {
        }
        %dma_start3A_173 = arith.constant 0 : i32
        %dma_start3A_174 = tpu.memref_slice %arg10[%add3A_163, %dma_start3A_173] : memref<200x128xi32, #tpu.memory_space<vmem>> -> memref<1x128xi32, #tpu.memory_space<vmem>>
        %dma_start3A_175 = tpu.memref_squeeze %dma_start3A_174 : memref<1x128xi32, #tpu.memory_space<vmem>> -> memref<128xi32, #tpu.memory_space<vmem>>
        %dma_start3A_176 = arith.constant 0 : i32
        %dma_start3A_177 = arith.constant 0 : i32
        %dma_start3A_178 = tpu.memref_slice %arg3[%dma_start3A_176, %dma_start3A_177] : memref<1000000x128xf32, #tpu.memory_space<hbm>> -> memref<1000000x128xf32, #tpu.memory_space<hbm>>
        tpu.enqueue_indirect_dma source(%dma_start3A_178 : memref<1000000x128xf32, #tpu.memory_space<hbm>>) target(%arg7 : memref<128x128xf32, #tpu.memory_space<vmem>>) offsets(%dma_start3A_175 : memref<128xi32, #tpu.memory_space<vmem>>) semaphore(%arg13 : memref<!tpu.dma_semaphore, #tpu.memory_space<semaphore_mem>>)
      } else {
      }
    }
    %scan3A_20 = arith.constant 50 : i32
    %dma_wait3A = arith.constant 0 : i32
    %dma_wait3A_21 = tpu.memref_slice %arg5[%mul3A_2, %dma_wait3A] : memref<819200x128xf32, #tpu.memory_space<hbm>> -> memref<128x128xf32, #tpu.memory_space<hbm>>
    %dma_wait3A_22 = arith.constant 0 : i32
    %dma_wait3A_23 = tpu.memref_slice %arg5[%mul3A_2, %dma_wait3A_22] : memref<819200x128xf32, #tpu.memory_space<hbm>> -> memref<128x128xf32, #tpu.memory_space<hbm>>
    tpu.wait_dma2 semaphore(%arg16 : memref<!tpu.dma_semaphore, #tpu.memory_space<semaphore_mem>>) src(%arg6 : memref<128x128xf32, #tpu.memory_space<vmem>>) dst(%dma_wait3A_23 : memref<128x128xf32, #tpu.memory_space<hbm>>)
    %dma_wait3A_24 = arith.constant 0 : i32
    %dma_wait3A_25 = tpu.memref_slice %arg5[%mul3A_2, %dma_wait3A_24] : memref<819200x128xf32, #tpu.memory_space<hbm>> -> memref<128x128xf32, #tpu.memory_space<hbm>>
    %dma_wait3A_26 = arith.constant 0 : i32
    %dma_wait3A_27 = tpu.memref_slice %arg5[%mul3A_2, %dma_wait3A_26] : memref<819200x128xf32, #tpu.memory_space<hbm>> -> memref<128x128xf32, #tpu.memory_space<hbm>>
    tpu.wait_dma2 semaphore(%arg17 : memref<!tpu.dma_semaphore, #tpu.memory_space<semaphore_mem>>) src(%arg7 : memref<128x128xf32, #tpu.memory_space<vmem>>) dst(%dma_wait3A_27 : memref<128x128xf32, #tpu.memory_space<hbm>>)
    %dma_wait3A_28 = arith.constant 0 : i32
    %dma_wait3A_29 = tpu.memref_slice %arg5[%mul3A_2, %dma_wait3A_28] : memref<819200x128xf32, #tpu.memory_space<hbm>> -> memref<128x128xf32, #tpu.memory_space<hbm>>
    %dma_wait3A_30 = arith.constant 0 : i32
    %dma_wait3A_31 = tpu.memref_slice %arg5[%mul3A_2, %dma_wait3A_30] : memref<819200x128xf32, #tpu.memory_space<hbm>> -> memref<128x128xf32, #tpu.memory_space<hbm>>
    tpu.wait_dma2 semaphore(%arg18 : memref<!tpu.dma_semaphore, #tpu.memory_space<semaphore_mem>>) src(%arg8 : memref<128x128xf32, #tpu.memory_space<vmem>>) dst(%dma_wait3A_31 : memref<128x128xf32, #tpu.memory_space<hbm>>)
    %dma_wait3A_32 = arith.constant 0 : i32
    %dma_wait3A_33 = tpu.memref_slice %arg5[%mul3A_2, %dma_wait3A_32] : memref<819200x128xf32, #tpu.memory_space<hbm>> -> memref<128x128xf32, #tpu.memory_space<hbm>>
    %dma_wait3A_34 = arith.constant 0 : i32
    %dma_wait3A_35 = tpu.memref_slice %arg5[%mul3A_2, %dma_wait3A_34] : memref<819200x128xf32, #tpu.memory_space<hbm>> -> memref<128x128xf32, #tpu.memory_space<hbm>>
    tpu.wait_dma2 semaphore(%arg19 : memref<!tpu.dma_semaphore, #tpu.memory_space<semaphore_mem>>) src(%arg9 : memref<128x128xf32, #tpu.memory_space<vmem>>) dst(%dma_wait3A_35 : memref<128x128xf32, #tpu.memory_space<hbm>>)
    return
  }
}

</mosaic_0001>

<sc_bundles>
// kernel: kernel.3.cloned.1.call-start
scs
__scs_entry_jumppad:
0x0: {  	(pc) =	sbr.rel $0x88, $3  }
0x1: {  	(tag) =	ssettag $0x0;
	lr =	simm.s32 $0x1  }
0x2: {  	[smem:$0x3F9F] =	sst lr;
	_ =	strace $0xD0000000  }
0x3: {  	_ = 	snop  }
0x4: {  	_ = 	snop  }
0x5: {  	_ = 	snop  }
0x6: {  	_ = 	snop  }
0x7: {  	_ = 	snop  }
__scs_overlays_trampoline_lowered:
0x8: {  	[smem:$0x3FAE] =	sst s0  }
0x9: {  	[smem:$0x3FAF] =	sst s1  }
0xa: {  	[smem:$0x3FB0] =	sst s2  }
0xb: {  	[smem:$0x3FB1] =	sst s3  }
0xc: {  	[smem:$0x3FB2] =	sst s4  }
0xd: {  	[smem:$0x3FB3] =	sst s5  }
0xe: {  	[smem:$0x3FB4] =	sst s6  }
0xf: {  	[smem:$0x3FB5] =	sst s7  }
0x10: {  	[smem:$0x3FB6] =	sst s8  }
0x11: {  	[smem:$0x3FB7] =	sst s9;
	s0 =	simm.s32 @!p0 $0x0  }
0x12: {  	s1 =	sld [smem:$0x3F9D];
	s0 =	simm.s32 @p0 $0x1  }
0x13: {  	[smem:$0x3FB8] =	sst s0;
	s0 =	simm.s32 @!p1 $0x0  }
0x14: {  	s2 =	sld [smem:$0x3F9C];
	s0 =	simm.s32 @p1 $0x1  }
0x15: {  	[smem:$0x3FB9] =	sst s0;
	s0 =	simm.s32 @!p2 $0x0  }
0x16: {  	s3 =	sld [smem:$0x3FDB];
	s0 =	simm.s32 @p2 $0x1  }
0x17: {  	s4 =	simm.s32 $0x1BF5;
	[smem:$0x3FBB] =	sst s0  }
0x18: {  	s0 =	sld [smem:$0x3F9E];
	_ =	swait.ge [sflag:s4], $0x0  }
0x19: {  	s7 =	sld [smem:$0x3F9F]  }
0x1a: {  	s8 =	sadd.s32 $0xFFFFE003, lr  }
0x1b: {  	s9 =	sadd.s32 $0xFFFFFEF7, lr;
	s5 =	simm.s32 $0xFFFFFFFF;
	p2 =	slt.u32 s8, $0xFFFFF086  }
0x1c: {  	p1 =	slt.u32 s9, $0xF7A;
	s5 =	simm.s32 @!p2 $0x0  }
0x1d: {  	s5 =	simm.s32 @p1 $0x1;
	p0 =	seq.s32 s7, s2  }
0x1e: {  	s7 =	smul.u32 @!p0 $0xF7A, s2;
	p2 =	seq.s32 @!p0 s5, $0x0  }
0x1f: {  	s9 =	smul.u32 $0xF7A, s1;
	s8 =	simm.s32 @!p0 $0x1BF5;
	p2 =	por !p2, p0  }
0x20: {  	[sflag:s8] =	ssyncset.s32 @!p0 $0xFFFFF086;
	s6 =	sadd.s32 @!p0 s3, s7;
	s7 =	simm.s32 @!p0 $0x108  }
0x21: {  	s3 =	sadd.s32 s3, s9;
	s6 =	sadd.s32 @!p0 $0x88, s6;
	s7 =	simm.s32 @p2 $0x1082  }
0x22: {  	[simem:s7], [sflag:s8] =	dma.local @!p0 [hbm:s6], $0xF7A  }
0x23: {  	s9 =	sor.u32 $0xD0000000, s2;
	s6 =	simm.s32 $0x108;
	_ =	swait.ge @!p0 [sflag:s8], $0x0  }
0x24: {  	s3 =	sadd.s32 $0x88, s3;
	s6 =	simm.s32 @!p1 $0x1082;
	[sflag:s4] =	ssyncset.s32 $0xFFFFF086  }
0x25: {  	[simem:s6], [sflag:s4] =	dma.local [hbm:s3], $0xF7A  }
0x26: {  	[smem:$0x3F9F] =	sst s1;
	(tag) =	ssettag s2;
	_ =	strace s9  }
0x27: {  	s1 =	sld [smem:$0x3FAF]  }
0x28: {  	s2 =	sld [smem:$0x3FB0]  }
0x29: {  	s4 =	sld [smem:$0x3FB2]  }
0x2a: {  	p0 =	seq.s32 s5, $0x0;
	s5 =	sld [smem:$0x3FB3]  }
0x2b: {  	s6 =	sld [smem:$0x3FB4]  }
0x2c: {  	s7 =	sld [smem:$0x3FB5]  }
0x2d: {  	s3 =	simm.s32 $0x108;
	s8 =	sld [smem:$0x3FB6]  }
0x2e: {  	s3 =	simm.s32 @!p0 $0x1082;
	s9 =	sld [smem:$0x3FB7]  }
0x2f: {  	lr =	sadd.s32 s0, s3;
	s0 =	sld [smem:$0x3FAE]  }
0x30: {  	s3 =	sld [smem:$0x3FB1]  }
0x31: {  	[smem:$0x3FBA] =	sst s10  }
0x32: {  	s10 =	sld [smem:$0x3FB8];
	_ =	sdelay $0x3  }
0x33: {  	p0 =	seq.s32 s10, $0x1;
	s10 =	sld [smem:$0x3FBA];
	_ =	sdelay $0x3  }
0x34: {  	[smem:$0x3FBA] =	sst s10  }
0x35: {  	s10 =	sld [smem:$0x3FB9];
	_ =	sdelay $0x3  }
0x36: {  	p1 =	seq.s32 s10, $0x1;
	s10 =	sld [smem:$0x3FBA];
	_ =	sdelay $0x3  }
0x37: {  	[smem:$0x3FBA] =	sst s10  }
0x38: {  	s10 =	sld [smem:$0x3FBB]  }
0x39: {  	_ = 	snop;
	(pc) =	sbr.ind lr, $3  }
0x3a: {  	_ = 	snop  }
0x3b: {  	_ = 	snop  }
0x3c: {  	p2 =	seq.s32 s10, $0x1;
	s10 =	sld [smem:$0x3FBA]  }
0x3d: {  	_ =	shalt  }
0x3e: {  	_ =	shalt  }
0x3f: {  	_ =	shalt  }
0x40: {  	_ =	shalt  }
0x41: {  	_ =	shalt  }
0x42: {  	_ =	shalt  }
0x43: {  	_ =	shalt  }
0x44: {  	_ =	shalt  }
0x45: {  	_ =	shalt  }
0x46: {  	_ =	shalt  }
0x47: {  	_ =	shalt  }
0x48: {  	_ =	shalt  }
0x49: {  	_ =	shalt  }
0x4a: {  	_ =	shalt  }
0x4b: {  	_ =	shalt  }
0x4c: {  	_ =	shalt  }
0x4d: {  	_ =	shalt  }
0x4e: {  	_ =	shalt  }
0x4f: {  	_ =	shalt  }
0x50: {  	_ =	shalt  }
0x51: {  	_ =	shalt  }
0x52: {  	_ =	shalt  }
0x53: {  	_ =	shalt  }
0x54: {  	_ =	shalt  }
0x55: {  	_ =	shalt  }
0x56: {  	_ =	shalt  }
0x57: {  	_ =	shalt  }
0x58: {  	_ =	shalt  }
0x59: {  	_ =	shalt  }
0x5a: {  	_ =	shalt  }
0x5b: {  	_ =	shalt  }
0x5c: {  	_ =	shalt  }
0x5d: {  	_ =	shalt  }
0x5e: {  	_ =	shalt  }
0x5f: {  	_ =	shalt  }
0x60: {  	_ =	shalt  }
0x61: {  	_ =	shalt  }
0x62: {  	_ =	shalt  }
0x63: {  	_ =	shalt  }
0x64: {  	_ =	shalt  }
0x65: {  	_ =	shalt  }
0x66: {  	_ =	shalt  }
0x67: {  	_ =	shalt  }
0x68: {  	_ =	shalt  }
0x69: {  	_ =	shalt  }
0x6a: {  	_ =	shalt  }
0x6b: {  	_ =	shalt  }
0x6c: {  	_ =	shalt  }
0x6d: {  	_ =	shalt  }
0x6e: {  	_ =	shalt  }
0x6f: {  	_ =	shalt  }
0x70: {  	_ =	shalt  }
0x71: {  	_ =	shalt  }
0x72: {  	_ =	shalt  }
0x73: {  	_ =	shalt  }
0x74: {  	_ =	shalt  }
0x75: {  	_ =	shalt  }
0x76: {  	_ =	shalt  }
0x77: {  	_ =	shalt  }
0x78: {  	_ =	shalt  }
0x79: {  	_ =	shalt  }
0x7a: {  	_ =	shalt  }
0x7b: {  	_ =	shalt  }
0x7c: {  	_ =	shalt  }
0x7d: {  	_ =	shalt  }
0x7e: {  	_ =	shalt  }
0x7f: {  	_ =	shalt  }
0x80: {  	_ =	shalt  }
0x81: {  	_ =	shalt  }
0x82: {  	_ =	shalt  }
0x83: {  	_ =	shalt  }
0x84: {  	_ =	shalt  }
0x85: {  	_ =	shalt  }
0x86: {  	_ =	shalt  }
0x87: {  	_ =	shalt  }
.Lfunc_end0:
.L_simem_size_0:
called_computation.1_lowered:
.L_overlay_start_0:
0x88: {  	s2 =	sld [smem:$0x3FD9]  }
0x89: {  	s3 =	sld [smem:$0x3FFE];
	_ =	sdelay $0x1  }
0x8a: {  	s1 =	srdreg.scid  }
0x8b: {  	s0 =	sand.u32 $0x1, s1  }
0x8c: {  	s17 =	sshll.u32 s0, $0xA;
	s2 =	sadd.s32 s3, s2  }
0x8d: {  	s2 =	sadd.s32 s2, s17  }
0x8e: {  	[smem:$0x3FC6] =	sst s2  }
0x8f: {  	_ = 	snop  }
0x90: {  	s2 =	sld [smem:$0x3FD0];
	(tm) =	ssettm $0x1  }
0x91: {  	s18 =	sld [smem:$0x3FFB];
	_ =	sdelay $0x3  }
0x92: {  	_ =	strace s18  }
0x93: {  	s3 =	sld [smem:$0x3FFC];
	_ =	sdelay $0x3  }
0x94: {  	_ =	strace s3  }
0x95: {  	s3 =	sld [smem:$0x3FFD];
	_ =	sdelay $0x3  }
0x96: {  	_ =	strace s3  }
0x97: {  	_ =	strace $0x8FFFFFFF  }
0x98: {  	s19 =	sld [smem:$0x3FDB];
	_ =	sdelay $0x1  }
0x99: {  	s4 =	simm.s32 $_scs_section_size  }
0x9a: {  	s5 =	simm.s32 $_size__tile_overlayer_lowered;
	s6 =	simm.s32 $_tile_overlayer_lowered  }
0x9b: {  	s22 =	simm.s32 $0x1BFF;
	s21 =	sshll.u32 s6, $0x1;
	s3 =	sadd.s32 s4, s19  }
0x9c: {  	s7 =	simm.s32 $0x0;
	s20 =	sshll.u32 s5, $0x1;
	s5 =	sadd.s32 s21, s3  }
0x9d: {  	[timem:s7], [sflag:s22] =	dma.local [hbm:s5], s20  }
0x9e: {  	_ =	swait.ge [sflag:s22], s20  }
0x9f: {  	s4 =	ssub.s32 $0x0, s20;
	[sflag:s22] =	ssyncset.done $0x0  }
0xa0: {  	[sflag:s22] =	ssyncadd.s32 s4;
	_ =	sdelay $0x1  }
0xa1: {  	s23 =	simm.s32 $0x1B8B  }
0xa2: {  	_ =	swait.ge [sflag:s23], $0x1  }
0xa3: {  	[sflag:s23] =	ssyncset.done $0x0  }
0xa4: {  	s25 =	simm.s32 $0x1B8E;
	s24 =	sld [smem:$0x3FFE];
	[sflag:s23] =	ssyncadd.s32 $0xFFFFFFFF  }
0xa5: {  	s26 =	simm.s32 $execute0_lowered;
	[smem:$0x3FD2] =	sst s25  }
0xa6: {  	s5 =	sshll.u32 s26, $0x1;
	_ =	strace $0x80000046;
	[dreg:$0x1] =	wrdreg $0xFFFFFFFF  }
0xa7: {  	s28 =	simm.s32 $_size_execute0_lowered;
	s3 =	sadd.s32 s3, s5;
	[dreg:$0x0] =	wrdreg $0x0  }
0xa8: {  	s5 =	sshll.u32 s28, $0x1;
	[dreg:$0x2] =	wrdreg s3  }
0xa9: {  	[dreg:$0x3] =	wrdreg s5  }
0xaa: {  	[dreg:$0x4] =	wrdreg $0xC0  }
0xab: {  	_ =	task [dreg:s7], $0x5FFFF  }
0xac: {  	[dreg:$0x1] =	wrdreg $0xFFFFFFFF  }
0xad: {  	[dreg:$0x0] =	wrdreg $0x60  }
0xae: {  	[dreg:$0x2] =	wrdreg s2  }
0xaf: {  	[dreg:$0x3] =	wrdreg s24  }
0xb0: {  	[dreg:$0x4] =	wrdreg $0x9  }
0xb1: {  	_ =	task.clear_ibuf [dreg:s7], $0x5FFFF;
	_ =	strace $0x90000046  }
0xb2: {  	s29 =	simm.s32 $0x9;
	_ =	strace $0x80000048  }
0xb3: {  	_ =	swait.ge [sflag:s29], $0x1  }
0xb4: {  	[sflag:s29] =	ssyncadd.s32 $0xFFFFFFFF  }
0xb5: {  	_ =	strace $0x90000048  }
0xb6: {  	_ =	sfence  }
0xb7: {  	s30 =	sld [smem:$0x0];
	_ =	sdelay $0x2  }
0xb8: {  	s31 =	sshll.u32 s1, $0xD;
	s1 =	sshrl.u32 s1, $0x2  }
0xb9: {  	s3 =	sand.u32 $0x4000, s31;
	s1 =	sadd.s32 s1, s30  }
0xba: {  	s0 =	sor.u32 s3, s0;
	s1 =	sshll.u32 s1, $0x11  }
0xbb: {  	s0 =	sor.u32 s1, s0  }
0xbc: {  	s0 =	sadd.s32 $0x8F2B, s0  }
0xbd: {  	[sflag:s0] =	ssyncadd.remote.s32 $0x1  }
0xbe: {  	_ =	sfence.sel $0xFFFF  }
0xbf: {  	[dreg:$0x0] =	wrdreg $0xFFFFFFFF;
	(pc) =	sbr.abs _section_cstart, $3  }
0xc0: {  	[dreg:$0x1] =	wrdreg $0xFFFFFFFF  }
0xc1: {  	_ =	task.clear_ibuf [dreg:s7], $0x2FFFF;
	_ =	strace $0x9FFFFFFF  }
0xc2: {  	(tm) =	ssettm $0x7FFFFFFF  }
0xc3: {  	_ =	shalt  }
tec
execute0_lowered:
.L_overlay_start_1:
0x0: {  	(tag) =	ssettag $0x1  }
0x1: {  	s0 =	rddreg [dreg:$0x0]  }
0x2: {  	s1 =	rddreg [dreg:$0x1]  }
0x3: {  	s3 =	srdreg.scid;
	s4 =	stileid.u32;
	s2 =	simm.s32 $0x0  }
0x4: {  	s24 =	simm.s32 $0x4000;
	s14 =	simm.s32 $0x1;
	s23 =	simm.s32 $0xFFFFCE80  }
0x5: {  	s15 =	simm.s32 $0x80;
	s25 =	simm.s32 $0xFFFFEE40;
	s26 =	simm.s32 $0xFFFFEEC0  }
0x6: {  	s17 =	simm.s32 $0x2;
	[smem:$0x7FF] =	sst s2;
	s6 =	sadd.s32 $0x1A00, s1  }
0x7: {  	s28 =	simm.s32 $0xE00;
	_ =	strace $0x80000047;
	[dreg:$0xe] =	wrdreg s6  }
0x8: {  	s29 =	simm.s32 $0xE80;
	s19 =	simm.s32 $0x3;
	[dreg:$0x4] =	wrdreg s23  }
0x9: {  	s30 =	simm.s32 $0x2E00;
	s31 =	simm.s32 $0x2E80;
	[dreg:$0x6] =	wrdreg s25  }
0xa: {  	s3 =	sand.u32 $0x1, s3;
	s4 =	sshll.u32 s4, $0x1;
	[dreg:$0x7] =	wrdreg s26  }
0xb: {  	s4 =	sor.u32 s3, s4;
	s5 =	ssub.s32 $0x2, s3;
	[dreg:$0x9] =	wrdreg s28  }
0xc: {  	s6 =	sadd.s32 $0x2200, s1;
	[dreg:$0xa] =	wrdreg s29;
	s3 =	smul.u32 $0x6400, s4  }
.Ltmp0:
0xd: {  	[dreg:$0xc] =	wrdreg s30;
	s7 =	sshrl.u32 s5, $0x1;
	(pc) =	sbr.rel .LBB2_1-.Ltmp0, $4  }
0xe: {  	[dreg:$0xd] =	wrdreg s31;
	s26 =	simm.s32 $0x100;
	s20 =	ssub.s32 s5, s7  }
0xf: {  	s4 =	sadd.s32 $0xF44E00, s1;
	s21 =	sshrl.u32 s3, $0x3;
	s22 =	smax.u32 s20, $0x1  }
0x10: {  	s5 =	simm.s32 $0x0;
	s0 =	sadd.s32 s0, s21;
	[dreg:$0x10] =	wrdreg s22  }
0x11: {  	s20 =	simm.s32 $0x4;
	s22 =	simm.s32 $0x6;
	[dreg:$0xf] =	wrdreg s0  }
.LBB2_12:
0x12: {  	s0 =	simm.s32 $0x5  }
0x13: {  	_ =	swait.ge [sflag:s0], $0x4000  }
0x14: {  	[sflag:s0] =	ssyncset.done $0x0  }
0x15: {  	[sflag:s0] =	ssyncadd.s32 $0xFFFFC000  }
0x16: {  	_ =	swait.ge [sflag:s22], $0x4000  }
0x17: {  	[sflag:s22] =	ssyncset.done $0x0  }
0x18: {  	s30 =	simm.s32 $0x7;
	[sflag:s22] =	ssyncadd.s32 $0xFFFFC000  }
0x19: {  	_ =	swait.ge [sflag:s30], $0x4000  }
0x1a: {  	[sflag:s30] =	ssyncset.done $0x0  }
0x1b: {  	s1 =	simm.s32 $0x8;
	[sflag:s30] =	ssyncadd.s32 $0xFFFFC000  }
0x1c: {  	_ =	swait.ge [sflag:s1], $0x4000  }
0x1d: {  	s5 =	rddreg [dreg:$0x11]  }
0x1e: {  	s31 =	rddreg [dreg:$0x10];
	s5 =	sadd.s32 $0x1, s5  }
0x1f: {  	p0 =	sne.s32 s5, s31  }
.Ltmp1:
0x20: {  	_ = 	snop;
	(pc) =	sbr.rel @!p0 .LBB2_13-.Ltmp1, $3  }
0x21: {  	_ =	sdelay $0x1  }
0x22: {  	[sflag:s1] =	ssyncset.done $0x0  }
0x23: {  	[sflag:s1] =	ssyncadd.s32 $0xFFFFC000  }
.LBB2_1:
0x24: {  	[dreg:$0x11] =	wrdreg s5  }
0x25: {  	s0 =	rddreg [dreg:$0xf];
	s1 =	simm.s32 $0x10000;
	s21 =	simm.s32 $0x9  }
0x26: {  	[tilespmem:s1], [sflag:$0x9] =	stream.linear.gather [hbm4b:s0+s2], $0x6400, $0x38;
	[tilespmem:$0x19800] =	vst v63  }
0x27: {  	_ =	swait.ge [sflag:s21], $0x6400  }
0x28: {  	[sflag:s21] =	ssyncset.done $0x0  }
0x29: {  	s7 =	simm.s32 $0x16400;
	s23 =	rddreg [dreg:$0xe];
	[sflag:s21] =	ssyncadd.s32 $0xFFFF9C00  }
0x2a: {  	[tilespmem:s7], [sflag:$0x9] =	stream.linear.gather [hbm4b:s23+s2], $0x3200, $0x38;
	[tilespmem:$0x19800] =	vst v63  }
0x2b: {  	_ =	swait.ge [sflag:s21], $0x3200  }
0x2c: {  	s25 =	simm.s32 $0x10080;
	s28 =	simm.s32 $0x180;
	[sflag:s21] =	ssyncset.done $0x0  }
0x2d: {  	s29 =	simm.s32 $0x100;
	s30 =	simm.s32 $0x80;
	[sflag:s21] =	ssyncadd.s32 $0xFFFFCE00  }
0x2e: {  	[tilespmem:s2], [sflag:$0x1] =	stream.indirect.gather [hbm4b:s4+s15], $0x80, s1, s15, $0xb8;
	[tilespmem:$0x19800] =	vst v63  }
0x2f: {  	s31 =	simm.s32 $0x0;
	s0 =	simm.s32 $0x0;
	s1 =	simm.s32 $0x0  }
0x30: {  	[tilespmem:s24], [sflag:$0x2] =	stream.indirect.gather [hbm4b:s4+s15], $0x80, s25, s15, $0xb8;
	[tilespmem:$0x19800] =	vst v63  }
.LBB2_2:
0x31: {  	s5 =	smulhi.u32 $0x51EB851F, s28  }
0x32: {  	s8 =	smulhi.u32 $0x51EB851F, s29  }
0x33: {  	s9 =	smulhi.u32 $0x51EB851F, s30  }
0x34: {  	s10 =	smulhi.u32 $0x51EB851F, s0;
	s7 =	sshrl.u32 s5, $0x6  }
0x35: {  	s8 =	sshrl.u32 s8, $0x6;
	s5 =	smul.u32 $0xC8, s7  }
0x36: {  	s9 =	sshrl.u32 s9, $0x6;
	s11 =	smul.u32 $0xC8, s8  }
0x37: {  	s10 =	sshrl.u32 s10, $0x6;
	s12 =	smul.u32 $0xC8, s9;
	s5 =	ssub.s32 s0, s5  }
0x38: {  	s16 =	smul.u32 $0xC8, s10;
	s13 =	ssub.s32 s0, s11;
	[dreg:$0xb] =	wrdreg s5  }
0x39: {  	s18 =	ssub.s32 s0, s12;
	[dreg:$0x8] =	wrdreg s13  }
0x3a: {  	s21 =	ssub.s32 s0, s16;
	[dreg:$0x5] =	wrdreg s18  }
0x3b: {  	[dreg:$0x3] =	wrdreg s21  }
0x3c: {  	s24 =	smul.u32 $0x3200, s10;
	_ =	swait.ge [sflag:s14], $0x4000  }
0x3d: {  	s23 =	rddreg [dreg:$0x3]  }
0x3e: {  	s5 =	ssub.s32 s31, s24;
	s25 =	sadd.s32 $0xFFFFFFFC, s23  }
0x3f: {  	s11 =	sadd.s32 $0xFFFFCE00, s5;
	[sflag:s14] =	ssyncset.done $0x0;
	s16 =	sadd.s32 $0x4, s25  }
0x40: {  	s12 =	smov.u32 s5;
	[sflag:s14] =	ssyncadd.s32 $0xFFFFC000;
	p0 =	sgt.u32 s16, $0xC7  }
0x41: {  	v0 =	vld [tilespmem:s26+$0xFFFFFF00];
	s12 =	smov.u32 @p0 s11  }
0x42: {  	v1 =	vld [tilespmem:s12+$0x16400];
	_ =	sdelay $0x4  }
0x43: {  	v0 =	vadd.f32 v1, v0;
	_ =	sdelay $0x1  }
0x44: {  	[tilespmem:s26+$0xFFFFFF00] =	vst v0;
	v0 =	vld [tilespmem:s26+$0xFFFFFF10]  }
0x45: {  	v1 =	vld [tilespmem:s12+$0x16410];
	_ =	sdelay $0x4  }
0x46: {  	v0 =	vadd.f32 v1, v0;
	_ =	sdelay $0x1  }
0x47: {  	[tilespmem:s26+$0xFFFFFF10] =	vst v0;
	v0 =	vld [tilespmem:s26+$0xFFFFFF20]  }
0x48: {  	v1 =	vld [tilespmem:s12+$0x16420];
	_ =	sdelay $0x4  }
0x49: {  	s11 =	sadd.s32 $0x5, s25;
	v0 =	vadd.f32 v1, v0  }
0x4a: {  	s13 =	sadd.s32 $0xFFFFFF3D, s25;
	p0 =	sgt.u32 s11, $0xC7  }
0x4b: {  	s11 =	smov.u32 @p0 s13;
	[tilespmem:s26+$0xFFFFFF20] =	vst v0;
	v0 =	vld [tilespmem:s26+$0xFFFFFF30]  }
0x4c: {  	s18 =	sand.u32 $0x8000, s11;
	v1 =	vld [tilespmem:s12+$0x16430]  }
0x4d: {  	s12 =	sshrl.u32 s18, $0xF  }
0x4e: {  	s12 =	sadd.s32 s12, s11  }
0x4f: {  	s12 =	sshll.u32 s12, $0x10  }
0x50: {  	s11 =	sshra.s32 s11, $0x1F;
	s12 =	sshra.s32 s12, $0x11  }
0x51: {  	s11 =	sadd.s32 s12, s11;
	v0 =	vadd.f32 v1, v0  }
0x52: {  	s11 =	sshll.u32 s11, $0x9  }
0x53: {  	s11 =	sshra.s32 s11, $0x2;
	[tilespmem:s26+$0xFFFFFF30] =	vst v0;
	v0 =	vld [tilespmem:s26+$0xFFFFFF80]  }
0x54: {  	v1 =	vld [tilespmem:s11+$0x16440];
	_ =	sdelay $0x4  }
0x55: {  	v0 =	vadd.f32 v1, v0;
	_ =	sdelay $0x1  }
0x56: {  	[tilespmem:s26+$0xFFFFFF80] =	vst v0;
	v0 =	vld [tilespmem:s26+$0xFFFFFF90]  }
0x57: {  	v1 =	vld [tilespmem:s11+$0x16450];
	_ =	sdelay $0x4  }
0x58: {  	v0 =	vadd.f32 v1, v0;
	_ =	sdelay $0x1  }
0x59: {  	[tilespmem:s26+$0xFFFFFF90] =	vst v0;
	v0 =	vld [tilespmem:s26+$0xFFFFFFA0]  }
0x5a: {  	v1 =	vld [tilespmem:s11+$0x16460];
	_ =	sdelay $0x4  }
0x5b: {  	v0 =	vadd.f32 v1, v0;
	_ =	sdelay $0x1  }
0x5c: {  	[tilespmem:s26+$0xFFFFFFA0] =	vst v0;
	v0 =	vld [tilespmem:s26+$0xFFFFFFB0]  }
0x5d: {  	v1 =	vld [tilespmem:s11+$0x16470];
	_ =	sdelay $0x3  }
0x5e: {  	s21 =	sadd.s32 $0x6, s25  }
0x5f: {  	p0 =	sgt.u32 s21, $0xC7;
	s11 =	rddreg [dreg:$0x4];
	v0 =	vadd.f32 v1, v0  }
0x60: {  	s11 =	simm.s32 @!p0 $0x80  }
0x61: {  	s11 =	sadd.s32 s11, s5;
	[tilespmem:s26+$0xFFFFFFB0] =	vst v0;
	v0 =	vld [tilespmem:s26+$0x0]  }
0x62: {  	v1 =	vld [tilespmem:s11+$0x16400];
	_ =	sdelay $0x4  }
0x63: {  	v0 =	vadd.f32 v1, v0;
	_ =	sdelay $0x1  }
0x64: {  	[tilespmem:s26+$0x0] =	vst v0;
	v0 =	vld [tilespmem:s26+$0x10]  }
0x65: {  	v1 =	vld [tilespmem:s11+$0x16410];
	_ =	sdelay $0x4  }
0x66: {  	v0 =	vadd.f32 v1, v0;
	_ =	sdelay $0x1  }
0x67: {  	[tilespmem:s26+$0x10] =	vst v0;
	v0 =	vld [tilespmem:s26+$0x20]  }
0x68: {  	v1 =	vld [tilespmem:s11+$0x16420];
	_ =	sdelay $0x4  }
0x69: {  	s12 =	sadd.s32 $0x7, s25;
	v0 =	vadd.f32 v1, v0  }
0x6a: {  	s10 =	sadd.s32 $0xFFFFFF3F, s25;
	p0 =	sgt.u32 s12, $0xC7  }
0x6b: {  	s12 =	smov.u32 @p0 s10;
	[tilespmem:s26+$0x20] =	vst v0;
	v0 =	vld [tilespmem:s26+$0x30]  }
0x6c: {  	s10 =	sand.u32 $0x8000, s12;
	v1 =	vld [tilespmem:s11+$0x16430]  }
0x6d: {  	s10 =	sshrl.u32 s10, $0xF  }
0x6e: {  	s10 =	sadd.s32 s10, s12  }
0x6f: {  	s10 =	sshll.u32 s10, $0x10  }
0x70: {  	s23 =	sshra.s32 s12, $0x1F;
	s10 =	sshra.s32 s10, $0x11  }
0x71: {  	s10 =	sadd.s32 s10, s23;
	v0 =	vadd.f32 v1, v0  }
0x72: {  	s10 =	sshll.u32 s10, $0x9  }
0x73: {  	s24 =	sshra.s32 s10, $0x2;
	[tilespmem:s26+$0x30] =	vst v0;
	v0 =	vld [tilespmem:s26+$0x80]  }
0x74: {  	v1 =	vld [tilespmem:s24+$0x16440];
	_ =	sdelay $0x4  }
0x75: {  	v0 =	vadd.f32 v1, v0;
	_ =	sdelay $0x1  }
0x76: {  	[tilespmem:s26+$0x80] =	vst v0;
	v0 =	vld [tilespmem:s26+$0x90]  }
0x77: {  	v1 =	vld [tilespmem:s24+$0x16450];
	_ =	sdelay $0x4  }
0x78: {  	v0 =	vadd.f32 v1, v0;
	_ =	sdelay $0x1  }
0x79: {  	[tilespmem:s26+$0x90] =	vst v0;
	v0 =	vld [tilespmem:s26+$0xA0]  }
0x7a: {  	v1 =	vld [tilespmem:s24+$0x16460];
	_ =	sdelay $0x3  }
0x7b: {  	s7 =	smul.u32 $0x3200, s7  }
0x7c: {  	s8 =	smul.u32 $0x3200, s8;
	v0 =	vadd.f32 v1, v0  }
0x7d: {  	s21 =	simm.s32 $0x100;
	s25 =	smul.u32 $0x3200, s9  }
0x7e: {  	s9 =	ssub.s32 s31, s8;
	s8 =	simm.s32 $0x100;
	s12 =	ssub.s32 s31, s7;
	[tilespmem:s26+$0xA0] =	vst v0;
	v0 =	vld [tilespmem:s26+$0xB0]  }
0x7f: {  	s7 =	ssub.s32 s31, s25;
	s10 =	simm.s32 $0x0;
	s11 =	sshll.u32 s1, $0x9;
	v1 =	vld [tilespmem:s24+$0x16470]  }
.LBB2_3:
0x80: {  	_ =	sdelay $0x1  }
0x81: {  	s13 =	rddreg [dreg:$0x3];
	s23 =	smov.u32 s10  }
0x82: {  	s23 =	sadd.s32 s23, s13  }
0x83: {  	s5 =	sadd.s32 $0x100, s5;
	s21 =	sadd.s32 $0x200, s21;
	s13 =	sadd.s32 $0x4, s23;
	v0 =	vadd.f32 v1, v0  }
0x84: {  	s24 =	smov.u32 s5;
	p1 =	sgt.u32 s13, $0xC7;
	s13 =	sadd.s32 $0xFFFFCE00, s5  }
0x85: {  	v1 =	vld [tilespmem:s21+$0xFFFFFF00];
	s24 =	smov.u32 @p1 s13;
	[tilespmem:s8+$0xB0] =	vst v0  }
0x86: {  	v0 =	vld [tilespmem:s24+$0x16400];
	_ =	sdelay $0x4  }
0x87: {  	v0 =	vadd.f32 v0, v1;
	_ =	sdelay $0x1  }
0x88: {  	[tilespmem:s21+$0xFFFFFF00] =	vst v0;
	v0 =	vld [tilespmem:s21+$0xFFFFFF10]  }
0x89: {  	v1 =	vld [tilespmem:s24+$0x16410];
	_ =	sdelay $0x4  }
0x8a: {  	v0 =	vadd.f32 v1, v0;
	_ =	sdelay $0x1  }
0x8b: {  	[tilespmem:s21+$0xFFFFFF10] =	vst v0;
	v0 =	vld [tilespmem:s21+$0xFFFFFF20]  }
0x8c: {  	v1 =	vld [tilespmem:s24+$0x16420];
	_ =	sdelay $0x4  }
0x8d: {  	s13 =	sadd.s32 $0x5, s23;
	v0 =	vadd.f32 v1, v0  }
0x8e: {  	s25 =	sadd.s32 $0xFFFFFF3D, s23;
	p1 =	sgt.u32 s13, $0xC7  }
0x8f: {  	s13 =	smov.u32 @p1 s25;
	[tilespmem:s21+$0xFFFFFF20] =	vst v0;
	v0 =	vld [tilespmem:s21+$0xFFFFFF30]  }
0x90: {  	s16 =	sand.u32 $0x8000, s13;
	v1 =	vld [tilespmem:s24+$0x16430]  }
0x91: {  	s24 =	sshrl.u32 s16, $0xF  }
0x92: {  	s24 =	sadd.s32 s24, s13  }
0x93: {  	s24 =	sshll.u32 s24, $0x10  }
0x94: {  	s13 =	sshra.s32 s13, $0x1F;
	s24 =	sshra.s32 s24, $0x11  }
0x95: {  	s13 =	sadd.s32 s24, s13;
	v0 =	vadd.f32 v1, v0  }
0x96: {  	s13 =	sshll.u32 s13, $0x9  }
0x97: {  	s13 =	sshra.s32 s13, $0x2;
	[tilespmem:s21+$0xFFFFFF30] =	vst v0;
	v0 =	vld [tilespmem:s21+$0xFFFFFF80]  }
0x98: {  	v1 =	vld [tilespmem:s13+$0x16440];
	_ =	sdelay $0x4  }
0x99: {  	v0 =	vadd.f32 v1, v0;
	_ =	sdelay $0x1  }
0x9a: {  	[tilespmem:s21+$0xFFFFFF80] =	vst v0;
	v0 =	vld [tilespmem:s21+$0xFFFFFF90]  }
0x9b: {  	v1 =	vld [tilespmem:s13+$0x16450];
	_ =	sdelay $0x4  }
0x9c: {  	v0 =	vadd.f32 v1, v0;
	_ =	sdelay $0x1  }
0x9d: {  	[tilespmem:s21+$0xFFFFFF90] =	vst v0;
	v0 =	vld [tilespmem:s21+$0xFFFFFFA0]  }
0x9e: {  	v1 =	vld [tilespmem:s13+$0x16460];
	_ =	sdelay $0x4  }
0x9f: {  	v0 =	vadd.f32 v1, v0;
	_ =	sdelay $0x1  }
0xa0: {  	[tilespmem:s21+$0xFFFFFFA0] =	vst v0;
	v0 =	vld [tilespmem:s21+$0xFFFFFFB0]  }
0xa1: {  	v1 =	vld [tilespmem:s13+$0x16470];
	_ =	sdelay $0x3  }
0xa2: {  	s18 =	sadd.s32 $0x6, s23  }
0xa3: {  	p1 =	sgt.u32 s18, $0xC7;
	s13 =	rddreg [dreg:$0x4];
	v0 =	vadd.f32 v1, v0  }
0xa4: {  	s13 =	simm.s32 @!p1 $0x80  }
0xa5: {  	s13 =	sadd.s32 s13, s5;
	[tilespmem:s21+$0xFFFFFFB0] =	vst v0;
	v0 =	vld [tilespmem:s21+$0x0]  }
0xa6: {  	v1 =	vld [tilespmem:s13+$0x16400];
	_ =	sdelay $0x4  }
0xa7: {  	v0 =	vadd.f32 v1, v0;
	_ =	sdelay $0x1  }
0xa8: {  	[tilespmem:s21+$0x0] =	vst v0;
	v0 =	vld [tilespmem:s21+$0x10]  }
0xa9: {  	v1 =	vld [tilespmem:s13+$0x16410];
	_ =	sdelay $0x4  }
0xaa: {  	v0 =	vadd.f32 v1, v0;
	_ =	sdelay $0x1  }
0xab: {  	[tilespmem:s21+$0x10] =	vst v0;
	v0 =	vld [tilespmem:s21+$0x20]  }
0xac: {  	v1 =	vld [tilespmem:s13+$0x16420];
	_ =	sdelay $0x4  }
0xad: {  	s24 =	sadd.s32 $0x7, s23;
	v0 =	vadd.f32 v1, v0  }
0xae: {  	s23 =	sadd.s32 $0xFFFFFF3F, s23;
	p1 =	sgt.u32 s24, $0xC7  }
0xaf: {  	s24 =	smov.u32 @p1 s23;
	[tilespmem:s21+$0x20] =	vst v0;
	v0 =	vld [tilespmem:s21+$0x30]  }
0xb0: {  	s25 =	sand.u32 $0x8000, s24;
	v1 =	vld [tilespmem:s13+$0x16430]  }
0xb1: {  	s13 =	sshrl.u32 s25, $0xF  }
0xb2: {  	s13 =	sadd.s32 s13, s24  }
0xb3: {  	s13 =	sshll.u32 s13, $0x10  }
0xb4: {  	s23 =	sshra.s32 s24, $0x1F;
	s13 =	sshra.s32 s13, $0x11  }
0xb5: {  	s13 =	sadd.s32 s13, s23;
	v0 =	vadd.f32 v1, v0  }
0xb6: {  	s13 =	sshll.u32 s13, $0x9  }
0xb7: {  	s13 =	sshra.s32 s13, $0x2;
	[tilespmem:s21+$0x30] =	vst v0;
	v0 =	vld [tilespmem:s21+$0x80]  }
0xb8: {  	v1 =	vld [tilespmem:s13+$0x16440];
	_ =	sdelay $0x4  }
0xb9: {  	v0 =	vadd.f32 v1, v0;
	_ =	sdelay $0x1  }
0xba: {  	[tilespmem:s21+$0x80] =	vst v0;
	v0 =	vld [tilespmem:s21+$0x90]  }
0xbb: {  	v1 =	vld [tilespmem:s13+$0x16450];
	_ =	sdelay $0x4  }
0xbc: {  	v0 =	vadd.f32 v1, v0;
	_ =	sdelay $0x1  }
0xbd: {  	[tilespmem:s21+$0x90] =	vst v0;
	v0 =	vld [tilespmem:s21+$0xA0]  }
0xbe: {  	v1 =	vld [tilespmem:s13+$0x16460];
	_ =	sdelay $0x1  }
0xbf: {  	s10 =	sadd.s32 $0x4, s10  }
0xc0: {  	p0 =	slt.u32 s10, $0x7C  }
.Ltmp2:
0xc1: {  	_ = 	snop;
	(pc) =	sbr.rel @p0 .LBB2_3-.Ltmp2, $3  }
0xc2: {  	v0 =	vadd.f32 v1, v0;
	_ =	sdelay $0x1  }
0xc3: {  	[tilespmem:s21+$0xA0] =	vst v0;
	v0 =	vld [tilespmem:s21+$0xB0]  }
0xc4: {  	s8 =	smov.u32 s21;
	v1 =	vld [tilespmem:s13+$0x16470]  }
0xc5: {  	_ =	sdelay $0x3  }
0xc6: {  	s5 =	sadd.s32 s3, s11;
	v0 =	vadd.f32 v1, v0  }
0xc7: {  	s5 =	sshll.u32 s5, $0x4  }
0xc8: {  	p0 =	seq.s32 s1, $0x0;
	s5 =	sadd.s32 s6, s5;
	[tilespmem:s8+$0xB0] =	vst v0;
	s8 =	sshll.u32 s1, $0x2  }
0xc9: {  	[hbm4b:s5+s2] =	stream.linear.scatter [tilespmem:s2], [sflag:$0x5], $0x4000, $0x38;
	[tilespmem:$0x19800] =	vst v63  }
0xca: {  	s10 =	simm.s32 @!p0 $0x7;
	s16 =	sor.u32 $0x2, s8  }
0xcb: {  	_ =	swait.ge @!p0 [sflag:s10], $0x4000;
	s5 =	sshll.u32 s16, $0x7  }
0xcc: {  	[sflag:s10] =	ssyncset.done @!p0 $0x0;
	s13 =	sand.u32 $0x3FFFFF80, s5  }
0xcd: {  	s21 =	simm.s32 $0x8000;
	[sflag:s10] =	ssyncadd.s32 @!p0 $0xFFFFC000;
	s18 =	sadd.s32 $0x10000, s13  }
0xce: {  	[tilespmem:s21], [sflag:$0x3] =	stream.indirect.gather [hbm4b:s4+s15], $0x80, s18, s15, $0xb8;
	[tilespmem:$0x19800] =	vst v63  }
0xcf: {  	_ =	swait.ge [sflag:s17], $0x4000  }
0xd0: {  	s23 =	rddreg [dreg:$0x5]  }
0xd1: {  	s10 =	sadd.s32 $0x0, s23  }
0xd2: {  	s13 =	sadd.s32 $0x80, s10  }
0xd3: {  	s21 =	sadd.s32 $0xFFFFFFB8, s10;
	p1 =	sgt.u32 s13, $0xC7  }
0xd4: {  	s13 =	smov.u32 @p1 s21  }
0xd5: {  	s21 =	sand.u32 $0x1, s13  }
0xd6: {  	p1 =	slt.s32 s13, $0x1;
	p2 =	seq.s32 s21, $0x1  }
0xd7: {  	p1 =	por !p1, !p2  }
0xd8: {  	s21 =	simm.s32 $0x1;
	p1 =	por !p1, !p1  }
0xd9: {  	s23 =	sshrl.u32 s13, $0x1;
	s21 =	simm.s32 @!p1 $0x0  }
0xda: {  	[sflag:s17] =	ssyncset.done $0x0;
	s21 =	ssub.s32 s23, s21  }
0xdb: {  	[sflag:s17] =	ssyncadd.s32 $0xFFFFC000;
	s13 =	sshll.u32 s13, $0x6;
	s23 =	sshll.u32 s21, $0x9  }
0xdc: {  	s13 =	sand.u32 $0x40, s13;
	s21 =	simm.s32 $0x4100;
	s23 =	sshra.s32 s23, $0x2  }
0xdd: {  	v0 =	vld [tilespmem:s21+$0xFFFFFF00];
	s13 =	sor.u32 s13, s23  }
0xde: {  	v1 =	vld [tilespmem:s13+$0x16400];
	_ =	sdelay $0x4  }
0xdf: {  	v0 =	vadd.f32 v1, v0;
	_ =	sdelay $0x1  }
0xe0: {  	s13 =	sadd.s32 $0x16400, s13;
	[tilespmem:s21+$0xFFFFFF00] =	vst v0;
	v0 =	vld [tilespmem:s21+$0xFFFFFF10]  }
0xe1: {  	v1 =	vld [tilespmem:s13+$0x10];
	_ =	sdelay $0x4  }
0xe2: {  	v0 =	vadd.f32 v1, v0;
	_ =	sdelay $0x1  }
0xe3: {  	[tilespmem:s21+$0xFFFFFF10] =	vst v0;
	v0 =	vld [tilespmem:s21+$0xFFFFFF20]  }
0xe4: {  	v1 =	vld [tilespmem:s13+$0x20];
	_ =	sdelay $0x4  }
0xe5: {  	v0 =	vadd.f32 v1, v0;
	_ =	sdelay $0x1  }
0xe6: {  	[tilespmem:s21+$0xFFFFFF20] =	vst v0;
	v0 =	vld [tilespmem:s21+$0xFFFFFF30]  }
0xe7: {  	v1 =	vld [tilespmem:s13+$0x30];
	_ =	sdelay $0x2  }
0xe8: {  	s24 =	sadd.s32 $0x81, s10  }
0xe9: {  	p1 =	sgt.u32 s24, $0xC7;
	s13 =	rddreg [dreg:$0x6]  }
0xea: {  	s13 =	simm.s32 @!p1 $0x2040;
	v0 =	vadd.f32 v1, v0  }
0xeb: {  	s13 =	sadd.s32 s13, s7  }
0xec: {  	s13 =	sand.u32 $0xFFFFFFC0, s13;
	[tilespmem:s21+$0xFFFFFF30] =	vst v0;
	v0 =	vld [tilespmem:s21+$0xFFFFFF80]  }
0xed: {  	v1 =	vld [tilespmem:s13+$0x16400];
	_ =	sdelay $0x4  }
0xee: {  	v0 =	vadd.f32 v1, v0;
	_ =	sdelay $0x1  }
0xef: {  	s13 =	sadd.s32 $0x16400, s13;
	[tilespmem:s21+$0xFFFFFF80] =	vst v0;
	v0 =	vld [tilespmem:s21+$0xFFFFFF90]  }
0xf0: {  	v1 =	vld [tilespmem:s13+$0x10];
	_ =	sdelay $0x4  }
0xf1: {  	v0 =	vadd.f32 v1, v0;
	_ =	sdelay $0x1  }
0xf2: {  	[tilespmem:s21+$0xFFFFFF90] =	vst v0;
	v0 =	vld [tilespmem:s21+$0xFFFFFFA0]  }
0xf3: {  	v1 =	vld [tilespmem:s13+$0x20];
	_ =	sdelay $0x4  }
0xf4: {  	v0 =	vadd.f32 v1, v0;
	_ =	sdelay $0x1  }
0xf5: {  	[tilespmem:s21+$0xFFFFFFA0] =	vst v0;
	v0 =	vld [tilespmem:s21+$0xFFFFFFB0]  }
0xf6: {  	v1 =	vld [tilespmem:s13+$0x30];
	_ =	sdelay $0x1  }
0xf7: {  	s13 =	sadd.s32 $0x82, s10  }
0xf8: {  	s23 =	sadd.s32 $0xFFFFFFBA, s10;
	p1 =	sgt.u32 s13, $0xC7  }
0xf9: {  	s13 =	smov.u32 @p1 s23  }
0xfa: {  	s23 =	sshll.u32 s13, $0x6;
	s13 =	sshll.u32 s13, $0x8;
	v0 =	vadd.f32 v1, v0  }
0xfb: {  	s23 =	sand.u32 $0x40, s23;
	s13 =	sshra.s32 s13, $0x2  }
0xfc: {  	s13 =	sor.u32 s23, s13;
	[tilespmem:s21+$0xFFFFFFB0] =	vst v0;
	v0 =	vld [tilespmem:s21+$0x0]  }
0xfd: {  	v1 =	vld [tilespmem:s13+$0x16400];
	_ =	sdelay $0x4  }
0xfe: {  	v0 =	vadd.f32 v1, v0;
	_ =	sdelay $0x1  }
0xff: {  	s13 =	sadd.s32 $0x16400, s13;
	[tilespmem:s21+$0x0] =	vst v0;
	v0 =	vld [tilespmem:s21+$0x10]  }
0x100: {  	v1 =	vld [tilespmem:s13+$0x10];
	_ =	sdelay $0x4  }
0x101: {  	v0 =	vadd.f32 v1, v0;
	_ =	sdelay $0x1  }
0x102: {  	[tilespmem:s21+$0x10] =	vst v0;
	v0 =	vld [tilespmem:s21+$0x20]  }
0x103: {  	v1 =	vld [tilespmem:s13+$0x20];
	_ =	sdelay $0x4  }
0x104: {  	v0 =	vadd.f32 v1, v0;
	_ =	sdelay $0x1  }
0x105: {  	[tilespmem:s21+$0x20] =	vst v0;
	v0 =	vld [tilespmem:s21+$0x30]  }
0x106: {  	v1 =	vld [tilespmem:s13+$0x30];
	_ =	sdelay $0x2  }
0x107: {  	s10 =	sadd.s32 $0x83, s10  }
0x108: {  	p1 =	sgt.u32 s10, $0xC7;
	s13 =	rddreg [dreg:$0x7]  }
0x109: {  	s13 =	simm.s32 @!p1 $0x20C0;
	v0 =	vadd.f32 v1, v0  }
0x10a: {  	s25 =	sadd.s32 s13, s7  }
0x10b: {  	s10 =	sand.u32 $0xFFFFFFC0, s25;
	[tilespmem:s21+$0x30] =	vst v0;
	v0 =	vld [tilespmem:s21+$0x80]  }
0x10c: {  	v1 =	vld [tilespmem:s10+$0x16400];
	_ =	sdelay $0x4  }
0x10d: {  	v0 =	vadd.f32 v1, v0;
	_ =	sdelay $0x1  }
0x10e: {  	s13 =	sadd.s32 $0x16400, s10;
	[tilespmem:s21+$0x80] =	vst v0;
	v0 =	vld [tilespmem:s21+$0x90]  }
0x10f: {  	v1 =	vld [tilespmem:s13+$0x10];
	_ =	sdelay $0x4  }
0x110: {  	v0 =	vadd.f32 v1, v0;
	_ =	sdelay $0x1  }
0x111: {  	s24 =	simm.s32 $0x4100;
	s23 =	sor.u32 $0x80, s11;
	s10 =	simm.s32 $0x4;
	[tilespmem:s21+$0x90] =	vst v0;
	v0 =	vld [tilespmem:s21+$0xA0]  }
.LBB2_5:
0x112: {  	v1 =	vld [tilespmem:s13+$0x20];
	_ =	sdelay $0x1  }
0x113: {  	s25 =	rddreg [dreg:$0x5]  }
0x114: {  	s25 =	sadd.s32 s10, s25  }
0x115: {  	s16 =	sadd.s32 $0x80, s25  }
0x116: {  	s18 =	sadd.s32 $0xFFFFFFB8, s25;
	p2 =	sgt.u32 s16, $0xC7;
	v0 =	vadd.f32 v1, v0  }
0x117: {  	s16 =	smov.u32 @p2 s18  }
0x118: {  	s18 =	sand.u32 $0x1, s16;
	[tilespmem:s21+$0xA0] =	vst v0;
	v0 =	vld [tilespmem:s21+$0xB0]  }
0x119: {  	p2 =	slt.s32 s16, $0x1;
	p3 =	seq.s32 s18, $0x1;
	v1 =	vld [tilespmem:s13+$0x30]  }
0x11a: {  	p2 =	por !p2, !p3  }
0x11b: {  	s18 =	simm.s32 $0x1;
	p2 =	por !p2, !p2  }
0x11c: {  	s13 =	sshrl.u32 s16, $0x1;
	s18 =	simm.s32 @!p2 $0x0  }
0x11d: {  	s13 =	ssub.s32 s13, s18  }
0x11e: {  	s16 =	sshll.u32 s16, $0x6;
	s13 =	sshll.u32 s13, $0x9;
	v0 =	vadd.f32 v1, v0  }
0x11f: {  	s21 =	sadd.s32 $0x200, s21;
	s16 =	sand.u32 $0x40, s16;
	s13 =	sshra.s32 s13, $0x2  }
0x120: {  	v1 =	vld [tilespmem:s21+$0xFFFFFF00];
	s13 =	sor.u32 s16, s13;
	[tilespmem:s24+$0xB0] =	vst v0  }
0x121: {  	v0 =	vld [tilespmem:s13+$0x16400];
	_ =	sdelay $0x4  }
0x122: {  	v0 =	vadd.f32 v0, v1;
	_ =	sdelay $0x1  }
0x123: {  	s13 =	sadd.s32 $0x16400, s13;
	[tilespmem:s21+$0xFFFFFF00] =	vst v0;
	v0 =	vld [tilespmem:s21+$0xFFFFFF10]  }
0x124: {  	v1 =	vld [tilespmem:s13+$0x10];
	_ =	sdelay $0x4  }
0x125: {  	v0 =	vadd.f32 v1, v0;
	_ =	sdelay $0x1  }
0x126: {  	[tilespmem:s21+$0xFFFFFF10] =	vst v0;
	v0 =	vld [tilespmem:s21+$0xFFFFFF20]  }
0x127: {  	v1 =	vld [tilespmem:s13+$0x20];
	_ =	sdelay $0x4  }
0x128: {  	v0 =	vadd.f32 v1, v0;
	_ =	sdelay $0x1  }
0x129: {  	[tilespmem:s21+$0xFFFFFF20] =	vst v0;
	v0 =	vld [tilespmem:s21+$0xFFFFFF30]  }
0x12a: {  	v1 =	vld [tilespmem:s13+$0x30];
	_ =	sdelay $0x2  }
0x12b: {  	s18 =	sadd.s32 $0x81, s25  }
0x12c: {  	p2 =	sgt.u32 s18, $0xC7;
	s13 =	rddreg [dreg:$0x6]  }
0x12d: {  	s7 =	sadd.s32 $0x100, s7;
	s13 =	simm.s32 @!p2 $0x2040;
	v0 =	vadd.f32 v1, v0  }
0x12e: {  	s13 =	sadd.s32 s13, s7  }
0x12f: {  	s13 =	sand.u32 $0xFFFFFFC0, s13;
	[tilespmem:s21+$0xFFFFFF30] =	vst v0;
	v0 =	vld [tilespmem:s21+$0xFFFFFF80]  }
0x130: {  	v1 =	vld [tilespmem:s13+$0x16400];
	_ =	sdelay $0x4  }
0x131: {  	v0 =	vadd.f32 v1, v0;
	_ =	sdelay $0x1  }
0x132: {  	s13 =	sadd.s32 $0x16400, s13;
	[tilespmem:s21+$0xFFFFFF80] =	vst v0;
	v0 =	vld [tilespmem:s21+$0xFFFFFF90]  }
0x133: {  	v1 =	vld [tilespmem:s13+$0x10];
	_ =	sdelay $0x4  }
0x134: {  	v0 =	vadd.f32 v1, v0;
	_ =	sdelay $0x1  }
0x135: {  	[tilespmem:s21+$0xFFFFFF90] =	vst v0;
	v0 =	vld [tilespmem:s21+$0xFFFFFFA0]  }
0x136: {  	v1 =	vld [tilespmem:s13+$0x20];
	_ =	sdelay $0x4  }
0x137: {  	v0 =	vadd.f32 v1, v0;
	_ =	sdelay $0x1  }
0x138: {  	[tilespmem:s21+$0xFFFFFFA0] =	vst v0;
	v0 =	vld [tilespmem:s21+$0xFFFFFFB0]  }
0x139: {  	v1 =	vld [tilespmem:s13+$0x30];
	_ =	sdelay $0x1  }
0x13a: {  	s13 =	sadd.s32 $0x82, s25  }
0x13b: {  	s16 =	sadd.s32 $0xFFFFFFBA, s25;
	p2 =	sgt.u32 s13, $0xC7  }
0x13c: {  	s13 =	smov.u32 @p2 s16  }
0x13d: {  	s16 =	sshll.u32 s13, $0x6;
	s13 =	sshll.u32 s13, $0x8;
	v0 =	vadd.f32 v1, v0  }
0x13e: {  	s16 =	sand.u32 $0x40, s16;
	s13 =	sshra.s32 s13, $0x2  }
0x13f: {  	s13 =	sor.u32 s16, s13;
	[tilespmem:s21+$0xFFFFFFB0] =	vst v0;
	v0 =	vld [tilespmem:s21+$0x0]  }
0x140: {  	v1 =	vld [tilespmem:s13+$0x16400];
	_ =	sdelay $0x4  }
0x141: {  	v0 =	vadd.f32 v1, v0;
	_ =	sdelay $0x1  }
0x142: {  	s13 =	sadd.s32 $0x16400, s13;
	[tilespmem:s21+$0x0] =	vst v0;
	v0 =	vld [tilespmem:s21+$0x10]  }
0x143: {  	v1 =	vld [tilespmem:s13+$0x10];
	_ =	sdelay $0x4  }
0x144: {  	v0 =	vadd.f32 v1, v0;
	_ =	sdelay $0x1  }
0x145: {  	[tilespmem:s21+$0x10] =	vst v0;
	v0 =	vld [tilespmem:s21+$0x20]  }
0x146: {  	v1 =	vld [tilespmem:s13+$0x20];
	_ =	sdelay $0x4  }
0x147: {  	v0 =	vadd.f32 v1, v0;
	_ =	sdelay $0x1  }
0x148: {  	[tilespmem:s21+$0x20] =	vst v0;
	v0 =	vld [tilespmem:s21+$0x30]  }
0x149: {  	v1 =	vld [tilespmem:s13+$0x30];
	_ =	sdelay $0x2  }
0x14a: {  	s25 =	sadd.s32 $0x83, s25  }
0x14b: {  	p2 =	sgt.u32 s25, $0xC7;
	s13 =	rddreg [dreg:$0x7]  }
0x14c: {  	s13 =	simm.s32 @!p2 $0x20C0;
	v0 =	vadd.f32 v1, v0  }
0x14d: {  	s13 =	sadd.s32 s13, s7  }
0x14e: {  	s13 =	sand.u32 $0xFFFFFFC0, s13;
	[tilespmem:s21+$0x30] =	vst v0;
	v0 =	vld [tilespmem:s21+$0x80]  }
0x14f: {  	v1 =	vld [tilespmem:s13+$0x16400];
	_ =	sdelay $0x4  }
0x150: {  	v0 =	vadd.f32 v1, v0;
	_ =	sdelay $0x1  }
0x151: {  	s13 =	sadd.s32 $0x16400, s13;
	[tilespmem:s21+$0x80] =	vst v0;
	v0 =	vld [tilespmem:s21+$0x90]  }
0x152: {  	v1 =	vld [tilespmem:s13+$0x10];
	_ =	sdelay $0x1  }
0x153: {  	p1 =	slt.u32 s10, $0x7C  }
.Ltmp3:
0x154: {  	_ = 	snop;
	(pc) =	sbr.rel @p1 .LBB2_5-.Ltmp3, $3  }
0x155: {  	_ = 	snop  }
0x156: {  	v0 =	vadd.f32 v1, v0;
	_ =	sdelay $0x1  }
0x157: {  	s10 =	sadd.s32 $0x4, s10;
	s24 =	smov.u32 s21;
	[tilespmem:s21+$0x90] =	vst v0;
	v0 =	vld [tilespmem:s21+$0xA0]  }
0x158: {  	v1 =	vld [tilespmem:s13+$0x20];
	_ =	sdelay $0x4  }
0x159: {  	v0 =	vadd.f32 v1, v0;
	_ =	sdelay $0x1  }
0x15a: {  	[tilespmem:s21+$0xA0] =	vst v0;
	v0 =	vld [tilespmem:s21+$0xB0]  }
0x15b: {  	v1 =	vld [tilespmem:s13+$0x30];
	_ =	sdelay $0x4  }
0x15c: {  	s7 =	sadd.s32 s3, s23;
	v0 =	vadd.f32 v1, v0  }
0x15d: {  	s16 =	sor.u32 $0x3, s8;
	s7 =	sshll.u32 s7, $0x4  }
0x15e: {  	s8 =	simm.s32 @!p0 $0x8;
	s7 =	sadd.s32 s6, s7;
	[tilespmem:s24+$0xB0] =	vst v0;
	s24 =	simm.s32 $0x4000  }
0x15f: {  	[hbm4b:s7+s2] =	stream.linear.scatter [tilespmem:s24], [sflag:$0x6], $0x4000, $0x38;
	[tilespmem:$0x19800] =	vst v63  }
0x160: {  	s7 =	sshll.u32 s16, $0x7;
	_ =	swait.ge @!p0 [sflag:s8], $0x4000  }
0x161: {  	s10 =	sand.u32 $0x3FFFFF80, s7;
	[sflag:s8] =	ssyncset.done @!p0 $0x0  }
0x162: {  	s25 =	simm.s32 $0xC000;
	s18 =	sadd.s32 $0x10000, s10;
	[sflag:s8] =	ssyncadd.s32 @!p0 $0xFFFFC000  }
0x163: {  	[tilespmem:s25], [sflag:$0x4] =	stream.indirect.gather [hbm4b:s4+s15], $0x80, s18, s15, $0xb8;
	[tilespmem:$0x19800] =	vst v63  }
0x164: {  	_ =	swait.ge [sflag:s19], $0x4000  }
0x165: {  	s21 =	rddreg [dreg:$0x8]  }
0x166: {  	s23 =	sadd.s32 $0xFFFFFFFC, s21  }
0x167: {  	s8 =	sadd.s32 $0x104, s23  }
0x168: {  	s13 =	rddreg [dreg:$0x9];
	[sflag:s19] =	ssyncset.done $0x0;
	p0 =	sgt.u32 s8, $0xC7  }
0x169: {  	[sflag:s19] =	ssyncadd.s32 $0xFFFFC000;
	s8 =	simm.s32 $0x8100;
	s13 =	simm.s32 @!p0 $0x4000  }
0x16a: {  	v0 =	vld [tilespmem:s8+$0xFFFFFF00];
	s13 =	sadd.s32 s13, s9  }
0x16b: {  	v1 =	vld [tilespmem:s13+$0x16400];
	_ =	sdelay $0x4  }
0x16c: {  	v0 =	vadd.f32 v1, v0;
	_ =	sdelay $0x1  }
0x16d: {  	[tilespmem:s8+$0xFFFFFF00] =	vst v0;
	v0 =	vld [tilespmem:s8+$0xFFFFFF10]  }
0x16e: {  	v1 =	vld [tilespmem:s13+$0x16410];
	_ =	sdelay $0x4  }
0x16f: {  	v0 =	vadd.f32 v1, v0;
	_ =	sdelay $0x1  }
0x170: {  	[tilespmem:s8+$0xFFFFFF10] =	vst v0;
	v0 =	vld [tilespmem:s8+$0xFFFFFF20]  }
0x171: {  	v1 =	vld [tilespmem:s13+$0x16420];
	_ =	sdelay $0x4  }
0x172: {  	s16 =	sadd.s32 $0x105, s23;
	v0 =	vadd.f32 v1, v0  }
0x173: {  	s18 =	sadd.s32 $0x3D, s23;
	p0 =	sgt.u32 s16, $0xC7  }
0x174: {  	s16 =	smov.u32 @p0 s18;
	[tilespmem:s8+$0xFFFFFF20] =	vst v0;
	v0 =	vld [tilespmem:s8+$0xFFFFFF30]  }
0x175: {  	s18 =	sand.u32 $0x8000, s16;
	v1 =	vld [tilespmem:s13+$0x16430]  }
0x176: {  	s13 =	sshrl.u32 s18, $0xF  }
0x177: {  	s13 =	sadd.s32 s13, s16  }
0x178: {  	s13 =	sshll.u32 s13, $0x10  }
0x179: {  	s16 =	sshra.s32 s16, $0x1F;
	s13 =	sshra.s32 s13, $0x11  }
0x17a: {  	s13 =	sadd.s32 s13, s16;
	v0 =	vadd.f32 v1, v0  }
0x17b: {  	s13 =	sshll.u32 s13, $0x9  }
0x17c: {  	s13 =	sshra.s32 s13, $0x2;
	[tilespmem:s8+$0xFFFFFF30] =	vst v0;
	v0 =	vld [tilespmem:s8+$0xFFFFFF80]  }
0x17d: {  	v1 =	vld [tilespmem:s13+$0x16440];
	_ =	sdelay $0x4  }
0x17e: {  	v0 =	vadd.f32 v1, v0;
	_ =	sdelay $0x1  }
0x17f: {  	[tilespmem:s8+$0xFFFFFF80] =	vst v0;
	v0 =	vld [tilespmem:s8+$0xFFFFFF90]  }
0x180: {  	v1 =	vld [tilespmem:s13+$0x16450];
	_ =	sdelay $0x4  }
0x181: {  	v0 =	vadd.f32 v1, v0;
	_ =	sdelay $0x1  }
0x182: {  	[tilespmem:s8+$0xFFFFFF90] =	vst v0;
	v0 =	vld [tilespmem:s8+$0xFFFFFFA0]  }
0x183: {  	v1 =	vld [tilespmem:s13+$0x16460];
	_ =	sdelay $0x4  }
0x184: {  	v0 =	vadd.f32 v1, v0;
	_ =	sdelay $0x1  }
0x185: {  	[tilespmem:s8+$0xFFFFFFA0] =	vst v0;
	v0 =	vld [tilespmem:s8+$0xFFFFFFB0]  }
0x186: {  	v1 =	vld [tilespmem:s13+$0x16470];
	_ =	sdelay $0x3  }
0x187: {  	s21 =	sadd.s32 $0x106, s23  }
0x188: {  	p0 =	sgt.u32 s21, $0xC7;
	s13 =	rddreg [dreg:$0xa];
	v0 =	vadd.f32 v1, v0  }
0x189: {  	s13 =	simm.s32 @!p0 $0x4080  }
0x18a: {  	s13 =	sadd.s32 s13, s9;
	[tilespmem:s8+$0xFFFFFFB0] =	vst v0;
	v0 =	vld [tilespmem:s8+$0x0]  }
0x18b: {  	v1 =	vld [tilespmem:s13+$0x16400];
	_ =	sdelay $0x4  }
0x18c: {  	v0 =	vadd.f32 v1, v0;
	_ =	sdelay $0x1  }
0x18d: {  	[tilespmem:s8+$0x0] =	vst v0;
	v0 =	vld [tilespmem:s8+$0x10]  }
0x18e: {  	v1 =	vld [tilespmem:s13+$0x16410];
	_ =	sdelay $0x4  }
0x18f: {  	v0 =	vadd.f32 v1, v0;
	_ =	sdelay $0x1  }
0x190: {  	[tilespmem:s8+$0x10] =	vst v0;
	v0 =	vld [tilespmem:s8+$0x20]  }
0x191: {  	v1 =	vld [tilespmem:s13+$0x16420];
	_ =	sdelay $0x4  }
0x192: {  	s16 =	sadd.s32 $0x107, s23;
	v0 =	vadd.f32 v1, v0  }
0x193: {  	s10 =	sadd.s32 $0x3F, s23;
	p0 =	sgt.u32 s16, $0xC7  }
0x194: {  	s16 =	smov.u32 @p0 s10;
	[tilespmem:s8+$0x20] =	vst v0;
	v0 =	vld [tilespmem:s8+$0x30]  }
0x195: {  	s10 =	sand.u32 $0x8000, s16;
	v1 =	vld [tilespmem:s13+$0x16430]  }
0x196: {  	s10 =	sshrl.u32 s10, $0xF  }
0x197: {  	s10 =	sadd.s32 s10, s16  }
0x198: {  	s10 =	sshll.u32 s10, $0x10  }
0x199: {  	s23 =	sshra.s32 s16, $0x1F;
	s10 =	sshra.s32 s10, $0x11  }
0x19a: {  	s10 =	sadd.s32 s10, s23;
	v0 =	vadd.f32 v1, v0  }
0x19b: {  	s10 =	sshll.u32 s10, $0x9  }
0x19c: {  	s23 =	sshra.s32 s10, $0x2;
	[tilespmem:s8+$0x30] =	vst v0;
	v0 =	vld [tilespmem:s8+$0x80]  }
0x19d: {  	v1 =	vld [tilespmem:s23+$0x16440];
	_ =	sdelay $0x4  }
0x19e: {  	v0 =	vadd.f32 v1, v0;
	_ =	sdelay $0x1  }
0x19f: {  	[tilespmem:s8+$0x80] =	vst v0;
	v0 =	vld [tilespmem:s8+$0x90]  }
0x1a0: {  	v1 =	vld [tilespmem:s23+$0x16450];
	_ =	sdelay $0x4  }
0x1a1: {  	v0 =	vadd.f32 v1, v0;
	_ =	sdelay $0x1  }
0x1a2: {  	[tilespmem:s8+$0x90] =	vst v0;
	v0 =	vld [tilespmem:s8+$0xA0]  }
0x1a3: {  	v1 =	vld [tilespmem:s23+$0x16460];
	_ =	sdelay $0x4  }
0x1a4: {  	v0 =	vadd.f32 v1, v0;
	_ =	sdelay $0x1  }
0x1a5: {  	s21 =	simm.s32 $0x0;
	s10 =	simm.s32 $0x8100;
	[tilespmem:s8+$0xA0] =	vst v0;
	v0 =	vld [tilespmem:s8+$0xB0]  }
.LBB2_7:
0x1a6: {  	v1 =	vld [tilespmem:s23+$0x16470];
	_ =	sdelay $0x1  }
0x1a7: {  	s13 =	rddreg [dreg:$0x8];
	s16 =	smov.u32 s21  }
0x1a8: {  	s23 =	sadd.s32 s16, s13  }
0x1a9: {  	s16 =	sadd.s32 $0x104, s23  }
0x1aa: {  	s13 =	rddreg [dreg:$0x9];
	p1 =	sgt.u32 s16, $0xC7;
	v0 =	vadd.f32 v1, v0  }
0x1ab: {  	s9 =	sadd.s32 $0x100, s9;
	s8 =	sadd.s32 $0x200, s8;
	s13 =	simm.s32 @!p1 $0x4000  }
0x1ac: {  	v1 =	vld [tilespmem:s8+$0xFFFFFF00];
	s13 =	sadd.s32 s13, s9;
	[tilespmem:s10+$0xB0] =	vst v0  }
0x1ad: {  	v0 =	vld [tilespmem:s13+$0x16400];
	_ =	sdelay $0x4  }
0x1ae: {  	v0 =	vadd.f32 v0, v1;
	_ =	sdelay $0x1  }
0x1af: {  	[tilespmem:s8+$0xFFFFFF00] =	vst v0;
	v0 =	vld [tilespmem:s8+$0xFFFFFF10]  }
0x1b0: {  	v1 =	vld [tilespmem:s13+$0x16410];
	_ =	sdelay $0x4  }
0x1b1: {  	v0 =	vadd.f32 v1, v0;
	_ =	sdelay $0x1  }
0x1b2: {  	[tilespmem:s8+$0xFFFFFF10] =	vst v0;
	v0 =	vld [tilespmem:s8+$0xFFFFFF20]  }
0x1b3: {  	v1 =	vld [tilespmem:s13+$0x16420];
	_ =	sdelay $0x4  }
0x1b4: {  	s16 =	sadd.s32 $0x105, s23;
	v0 =	vadd.f32 v1, v0  }
0x1b5: {  	s18 =	sadd.s32 $0x3D, s23;
	p1 =	sgt.u32 s16, $0xC7  }
0x1b6: {  	s16 =	smov.u32 @p1 s18;
	[tilespmem:s8+$0xFFFFFF20] =	vst v0;
	v0 =	vld [tilespmem:s8+$0xFFFFFF30]  }
0x1b7: {  	s18 =	sand.u32 $0x8000, s16;
	v1 =	vld [tilespmem:s13+$0x16430]  }
0x1b8: {  	s13 =	sshrl.u32 s18, $0xF  }
0x1b9: {  	s13 =	sadd.s32 s13, s16  }
0x1ba: {  	s13 =	sshll.u32 s13, $0x10  }
0x1bb: {  	s16 =	sshra.s32 s16, $0x1F;
	s13 =	sshra.s32 s13, $0x11  }
0x1bc: {  	s13 =	sadd.s32 s13, s16;
	v0 =	vadd.f32 v1, v0  }
0x1bd: {  	s13 =	sshll.u32 s13, $0x9  }
0x1be: {  	s13 =	sshra.s32 s13, $0x2;
	[tilespmem:s8+$0xFFFFFF30] =	vst v0;
	v0 =	vld [tilespmem:s8+$0xFFFFFF80]  }
0x1bf: {  	v1 =	vld [tilespmem:s13+$0x16440];
	_ =	sdelay $0x4  }
0x1c0: {  	v0 =	vadd.f32 v1, v0;
	_ =	sdelay $0x1  }
0x1c1: {  	[tilespmem:s8+$0xFFFFFF80] =	vst v0;
	v0 =	vld [tilespmem:s8+$0xFFFFFF90]  }
0x1c2: {  	v1 =	vld [tilespmem:s13+$0x16450];
	_ =	sdelay $0x4  }
0x1c3: {  	v0 =	vadd.f32 v1, v0;
	_ =	sdelay $0x1  }
0x1c4: {  	[tilespmem:s8+$0xFFFFFF90] =	vst v0;
	v0 =	vld [tilespmem:s8+$0xFFFFFFA0]  }
0x1c5: {  	v1 =	vld [tilespmem:s13+$0x16460];
	_ =	sdelay $0x4  }
0x1c6: {  	v0 =	vadd.f32 v1, v0;
	_ =	sdelay $0x1  }
0x1c7: {  	[tilespmem:s8+$0xFFFFFFA0] =	vst v0;
	v0 =	vld [tilespmem:s8+$0xFFFFFFB0]  }
0x1c8: {  	v1 =	vld [tilespmem:s13+$0x16470];
	_ =	sdelay $0x3  }
0x1c9: {  	s18 =	sadd.s32 $0x106, s23  }
0x1ca: {  	p1 =	sgt.u32 s18, $0xC7;
	s13 =	rddreg [dreg:$0xa];
	v0 =	vadd.f32 v1, v0  }
0x1cb: {  	s13 =	simm.s32 @!p1 $0x4080  }
0x1cc: {  	s13 =	sadd.s32 s13, s9;
	[tilespmem:s8+$0xFFFFFFB0] =	vst v0;
	v0 =	vld [tilespmem:s8+$0x0]  }
0x1cd: {  	v1 =	vld [tilespmem:s13+$0x16400];
	_ =	sdelay $0x4  }
0x1ce: {  	v0 =	vadd.f32 v1, v0;
	_ =	sdelay $0x1  }
0x1cf: {  	[tilespmem:s8+$0x0] =	vst v0;
	v0 =	vld [tilespmem:s8+$0x10]  }
0x1d0: {  	v1 =	vld [tilespmem:s13+$0x16410];
	_ =	sdelay $0x4  }
0x1d1: {  	v0 =	vadd.f32 v1, v0;
	_ =	sdelay $0x1  }
0x1d2: {  	[tilespmem:s8+$0x10] =	vst v0;
	v0 =	vld [tilespmem:s8+$0x20]  }
0x1d3: {  	v1 =	vld [tilespmem:s13+$0x16420];
	_ =	sdelay $0x4  }
0x1d4: {  	s16 =	sadd.s32 $0x107, s23;
	v0 =	vadd.f32 v1, v0  }
0x1d5: {  	s18 =	sadd.s32 $0x3F, s23;
	p1 =	sgt.u32 s16, $0xC7  }
0x1d6: {  	s16 =	smov.u32 @p1 s18;
	[tilespmem:s8+$0x20] =	vst v0;
	v0 =	vld [tilespmem:s8+$0x30]  }
0x1d7: {  	s23 =	sand.u32 $0x8000, s16;
	v1 =	vld [tilespmem:s13+$0x16430]  }
0x1d8: {  	s13 =	sshrl.u32 s23, $0xF  }
0x1d9: {  	s13 =	sadd.s32 s13, s16  }
0x1da: {  	s13 =	sshll.u32 s13, $0x10  }
0x1db: {  	s16 =	sshra.s32 s16, $0x1F;
	s13 =	sshra.s32 s13, $0x11  }
0x1dc: {  	s13 =	sadd.s32 s13, s16;
	v0 =	vadd.f32 v1, v0  }
0x1dd: {  	s13 =	sshll.u32 s13, $0x9  }
0x1de: {  	s23 =	sshra.s32 s13, $0x2;
	[tilespmem:s8+$0x30] =	vst v0;
	v0 =	vld [tilespmem:s8+$0x80]  }
0x1df: {  	v1 =	vld [tilespmem:s23+$0x16440];
	_ =	sdelay $0x4  }
0x1e0: {  	v0 =	vadd.f32 v1, v0;
	_ =	sdelay $0x1  }
0x1e1: {  	[tilespmem:s8+$0x80] =	vst v0;
	v0 =	vld [tilespmem:s8+$0x90]  }
0x1e2: {  	v1 =	vld [tilespmem:s23+$0x16450];
	_ =	sdelay $0x4  }
0x1e3: {  	v0 =	vadd.f32 v1, v0;
	_ =	sdelay $0x1  }
0x1e4: {  	[tilespmem:s8+$0x90] =	vst v0;
	v0 =	vld [tilespmem:s8+$0xA0]  }
0x1e5: {  	v1 =	vld [tilespmem:s23+$0x16460]  }
0x1e6: {  	s21 =	sadd.s32 $0x4, s21  }
0x1e7: {  	p0 =	slt.u32 s21, $0x7C  }
.Ltmp4:
0x1e8: {  	_ = 	snop;
	(pc) =	sbr.rel @p0 .LBB2_7-.Ltmp4, $3  }
0x1e9: {  	_ = 	snop  }
0x1ea: {  	v0 =	vadd.f32 v1, v0;
	_ =	sdelay $0x1  }
0x1eb: {  	s10 =	smov.u32 s8;
	[tilespmem:s8+$0xA0] =	vst v0;
	v0 =	vld [tilespmem:s8+$0xB0]  }
0x1ec: {  	v1 =	vld [tilespmem:s23+$0x16470];
	_ =	sdelay $0x4  }
0x1ed: {  	s5 =	sadd.s32 s3, s5;
	v0 =	vadd.f32 v1, v0  }
0x1ee: {  	s5 =	sshll.u32 s5, $0x4  }
0x1ef: {  	s8 =	simm.s32 $0x8000;
	p0 =	seq.s32 s1, $0x31;
	s5 =	sadd.s32 s6, s5;
	[tilespmem:s10+$0xB0] =	vst v0  }
0x1f0: {  	[hbm4b:s5+s2] =	stream.linear.scatter [tilespmem:s8], [sflag:$0x7], $0x4000, $0x38;
	[tilespmem:$0x19800] =	vst v63  }
0x1f1: {  	s5 =	simm.s32 @!p0 $0x5  }
0x1f2: {  	_ =	swait.ge @!p0 [sflag:s5], $0x4000  }
0x1f3: {  	s8 =	sshll.u32 @!p0 s1, $0x9;
	[sflag:s5] =	ssyncset.done @!p0 $0x0  }
0x1f4: {  	[sflag:s5] =	ssyncadd.s32 @!p0 $0xFFFFC000;
	s5 =	sand.u32 @!p0 $0x3FFFFE00, s8  }
0x1f5: {  	s9 =	simm.s32 @!p0 $0x0;
	s8 =	simm.s32 @!p0 $0x80;
	s5 =	sadd.s32 @!p0 $0x10200, s5  }
0x1f6: {  	[tilespmem:s9], [sflag:$0x1] =	stream.indirect.gather @!p0 [hbm4b:s4+s8], $0x80, s5, s8, $0xb8;
	[tilespmem:$0x19800] =	vst v63  }
0x1f7: {  	_ =	swait.ge [sflag:s20], $0x4000  }
0x1f8: {  	s13 =	rddreg [dreg:$0xb]  }
0x1f9: {  	s16 =	sadd.s32 $0xFFFFFFFC, s13  }
0x1fa: {  	s5 =	sadd.s32 $0x184, s16  }
0x1fb: {  	s9 =	rddreg [dreg:$0xc];
	[sflag:s20] =	ssyncset.done $0x0;
	p1 =	sgt.u32 s5, $0xC7  }
0x1fc: {  	[sflag:s20] =	ssyncadd.s32 $0xFFFFC000;
	s5 =	simm.s32 $0xC100;
	s9 =	simm.s32 @!p1 $0x6000  }
0x1fd: {  	v0 =	vld [tilespmem:s5+$0xFFFFFF00];
	s9 =	sadd.s32 s9, s12  }
0x1fe: {  	v1 =	vld [tilespmem:s9+$0x16400];
	_ =	sdelay $0x4  }
0x1ff: {  	v0 =	vadd.f32 v1, v0;
	_ =	sdelay $0x1  }
0x200: {  	[tilespmem:s5+$0xFFFFFF00] =	vst v0;
	v0 =	vld [tilespmem:s5+$0xFFFFFF10]  }
0x201: {  	v1 =	vld [tilespmem:s9+$0x16410];
	_ =	sdelay $0x4  }
0x202: {  	v0 =	vadd.f32 v1, v0;
	_ =	sdelay $0x1  }
0x203: {  	[tilespmem:s5+$0xFFFFFF10] =	vst v0;
	v0 =	vld [tilespmem:s5+$0xFFFFFF20]  }
0x204: {  	v1 =	vld [tilespmem:s9+$0x16420];
	_ =	sdelay $0x4  }
0x205: {  	s10 =	sadd.s32 $0x185, s16;
	v0 =	vadd.f32 v1, v0  }
0x206: {  	s13 =	sadd.s32 $0xBD, s16;
	p1 =	sgt.u32 s10, $0xC7  }
0x207: {  	s10 =	smov.u32 @p1 s13;
	[tilespmem:s5+$0xFFFFFF20] =	vst v0;
	v0 =	vld [tilespmem:s5+$0xFFFFFF30]  }
0x208: {  	s18 =	sand.u32 $0x8000, s10;
	v1 =	vld [tilespmem:s9+$0x16430]  }
0x209: {  	s9 =	sshrl.u32 s18, $0xF  }
0x20a: {  	s9 =	sadd.s32 s9, s10  }
0x20b: {  	s9 =	sshll.u32 s9, $0x10  }
0x20c: {  	s10 =	sshra.s32 s10, $0x1F;
	s9 =	sshra.s32 s9, $0x11  }
0x20d: {  	s9 =	sadd.s32 s9, s10;
	v0 =	vadd.f32 v1, v0  }
0x20e: {  	s9 =	sshll.u32 s9, $0x9  }
0x20f: {  	s9 =	sshra.s32 s9, $0x2;
	[tilespmem:s5+$0xFFFFFF30] =	vst v0;
	v0 =	vld [tilespmem:s5+$0xFFFFFF80]  }
0x210: {  	v1 =	vld [tilespmem:s9+$0x16440];
	_ =	sdelay $0x4  }
0x211: {  	v0 =	vadd.f32 v1, v0;
	_ =	sdelay $0x1  }
0x212: {  	[tilespmem:s5+$0xFFFFFF80] =	vst v0;
	v0 =	vld [tilespmem:s5+$0xFFFFFF90]  }
0x213: {  	v1 =	vld [tilespmem:s9+$0x16450];
	_ =	sdelay $0x4  }
0x214: {  	v0 =	vadd.f32 v1, v0;
	_ =	sdelay $0x1  }
0x215: {  	[tilespmem:s5+$0xFFFFFF90] =	vst v0;
	v0 =	vld [tilespmem:s5+$0xFFFFFFA0]  }
0x216: {  	v1 =	vld [tilespmem:s9+$0x16460];
	_ =	sdelay $0x4  }
0x217: {  	v0 =	vadd.f32 v1, v0;
	_ =	sdelay $0x1  }
0x218: {  	[tilespmem:s5+$0xFFFFFFA0] =	vst v0;
	v0 =	vld [tilespmem:s5+$0xFFFFFFB0]  }
0x219: {  	v1 =	vld [tilespmem:s9+$0x16470];
	_ =	sdelay $0x3  }
0x21a: {  	s21 =	sadd.s32 $0x186, s16  }
0x21b: {  	p1 =	sgt.u32 s21, $0xC7;
	s9 =	rddreg [dreg:$0xd];
	v0 =	vadd.f32 v1, v0  }
0x21c: {  	s9 =	simm.s32 @!p1 $0x6080  }
0x21d: {  	s9 =	sadd.s32 s9, s12;
	[tilespmem:s5+$0xFFFFFFB0] =	vst v0;
	v0 =	vld [tilespmem:s5+$0x0]  }
0x21e: {  	v1 =	vld [tilespmem:s9+$0x16400];
	_ =	sdelay $0x4  }
0x21f: {  	v0 =	vadd.f32 v1, v0;
	_ =	sdelay $0x1  }
0x220: {  	[tilespmem:s5+$0x0] =	vst v0;
	v0 =	vld [tilespmem:s5+$0x10]  }
0x221: {  	v1 =	vld [tilespmem:s9+$0x16410];
	_ =	sdelay $0x4  }
0x222: {  	v0 =	vadd.f32 v1, v0;
	_ =	sdelay $0x1  }
0x223: {  	[tilespmem:s5+$0x10] =	vst v0;
	v0 =	vld [tilespmem:s5+$0x20]  }
0x224: {  	v1 =	vld [tilespmem:s9+$0x16420];
	_ =	sdelay $0x4  }
0x225: {  	s10 =	sadd.s32 $0x187, s16;
	v0 =	vadd.f32 v1, v0  }
0x226: {  	s8 =	sadd.s32 $0xBF, s16;
	p1 =	sgt.u32 s10, $0xC7  }
0x227: {  	s10 =	smov.u32 @p1 s8;
	[tilespmem:s5+$0x20] =	vst v0;
	v0 =	vld [tilespmem:s5+$0x30]  }
0x228: {  	s8 =	sand.u32 $0x8000, s10;
	v1 =	vld [tilespmem:s9+$0x16430]  }
0x229: {  	s8 =	sshrl.u32 s8, $0xF  }
0x22a: {  	s8 =	sadd.s32 s8, s10  }
0x22b: {  	s8 =	sshll.u32 s8, $0x10  }
0x22c: {  	s23 =	sshra.s32 s10, $0x1F;
	s8 =	sshra.s32 s8, $0x11  }
0x22d: {  	s8 =	sadd.s32 s8, s23;
	v0 =	vadd.f32 v1, v0  }
0x22e: {  	s8 =	sshll.u32 s8, $0x9  }
0x22f: {  	s10 =	sshra.s32 s8, $0x2;
	[tilespmem:s5+$0x30] =	vst v0;
	v0 =	vld [tilespmem:s5+$0x80]  }
0x230: {  	v1 =	vld [tilespmem:s10+$0x16440];
	_ =	sdelay $0x4  }
0x231: {  	v0 =	vadd.f32 v1, v0;
	_ =	sdelay $0x1  }
0x232: {  	[tilespmem:s5+$0x80] =	vst v0;
	v0 =	vld [tilespmem:s5+$0x90]  }
0x233: {  	v1 =	vld [tilespmem:s10+$0x16450];
	_ =	sdelay $0x4  }
0x234: {  	v0 =	vadd.f32 v1, v0;
	_ =	sdelay $0x1  }
0x235: {  	[tilespmem:s5+$0x90] =	vst v0;
	v0 =	vld [tilespmem:s5+$0xA0]  }
0x236: {  	v1 =	vld [tilespmem:s10+$0x16460];
	_ =	sdelay $0x4  }
0x237: {  	v0 =	vadd.f32 v1, v0;
	_ =	sdelay $0x1  }
0x238: {  	s8 =	simm.s32 $0xC100;
	s9 =	simm.s32 $0x0;
	[tilespmem:s5+$0xA0] =	vst v0;
	v0 =	vld [tilespmem:s5+$0xB0]  }
.LBB2_9:
0x239: {  	v1 =	vld [tilespmem:s10+$0x16470];
	_ =	sdelay $0x1  }
0x23a: {  	s13 =	rddreg [dreg:$0xb];
	s16 =	smov.u32 s9  }
0x23b: {  	s10 =	sadd.s32 s16, s13  }
0x23c: {  	s16 =	sadd.s32 $0x184, s10  }
0x23d: {  	s13 =	rddreg [dreg:$0xc];
	p2 =	sgt.u32 s16, $0xC7;
	v0 =	vadd.f32 v1, v0  }
0x23e: {  	s12 =	sadd.s32 $0x100, s12;
	s5 =	sadd.s32 $0x200, s5;
	s13 =	simm.s32 @!p2 $0x6000  }
0x23f: {  	v1 =	vld [tilespmem:s5+$0xFFFFFF00];
	s13 =	sadd.s32 s13, s12;
	[tilespmem:s8+$0xB0] =	vst v0  }
0x240: {  	v0 =	vld [tilespmem:s13+$0x16400];
	_ =	sdelay $0x4  }
0x241: {  	v0 =	vadd.f32 v0, v1;
	_ =	sdelay $0x1  }
0x242: {  	[tilespmem:s5+$0xFFFFFF00] =	vst v0;
	v0 =	vld [tilespmem:s5+$0xFFFFFF10]  }
0x243: {  	v1 =	vld [tilespmem:s13+$0x16410];
	_ =	sdelay $0x4  }
0x244: {  	v0 =	vadd.f32 v1, v0;
	_ =	sdelay $0x1  }
0x245: {  	[tilespmem:s5+$0xFFFFFF10] =	vst v0;
	v0 =	vld [tilespmem:s5+$0xFFFFFF20]  }
0x246: {  	v1 =	vld [tilespmem:s13+$0x16420];
	_ =	sdelay $0x4  }
0x247: {  	s16 =	sadd.s32 $0x185, s10;
	v0 =	vadd.f32 v1, v0  }
0x248: {  	s18 =	sadd.s32 $0xBD, s10;
	p2 =	sgt.u32 s16, $0xC7  }
0x249: {  	s16 =	smov.u32 @p2 s18;
	[tilespmem:s5+$0xFFFFFF20] =	vst v0;
	v0 =	vld [tilespmem:s5+$0xFFFFFF30]  }
0x24a: {  	s18 =	sand.u32 $0x8000, s16;
	v1 =	vld [tilespmem:s13+$0x16430]  }
0x24b: {  	s13 =	sshrl.u32 s18, $0xF  }
0x24c: {  	s13 =	sadd.s32 s13, s16  }
0x24d: {  	s13 =	sshll.u32 s13, $0x10  }
0x24e: {  	s16 =	sshra.s32 s16, $0x1F;
	s13 =	sshra.s32 s13, $0x11  }
0x24f: {  	s13 =	sadd.s32 s13, s16;
	v0 =	vadd.f32 v1, v0  }
0x250: {  	s13 =	sshll.u32 s13, $0x9  }
0x251: {  	s13 =	sshra.s32 s13, $0x2;
	[tilespmem:s5+$0xFFFFFF30] =	vst v0;
	v0 =	vld [tilespmem:s5+$0xFFFFFF80]  }
0x252: {  	v1 =	vld [tilespmem:s13+$0x16440];
	_ =	sdelay $0x4  }
0x253: {  	v0 =	vadd.f32 v1, v0;
	_ =	sdelay $0x1  }
0x254: {  	[tilespmem:s5+$0xFFFFFF80] =	vst v0;
	v0 =	vld [tilespmem:s5+$0xFFFFFF90]  }
0x255: {  	v1 =	vld [tilespmem:s13+$0x16450];
	_ =	sdelay $0x4  }
0x256: {  	v0 =	vadd.f32 v1, v0;
	_ =	sdelay $0x1  }
0x257: {  	[tilespmem:s5+$0xFFFFFF90] =	vst v0;
	v0 =	vld [tilespmem:s5+$0xFFFFFFA0]  }
0x258: {  	v1 =	vld [tilespmem:s13+$0x16460];
	_ =	sdelay $0x4  }
0x259: {  	v0 =	vadd.f32 v1, v0;
	_ =	sdelay $0x1  }
0x25a: {  	[tilespmem:s5+$0xFFFFFFA0] =	vst v0;
	v0 =	vld [tilespmem:s5+$0xFFFFFFB0]  }
0x25b: {  	v1 =	vld [tilespmem:s13+$0x16470];
	_ =	sdelay $0x3  }
0x25c: {  	s21 =	sadd.s32 $0x186, s10  }
0x25d: {  	p2 =	sgt.u32 s21, $0xC7;
	s13 =	rddreg [dreg:$0xd];
	v0 =	vadd.f32 v1, v0  }
0x25e: {  	s13 =	simm.s32 @!p2 $0x6080  }
0x25f: {  	s13 =	sadd.s32 s13, s12;
	[tilespmem:s5+$0xFFFFFFB0] =	vst v0;
	v0 =	vld [tilespmem:s5+$0x0]  }
0x260: {  	v1 =	vld [tilespmem:s13+$0x16400];
	_ =	sdelay $0x4  }
0x261: {  	v0 =	vadd.f32 v1, v0;
	_ =	sdelay $0x1  }
0x262: {  	[tilespmem:s5+$0x0] =	vst v0;
	v0 =	vld [tilespmem:s5+$0x10]  }
0x263: {  	v1 =	vld [tilespmem:s13+$0x16410];
	_ =	sdelay $0x4  }
0x264: {  	v0 =	vadd.f32 v1, v0;
	_ =	sdelay $0x1  }
0x265: {  	[tilespmem:s5+$0x10] =	vst v0;
	v0 =	vld [tilespmem:s5+$0x20]  }
0x266: {  	v1 =	vld [tilespmem:s13+$0x16420];
	_ =	sdelay $0x4  }
0x267: {  	s16 =	sadd.s32 $0x187, s10;
	v0 =	vadd.f32 v1, v0  }
0x268: {  	s10 =	sadd.s32 $0xBF, s10;
	p2 =	sgt.u32 s16, $0xC7  }
0x269: {  	s16 =	smov.u32 @p2 s10;
	[tilespmem:s5+$0x20] =	vst v0;
	v0 =	vld [tilespmem:s5+$0x30]  }
0x26a: {  	s10 =	sand.u32 $0x8000, s16;
	v1 =	vld [tilespmem:s13+$0x16430]  }
0x26b: {  	s10 =	sshrl.u32 s10, $0xF  }
0x26c: {  	s10 =	sadd.s32 s10, s16  }
0x26d: {  	s10 =	sshll.u32 s10, $0x10  }
0x26e: {  	s23 =	sshra.s32 s16, $0x1F;
	s10 =	sshra.s32 s10, $0x11  }
0x26f: {  	s10 =	sadd.s32 s10, s23;
	v0 =	vadd.f32 v1, v0  }
0x270: {  	s10 =	sshll.u32 s10, $0x9  }
0x271: {  	s10 =	sshra.s32 s10, $0x2;
	[tilespmem:s5+$0x30] =	vst v0;
	v0 =	vld [tilespmem:s5+$0x80]  }
0x272: {  	v1 =	vld [tilespmem:s10+$0x16440];
	_ =	sdelay $0x4  }
0x273: {  	v0 =	vadd.f32 v1, v0;
	_ =	sdelay $0x1  }
0x274: {  	[tilespmem:s5+$0x80] =	vst v0;
	v0 =	vld [tilespmem:s5+$0x90]  }
0x275: {  	v1 =	vld [tilespmem:s10+$0x16450];
	_ =	sdelay $0x4  }
0x276: {  	v0 =	vadd.f32 v1, v0;
	_ =	sdelay $0x1  }
0x277: {  	[tilespmem:s5+$0x90] =	vst v0;
	v0 =	vld [tilespmem:s5+$0xA0]  }
0x278: {  	v1 =	vld [tilespmem:s10+$0x16460]  }
0x279: {  	s9 =	sadd.s32 $0x4, s9  }
0x27a: {  	p1 =	slt.u32 s9, $0x7C  }
.Ltmp5:
0x27b: {  	_ = 	snop;
	(pc) =	sbr.rel @p1 .LBB2_9-.Ltmp5, $3  }
0x27c: {  	_ = 	snop  }
0x27d: {  	v0 =	vadd.f32 v1, v0;
	_ =	sdelay $0x1  }
0x27e: {  	s8 =	smov.u32 s5;
	[tilespmem:s5+$0xA0] =	vst v0;
	v0 =	vld [tilespmem:s5+$0xB0]  }
0x27f: {  	v1 =	vld [tilespmem:s10+$0x16470];
	_ =	sdelay $0x3  }
.Ltmp6:
0x280: {  	_ = 	snop;
	(pc) =	sbr.rel @p0 .LBB2_12-.Ltmp6, $4  }
0x281: {  	s5 =	sadd.s32 s3, s7;
	v0 =	vadd.f32 v1, v0  }
0x282: {  	s5 =	sshll.u32 s5, $0x4  }
0x283: {  	s5 =	sadd.s32 s6, s5;
	[tilespmem:s8+$0xB0] =	vst v0  }
0x284: {  	[hbm4b:s5+s2] =	stream.linear.scatter [tilespmem:s25], [sflag:$0x8], $0x4000, $0x38;
	[tilespmem:$0x19800] =	vst v63  }
.Ltmp7:
0x285: {  	_ =	swait.ge [sflag:s22], $0x4000;
	s5 =	sand.u32 $0x3FFFFE00, s11;
	(pc) =	sbr.rel .LBB2_2-.Ltmp7, $4  }
0x286: {  	s1 =	sadd.s32 $0x1, s1;
	s0 =	sadd.s32 $0x200, s0;
	s31 =	sadd.s32 $0x8000, s31  }
0x287: {  	s30 =	sadd.s32 $0x200, s30;
	s29 =	sadd.s32 $0x200, s29;
	[sflag:s22] =	ssyncset.done $0x0  }
0x288: {  	s28 =	sadd.s32 $0x200, s28;
	s5 =	sadd.s32 $0x10280, s5;
	[sflag:s22] =	ssyncadd.s32 $0xFFFFC000  }
0x289: {  	[tilespmem:s24], [sflag:$0x2] =	stream.indirect.gather [hbm4b:s4+s15], $0x80, s5, s15, $0xb8;
	[tilespmem:$0x19800] =	vst v63  }
.LBB2_13:
0x28a: {  	_ =	sfence.sel $0x180000  }
0x28b: {  	[bflag:$0x0] =	sbarrier.arrive $0xFFFF  }
0x28c: {  	_ =	strace $0x90000047  }
0x28d: {  	s0 =	stileid.u32;
	[bflag:$0x2] =	sbarrier.arrive $0xFFFF  }
0x28e: {  	p0 =	sne.s32 s0, $0x0;
	s0 =	rddreg [dreg:$0x2]  }
0x28f: {  	s0 =	sadd.s32 @!p0 $0x100000, s0  }
0x290: {  	[sflag:s0] =	ssyncadd.tile.s32 @!p0 $0x1;
	_ =	shalt  }
.Lfunc_end2:
_tile_overlayer_lowered:
.L_overlay_start_2:
0x291: {  	(tag) =	ssettag $0x2  }
0x292: {  	s0 =	rddreg [dreg:$0x0];
	s2 =	stileid.u32  }
0x293: {  	s1 =	rddreg [dreg:$0x1];
	p0 =	sne.s32 s2, $0x0  }
0x294: {  	s3 =	rddreg [dreg:$0x2];
	[bflag:$0x3] =	sbarrier.arrive $0xFFFF;
	s2 =	simm.s32 @!p0 $0x1C09  }
0x295: {  	[timem:s3], [sflag:s2] =	dma.local @!p0 [hbm:s0], s1  }
0x296: {  	s0 =	simm.s32 @!p0 $0x9  }
0x297: {  	_ =	swait.ge @!p0 [sflag:s0], s1  }
0x298: {  	s1 =	ssub.s32 @!p0 $0x0, s1;
	[sflag:s0] =	ssyncset.done @!p0 $0x0  }
0x299: {  	[sflag:s0] =	ssyncadd.s32 @!p0 s1  }
0x29a: {  	[bflag:$0x3] =	sbarrier.arrive $0xFFFF  }
0x29b: {  	_ =	shalt  }

// kernel: sparse-core-data-format-call.cloned.1.call-start
scs
called_computation_lowered:
.L_overlay_start_0:
0x0: {  	s2 =	sld [smem:$0x3FD9]  }
0x1: {  	s3 =	sld [smem:$0x3FFE];
	_ =	sdelay $0x1  }
0x2: {  	s1 =	srdreg.scid  }
0x3: {  	s0 =	sand.u32 $0x1, s1  }
0x4: {  	s18 =	sshll.u32 s0, $0xA;
	s2 =	sadd.s32 s3, s2  }
0x5: {  	s2 =	sadd.s32 s2, s18  }
0x6: {  	[smem:$0x3FC6] =	sst s2  }
0x7: {  	_ = 	snop  }
0x8: {  	s2 =	sld [smem:$0x3FD0];
	(tm) =	ssettm $0x1  }
0x9: {  	s19 =	sld [smem:$0x3FFB];
	_ =	sdelay $0x3  }
0xa: {  	_ =	strace s19  }
0xb: {  	s3 =	sld [smem:$0x3FFC];
	_ =	sdelay $0x3  }
0xc: {  	_ =	strace s3  }
0xd: {  	s3 =	sld [smem:$0x3FFD];
	_ =	sdelay $0x3  }
0xe: {  	_ =	strace s3  }
0xf: {  	_ =	strace $0x8FFFFFFF  }
0x10: {  	s20 =	sld [smem:$0x3FDB];
	_ =	sdelay $0x1  }
0x11: {  	s4 =	simm.s32 $_scs_section_size  }
0x12: {  	s5 =	simm.s32 $_size__tile_overlayer_lowered;
	s6 =	simm.s32 $_tile_overlayer_lowered  }
0x13: {  	s23 =	simm.s32 $0x1BFF;
	s22 =	sshll.u32 s6, $0x1;
	s3 =	sadd.s32 s4, s20  }
0x14: {  	s7 =	simm.s32 $0x0;
	s21 =	sshll.u32 s5, $0x1;
	s5 =	sadd.s32 s22, s3  }
0x15: {  	[timem:s7], [sflag:s23] =	dma.local [hbm:s5], s21  }
0x16: {  	_ =	swait.ge [sflag:s23], s21  }
0x17: {  	s4 =	ssub.s32 $0x0, s21;
	[sflag:s23] =	ssyncset.done $0x0  }
0x18: {  	[sflag:s23] =	ssyncadd.s32 s4;
	_ =	sdelay $0x1  }
0x19: {  	s24 =	simm.s32 $0x1B8B  }
0x1a: {  	_ =	swait.ge [sflag:s24], $0x1  }
0x1b: {  	[sflag:s24] =	ssyncset.done $0x0  }
0x1c: {  	s26 =	simm.s32 $0x1B8E;
	s25 =	sld [smem:$0x3FFE];
	[sflag:s24] =	ssyncadd.s32 $0xFFFFFFFF  }
0x1d: {  	s27 =	simm.s32 $execute0_lowered;
	[smem:$0x3FD2] =	sst s26  }
0x1e: {  	s5 =	sshll.u32 s27, $0x1;
	_ =	strace $0x80000049;
	[dreg:$0x1] =	wrdreg $0xFFFFFFFF  }
0x1f: {  	s28 =	simm.s32 $_size_execute0_lowered;
	s3 =	sadd.s32 s3, s5;
	[dreg:$0x0] =	wrdreg $0x0  }
0x20: {  	s5 =	sshll.u32 s28, $0x1;
	[dreg:$0x2] =	wrdreg s3  }
0x21: {  	[dreg:$0x3] =	wrdreg s5  }
0x22: {  	[dreg:$0x4] =	wrdreg $0xC0  }
0x23: {  	_ =	task [dreg:s7], $0x5FFFF  }
0x24: {  	[dreg:$0x1] =	wrdreg $0xFFFFFFFF  }
0x25: {  	[dreg:$0x0] =	wrdreg $0x60  }
0x26: {  	[dreg:$0x2] =	wrdreg s25  }
0x27: {  	[dreg:$0x3] =	wrdreg s2  }
0x28: {  	[dreg:$0x4] =	wrdreg $0x9  }
0x29: {  	_ =	task.clear_ibuf [dreg:s7], $0x5FFFF;
	_ =	strace $0x90000049  }
0x2a: {  	s29 =	simm.s32 $0x9;
	_ =	strace $0x8000004B  }
0x2b: {  	_ =	swait.ge [sflag:s29], $0x1  }
0x2c: {  	[sflag:s29] =	ssyncadd.s32 $0xFFFFFFFF  }
0x2d: {  	_ =	strace $0x9000004B  }
0x2e: {  	_ =	sfence  }
0x2f: {  	s30 =	sld [smem:$0x0];
	_ =	sdelay $0x2  }
0x30: {  	s31 =	sshll.u32 s1, $0xD;
	s1 =	sshrl.u32 s1, $0x2  }
0x31: {  	s3 =	sand.u32 $0x4000, s31;
	s1 =	sadd.s32 s1, s30  }
0x32: {  	s0 =	sor.u32 s3, s0;
	s1 =	sshll.u32 s1, $0x11  }
0x33: {  	s0 =	sor.u32 s1, s0  }
0x34: {  	s0 =	sadd.s32 $0x8F2B, s0  }
0x35: {  	[sflag:s0] =	ssyncadd.remote.s32 $0x1  }
0x36: {  	_ =	sfence.sel $0xFFFF  }
0x37: {  	[dreg:$0x0] =	wrdreg $0xFFFFFFFF;
	(pc) =	sbr.abs _section_cstart, $3  }
0x38: {  	[dreg:$0x1] =	wrdreg $0xFFFFFFFF  }
0x39: {  	_ =	task.clear_ibuf [dreg:s7], $0x2FFFF;
	_ =	strace $0x9FFFFFFF  }
0x3a: {  	(tm) =	ssettm $0x7FFFFFFF  }
0x3b: {  	_ =	shalt  }
tec
execute0_lowered:
.L_overlay_start_1:
0x0: {  	(tag) =	ssettag $0x1  }
0x1: {  	s0 =	srdreg.scid  }
0x2: {  	s1 =	sshll.u32 s0, $0x4  }
0x3: {  	s0 =	stileid.u32;
	s1 =	sand.u32 $0x10, s1  }
0x4: {  	s1 =	sor.u32 s0, s1  }
0x5: {  	s6 =	rddreg [dreg:$0x0];
	s4 =	simm.s32 $0x1;
	s2 =	sshll.u32 s1, $0x7  }
0x6: {  	s7 =	simm.s32 $0x2;
	s12 =	simm.s32 $0x0;
	s1 =	ssub.s32 $0x1000, s2  }
0x7: {  	s8 =	simm.s32 $0x8000;
	s13 =	simm.s32 $0x0;
	s3 =	sand.u32 $0xF80, s1  }
0x8: {  	s9 =	simm.s32 $0x0;
	s5 =	sshrl.u32 s1, $0xC;
	p0 =	sne.s32 s3, $0x0  }
.Ltmp0:
0x9: {  	s1 =	rddreg [dreg:$0x2];
	s4 =	simm.s32 @!p0 $0x0;
	(pc) =	sbr.rel .LBB1_1-.Ltmp0, $4  }
0xa: {  	s11 =	simm.s32 $0x0;
	s3 =	rddreg [dreg:$0x1];
	s5 =	sadd.s32 s4, s5  }
0xb: {  	_ =	strace $0x8000004A;
	s4 =	simm.s32 $0x1;
	s5 =	smul.u32 $0xC8, s5  }
0xc: {  	s6 =	sadd.s32 $0x2200, s6;
	s10 =	smov.u32 s2;
	[sflag:s4] =	ssyncpa.u1 $0x0  }
0xd: {  	p0 =	por $0x0, $0x0;
	[sflag:s7] =	ssyncpa.u1 $0x0;
	s7 =	sor.u32 $0x1, s5  }
.LBB1_4:
0xe: {  	s16 =	sshll.u32 s13, $0x3;
	s17 =	sand.u32 $0x78, s13  }
0xf: {  	s30 =	sand.u32 $0x7E00, s13;
	s12 =	sshll.u32 s12, $0xF;
	s16 =	sand.u32 $0xC00, s16  }
0x10: {  	[tilespmem:s15+$0x810 ss:$0x81] =	vst.msk $0xffff, v2;
	s31 =	sand.u32 $0x7, s13;
	s16 =	sor.u32 s17, s16;
	s17 =	sadd.s32 s3, s30  }
0x11: {  	[tilespmem:s15+$0x1020 ss:$0x81] =	vst.msk $0xffff, v0;
	s13 =	sshll.u32 s31, $0x12;
	s12 =	sadd.s32 s12, s17;
	s16 =	sshrl.u32 s16, $0x3  }
0x12: {  	[tilespmem:s15+$0x0 ss:$0x81] =	vst.msk $0xffff, v1;
	s13 =	sor.u32 $0x400, s13;
	s12 =	sadd.s32 s16, s12  }
0x13: {  	[hbm4b:s12+s13] =	stream.strided.scatter [tilespmem:s14], [sflag:$0x2], $0x2000, s8, s13, $0x20;
	[tilespmem:$0x8080] =	vst v63  }
.LBB1_5:
0x14: {  	s14 =	sadd.s32 $0x1, s9  }
0x15: {  	s12 =	sadd.s32 $0x1000, s10;
	s16 =	smov.u32 s10;
	p2 =	sgt.s32 s14, $0xC7  }
0x16: {  	s16 =	smov.u32 @p2 s12  }
0x17: {  	s14 =	simm.s32 @p2 $0x0;
	p2 =	sgt.s32 s16, $0xFFF  }
0x18: {  	s16 =	smov.u32 @p2 s2;
	p2 =	sne.s32 s11, s7  }
.Ltmp1:
0x19: {  	p1 =	slt.u32 s11, $0x2;
	(pc) =	sbr.rel @!p2 .LBB1_6-.Ltmp1, $4  }
0x1a: {  	s15 =	simm.s32 @!p1 $0x2  }
0x1b: {  	s13 =	smov.u32 s10;
	p0 =	por !p0, !p0;
	_ =	swait.ge @!p1 [sflag:s15], $0x2000  }
0x1c: {  	s12 =	smov.u32 s9;
	[sflag:s15] =	ssyncset.done @!p1 $0x0;
	s9 =	smov.u32 s14  }
0x1d: {  	s11 =	sadd.s32 $0x1, s11;
	[sflag:s15] =	ssyncadd.s32 @!p1 $0xFFFFE000;
	s10 =	smov.u32 s16  }
.LBB1_1:
0x1e: {  	p1 =	sge.u32 s11, s5  }
0x1f: {  	s14 =	sand.u32 @!p1 $0x1FFFFFF, s9  }
0x20: {  	s15 =	smulhi.u32 @!p1 $0x147AE15, s14;
	_ =	sdelay $0x1  }
0x21: {  	s15 =	smul.u32 @!p1 $0xC8, s15  }
0x22: {  	s16 =	sxor.u32 @!p1 $0xFFFFFFFF, s11;
	s17 =	smul.u32 @!p1 $0xC80, s10  }
0x23: {  	s31 =	sadd.s32 $0xFFFFFFFF, s11;
	s16 =	sshll.u32 @!p1 s16, $0xD;
	s14 =	ssub.s32 @!p1 s14, s15  }
0x24: {  	s15 =	sand.u32 @!p1 $0x2000, s16;
	s16 =	sadd.s32 @!p1 s6, s17;
	s14 =	sshll.u32 @!p1 s14, $0x4  }
0x25: {  	s17 =	simm.s32 @!p1 $0x6400;
	s14 =	sadd.s32 @!p1 s14, s16;
	s16 =	simm.s32 @!p1 $0x40  }
0x26: {  	[tilespmem:s15], [sflag:$0x1] =	stream.strided.gather @!p1 [hbm4b:s14+s16], $0x2000, s17, s16, $0x38;
	[tilespmem:$0x8080] =	vst v63  }
0x27: {  	p1 =	sge.u32 s31, s5  }
.Ltmp2:
0x28: {  	_ = 	snop;
	(pc) =	sbr.rel @p1 .LBB1_5-.Ltmp2, $1  }
0x29: {  	_ =	sdelay $0x3  }
0x2a: {  	s14 =	simm.s32 $0x1  }
0x2b: {  	_ =	swait.ge [sflag:s4], $0x2000;
	s14 =	simm.s32 @!p0 $0x0  }
0x2c: {  	[sflag:s4] =	ssyncset.done $0x0;
	s15 =	sshll.u32 s14, $0xD  }
0x2d: {  	[sflag:s4] =	ssyncadd.s32 $0xFFFFE000;
	s18 =	sor.u32 $0x20, s15  }
0x2e: {  	s14 =	smul.u32 $0x8100, s14;
	v3 =	vld [tilespmem:s18+$0x10]  }
0x2f: {  	s30 =	sand.u32 $0x1, s11;
	v2 =	vld [tilespmem:s18+$0xFFFFFFF0]  }
0x30: {  	s15 =	smul.u32 $0x8100, s30;
	s14 =	sshrl.u32 s14, $0x2;
	v0 =	vld [tilespmem:s18+$0x0]  }
0x31: {  	v1 =	vld [tilespmem:s18+$0xFFFFFFE0];
	s16 =	sor.u32 $0x4000, s14  }
0x32: {  	s31 =	sshrl.u32 s15, $0x2;
	s15 =	sadd.s32 $0x0, s16  }
0x33: {  	s17 =	simm.s32 $0x4;
	s18 =	sadd.s32 $0x40, s18;
	s14 =	sor.u32 $0x4000, s31;
	[tilespmem:s15+$0x1830 ss:$0x81] =	vst.msk $0xffff, v3  }
.LBB1_3:
0x34: {  	v3 =	vld [tilespmem:s18+$0x10];
	p1 =	sne.s32 s17, $0x1FC;
	[tilespmem:s15+$0x810 ss:$0x81] =	vst.msk $0xffff, v2;
	s19 =	smov.u32 s17;
	s17 =	sadd.s32 $0x4, s17  }
.Ltmp3:
0x35: {  	v2 =	vld [tilespmem:s18+$0xFFFFFFF0];
	[tilespmem:s15+$0x1020 ss:$0x81] =	vst.msk $0xffff, v0;
	(pc) =	sbr.rel @p1 .LBB1_3-.Ltmp3, $4  }
0x36: {  	v0 =	vld [tilespmem:s18+$0x0];
	[tilespmem:s15+$0x0 ss:$0x81] =	vst.msk $0xffff, v1  }
0x37: {  	s15 =	sshra.s32 s19, $0x2;
	v1 =	vld [tilespmem:s18+$0xFFFFFFE0]  }
0x38: {  	s15 =	sadd.s32 s15, s16  }
0x39: {  	s18 =	sadd.s32 $0x40, s18;
	[tilespmem:s15+$0x1830 ss:$0x81] =	vst.msk $0xffff, v3  }
.Ltmp4:
0x3a: {  	_ = 	snop;
	(pc) =	sbr.rel .LBB1_4-.Ltmp4, $1  }
0x3b: {  	_ =	sdelay $0x3  }
.LBB1_6:
0x3c: {  	_ =	sfence.sel $0x180000  }
0x3d: {  	s2 =	simm.s32 $0x1;
	[bflag:$0x0] =	sbarrier.arrive $0xFFFF  }
0x3e: {  	s31 =	simm.s32 $0x2;
	[sflag:s2] =	ssyncpa.u1 $0x1  }
0x3f: {  	[sflag:s31] =	ssyncpa.u1 $0x1  }
0x40: {  	p0 =	sne.s32 s0, $0x0;
	_ =	strace $0x9000004A  }
0x41: {  	s0 =	sadd.s32 @!p0 $0x100000, s1;
	[bflag:$0x2] =	sbarrier.arrive $0xFFFF  }
0x42: {  	[sflag:s0] =	ssyncadd.tile.s32 @!p0 $0x1;
	_ =	shalt  }
.Lfunc_end1:
_tile_overlayer_lowered:
.L_overlay_start_2:
0x43: {  	(tag) =	ssettag $0x2  }
0x44: {  	s0 =	rddreg [dreg:$0x0];
	s2 =	stileid.u32  }
0x45: {  	s1 =	rddreg [dreg:$0x1];
	p0 =	sne.s32 s2, $0x0  }
0x46: {  	s3 =	rddreg [dreg:$0x2];
	[bflag:$0x3] =	sbarrier.arrive $0xFFFF;
	s2 =	simm.s32 @!p0 $0x1C01  }
0x47: {  	[timem:s3], [sflag:s2] =	dma.local @!p0 [hbm:s0], s1  }
0x48: {  	s0 =	simm.s32 @!p0 $0x1  }
0x49: {  	_ =	swait.ge @!p0 [sflag:s0], s1  }
0x4a: {  	s1 =	ssub.s32 @!p0 $0x0, s1;
	[sflag:s0] =	ssyncset.done @!p0 $0x0  }
0x4b: {  	[sflag:s0] =	ssyncadd.s32 @!p0 s1  }
0x4c: {  	[bflag:$0x3] =	sbarrier.arrive $0xFFFF  }
0x4d: {  	_ =	shalt  }

</sc_bundles>
